<compile_context>
chip_gen: v7x
topology: tpu7x:2x2x1
jax: 0.10.2.dev20260603
libtpu: 0.0.44.dev20260713+nightly
codegen_flags: <defaults>
</compile_context>

<pallas_src>
import numpy as np

import jax
import jax.numpy as jnp
from jax import lax
from jax.experimental import pallas as pl
from jax.experimental.pallas import tpu as pltpu
from jax.experimental.pallas import tpu_sc as plsc

_L = 200
_D = 128
_B = 1024
_NC, _NS = 2, 16
_NW = _NC * _NS
_SENT_W = _B // _NW
_LO = 128
_HI = _L - _LO
_NH = 2 * _SENT_W


def _pos_encoding_np():
    pos = np.arange(_L, dtype=np.float64)[:, None]
    i = np.arange(0, _D, 2, dtype=np.float64)
    div = np.exp(-np.log(10000.0) * i / _D)
    pe = np.zeros((_L, _D), dtype=np.float32)
    pe[:, 0::2] = np.sin(pos * div).astype(np.float32)
    pe[:, 1::2] = np.cos(pos * div).astype(np.float32)
    return pe


def _embed_body(table_hbm, x_hbm, pe_hbm, out_hbm,
                idx_v, pe_v, lo0, lo1, lo2, hi0, hi1, hi2, *sems):
    wid = lax.axis_index("s") * _NC + lax.axis_index("c")
    b0 = wid * _SENT_W

    lobufs, hibufs = (lo0, lo1, lo2), (hi0, hi1, hi2)
    glsems, ghsems = sems[0:3], sems[3:6]
    olsems, ohsems = sems[6:9], sems[9:12]
    pesem = sems[12]

    pltpu.sync_copy(x_hbm.at[pl.ds(b0, _SENT_W)], idx_v)
    pe_copy = pltpu.async_copy(pe_hbm, pe_v, pesem)

    def parts(h, s, par):
        j = h // 2
        r0 = (b0 + j) * _L
        if par == 0:
            return (table_hbm.at[idx_v.at[j, pl.ds(0, _LO)]],
                    lobufs[s], out_hbm.at[pl.ds(r0, _LO)],
                    glsems[s], olsems[s])
        return (table_hbm.at[idx_v.at[j, pl.ds(_LO, _HI)]],
                hibufs[s], out_hbm.at[pl.ds(r0 + _LO, _HI)],
                ghsems[s], ohsems[s])

    def g_start(h, s, par):
        src, buf, _, gsem, _ = parts(h, s, par)
        pltpu.async_copy(src, buf, gsem)

    def g_wait(h, s, par):
        src, buf, _, gsem, _ = parts(h, s, par)
        pltpu.make_async_copy(src, buf, gsem).wait()

    def o_start(h, s, par):
        _, buf, dst, _, osem = parts(h, s, par)
        pltpu.async_copy(buf, dst, osem)

    def o_wait(h, s, par):
        _, buf, dst, _, osem = parts(h, s, par)
        pltpu.make_async_copy(buf, dst, osem).wait()

    def add_pe(s, par):
        buf = (lobufs if par == 0 else hibufs)[s]
        r0, nr = (0, _LO) if par == 0 else (_LO, _HI)

        @pl.loop(0, nr)
        def _row(r):
            for c in range(_D // 16):
                sl = pl.ds(c * 16, 16)
                plsc.addupdate(buf.at[r, sl], pe_v[r0 + r, sl])

    def body(h, s, par, *, wait_out=True, start_next=True):
        if wait_out:
            o_wait(h - 4, (s + 1) % 3, par)
        if start_next:
            g_start(h + 2, (s + 1) % 3, par)
        g_wait(h, s, par)
        add_pe(s, par)
        o_start(h, s, par)

    def sp(hh):
        return (hh // 2) % 3, hh % 2

    g_start(0, 0, 0)
    g_start(1, 0, 1)
    pe_copy.wait()
    for hh in range(4):
        body(hh, *sp(hh), wait_out=False)

    @pl.loop(4, _NH - 6, step=6)
    def _six(h):
        for off in range(6):
            body(h + off, *sp(4 + off))

    for hh in range(_NH - 6, _NH):
        body(hh, *sp(hh), start_next=(hh + 2 < _NH))
    for hh in range(_NH - 4, _NH):
        o_wait(hh, *sp(hh))


def kernel(x, table):
    pe = jnp.asarray(_pos_encoding_np())
    mesh = plsc.VectorSubcoreMesh(core_axis_name="c", subcore_axis_name="s")
    run = pl.kernel(
        _embed_body,
        out_type=jax.ShapeDtypeStruct((_B * _L, _D), jnp.float32),
        mesh=mesh,
        scratch_types=[
            pltpu.VMEM((_SENT_W, _L), jnp.int32),
            pltpu.VMEM((_L, _D), jnp.float32),
            pltpu.VMEM((_LO, _D), jnp.float32),
            pltpu.VMEM((_LO, _D), jnp.float32),
            pltpu.VMEM((_LO, _D), jnp.float32),
            pltpu.VMEM((_HI, _D), jnp.float32),
            pltpu.VMEM((_HI, _D), jnp.float32),
            pltpu.VMEM((_HI, _D), jnp.float32),
        ] + [pltpu.SemaphoreType.DMA] * 13,
    )
    return run(table, x.astype(jnp.int32), pe).reshape(_B, _L, _D)

# --- scband reference (transcript-rebuilt; emitter-appended) ---
"""Pipeline reference for scband-sentence-embedding-67310727462978 (READ-ONLY COPY).

The authoritative reference and input builder live on the scoring server;
editing this copy changes nothing except your own understanding.
"""

import jax, jax.numpy as jnp
import numpy as np

VOCAB_SIZE = 100000
MAX_SEQ_LEN = 200
D_MODEL = 128
BATCH = 1024


def _pos_encoding(max_seq_len, d_model):
    pos = jnp.arange(max_seq_len, dtype=jnp.float32)[:, None]
    i = jnp.arange(0, d_model, 2, dtype=jnp.float32)
    div = jnp.exp(-jnp.log(10000.0) * i / d_model)
    pe = jnp.zeros((max_seq_len, d_model), dtype=jnp.float32)
    pe = pe.at[:, 0::2].set(jnp.sin(pos * div))
    pe = pe.at[:, 1::2].set(jnp.cos(pos * div))
    return pe


def setup_inputs(seed: int = 0) -> dict:
    key = jax.random.key(seed)
    k_idx, k_tab = jax.random.split(key)
    x = jax.random.randint(k_idx, (BATCH, MAX_SEQ_LEN), 0, VOCAB_SIZE, dtype=jnp.int64)
    table = jax.random.normal(k_tab, (VOCAB_SIZE, D_MODEL), dtype=jnp.float32)
    return {"x": x, "table": table}


def reference(x, table):
    # Embedding lookup (tokenization is assumed done upstream; x holds token ids)
    y = jnp.take(table, x, axis=0)  # [B, L, D]
    # Add positional encoding (broadcast over batch)
    y = y + _pos_encoding(MAX_SEQ_LEN, D_MODEL)[None, :, :]
    # Dropout in eval mode is identity
    return y

if __name__ == "__main__":
    import jax
    _d = setup_inputs()
    print(jax.jit(kernel)(*tuple(_d.values())))

</pallas_src>

<mosaic_0001>
#map = affine_map<(d0, d1) -> (0, 0)>
module attributes {stable_mosaic.version = 14 : i64} {
  func.func @_embed_body(%arg0: i32, %arg1: i32, %arg2: memref<100000x128xf32, #tpu.memory_space<hbm>>, %arg3: memref<1024x200xi32, #tpu.memory_space<hbm>>, %arg4: memref<200x128xf32, #tpu.memory_space<hbm>>, %arg5: memref<204800x128xf32, #tpu.memory_space<hbm>>, %arg6: memref<32x200xi32, #tpu.memory_space<vmem>>, %arg7: memref<200x128xf32, #tpu.memory_space<vmem>>, %arg8: memref<128x128xf32, #tpu.memory_space<vmem>>, %arg9: memref<128x128xf32, #tpu.memory_space<vmem>>, %arg10: memref<128x128xf32, #tpu.memory_space<vmem>>, %arg11: memref<72x128xf32, #tpu.memory_space<vmem>>, %arg12: memref<72x128xf32, #tpu.memory_space<vmem>>, %arg13: memref<72x128xf32, #tpu.memory_space<vmem>>, %arg14: memref<!tpu.dma_semaphore, #tpu.memory_space<semaphore_mem>>, %arg15: memref<!tpu.dma_semaphore, #tpu.memory_space<semaphore_mem>>, %arg16: memref<!tpu.dma_semaphore, #tpu.memory_space<semaphore_mem>>, %arg17: memref<!tpu.dma_semaphore, #tpu.memory_space<semaphore_mem>>, %arg18: memref<!tpu.dma_semaphore, #tpu.memory_space<semaphore_mem>>, %arg19: memref<!tpu.dma_semaphore, #tpu.memory_space<semaphore_mem>>, %arg20: memref<!tpu.dma_semaphore, #tpu.memory_space<semaphore_mem>>, %arg21: memref<!tpu.dma_semaphore, #tpu.memory_space<semaphore_mem>>, %arg22: memref<!tpu.dma_semaphore, #tpu.memory_space<semaphore_mem>>, %arg23: memref<!tpu.dma_semaphore, #tpu.memory_space<semaphore_mem>>, %arg24: memref<!tpu.dma_semaphore, #tpu.memory_space<semaphore_mem>>, %arg25: memref<!tpu.dma_semaphore, #tpu.memory_space<semaphore_mem>>, %arg26: memref<!tpu.dma_semaphore, #tpu.memory_space<semaphore_mem>>) attributes {dimension_semantics = [#tpu.dimension_semantics<core_parallel>, #tpu.dimension_semantics<subcore_parallel>], iteration_bounds = array<i64: 2, 16>, scalar_prefetch = 0 : i64, scratch_operands = 21 : i64, tpu.core_type = #tpu.core_type<sc_vector_subcore>, window_params = [{transform_indices = #map}, {transform_indices = #map}, {transform_indices = #map}, {transform_indices = #map}]} {
    %mul3A = arith.constant 2 : i32
    %mul3A_0 = arith.muli %arg1, %mul3A : i32
    %add3A = arith.addi %mul3A_0, %arg0 : i32
    %mul3A_1 = arith.constant 32 : i32
    %mul3A_2 = arith.muli %add3A, %mul3A_1 : i32
    "tpu.region"() ({
      %run_scoped3A = tpu.sem_alloc : memref<!tpu.dma_semaphore, #tpu.memory_space<semaphore_mem>>
      %dma_start3A_475 = arith.constant 0 : i32
      %dma_start3A_476 = tpu.memref_slice %arg3[%mul3A_2, %dma_start3A_475] : memref<1024x200xi32, #tpu.memory_space<hbm>> -> memref<32x200xi32, #tpu.memory_space<hbm>>
      %dma_start3A_477 = arith.constant 0 : i32
      %dma_start3A_478 = tpu.memref_slice %arg3[%mul3A_2, %dma_start3A_477] : memref<1024x200xi32, #tpu.memory_space<hbm>> -> memref<32x200xi32, #tpu.memory_space<hbm>>
      tpu.enqueue_dma source(%dma_start3A_478 : memref<32x200xi32, #tpu.memory_space<hbm>>) target(%arg6 : memref<32x200xi32, #tpu.memory_space<vmem>>) target_semaphore(%run_scoped3A : memref<!tpu.dma_semaphore, #tpu.memory_space<semaphore_mem>>)
      %dma_wait3A_479 = arith.constant 0 : i32
      %dma_wait3A_480 = tpu.memref_slice %arg3[%mul3A_2, %dma_wait3A_479] : memref<1024x200xi32, #tpu.memory_space<hbm>> -> memref<32x200xi32, #tpu.memory_space<hbm>>
      %dma_wait3A_481 = arith.constant 0 : i32
      %dma_wait3A_482 = tpu.memref_slice %arg3[%mul3A_2, %dma_wait3A_481] : memref<1024x200xi32, #tpu.memory_space<hbm>> -> memref<32x200xi32, #tpu.memory_space<hbm>>
      tpu.wait_dma2 semaphore(%run_scoped3A : memref<!tpu.dma_semaphore, #tpu.memory_space<semaphore_mem>>) src(%dma_wait3A_482 : memref<32x200xi32, #tpu.memory_space<hbm>>) dst(%arg6 : memref<32x200xi32, #tpu.memory_space<vmem>>)
      tpu.yield
    }) : () -> ()
    tpu.enqueue_dma source(%arg4 : memref<200x128xf32, #tpu.memory_space<hbm>>) target(%arg7 : memref<200x128xf32, #tpu.memory_space<vmem>>) target_semaphore(%arg26 : memref<!tpu.dma_semaphore, #tpu.memory_space<semaphore_mem>>)
    %add3A_3 = arith.constant 0 : i32
    %add3A_4 = arith.addi %mul3A_2, %add3A_3 : i32
    %mul3A_5 = arith.constant 200 : i32
    %mul3A_6 = arith.muli %add3A_4, %mul3A_5 : i32
    %dma_start3A = arith.constant 0 : i32
    %dma_start3A_7 = arith.constant 0 : i32
    %dma_start3A_8 = tpu.memref_slice %arg6[%dma_start3A, %dma_start3A_7] : memref<32x200xi32, #tpu.memory_space<vmem>> -> memref<1x128xi32, #tpu.memory_space<vmem>>
    %dma_start3A_9 = tpu.memref_squeeze %dma_start3A_8 : memref<1x128xi32, #tpu.memory_space<vmem>> -> memref<128xi32, #tpu.memory_space<vmem>>
    %dma_start3A_10 = arith.constant 0 : i32
    %dma_start3A_11 = arith.constant 0 : i32
    %dma_start3A_12 = tpu.memref_slice %arg2[%dma_start3A_10, %dma_start3A_11] : memref<100000x128xf32, #tpu.memory_space<hbm>> -> memref<100000x128xf32, #tpu.memory_space<hbm>>
    tpu.enqueue_indirect_dma source(%dma_start3A_12 : memref<100000x128xf32, #tpu.memory_space<hbm>>) target(%arg8 : memref<128x128xf32, #tpu.memory_space<vmem>>) offsets(%dma_start3A_9 : memref<128xi32, #tpu.memory_space<vmem>>) semaphore(%arg14 : memref<!tpu.dma_semaphore, #tpu.memory_space<semaphore_mem>>)
    %add3A_13 = arith.constant 0 : i32
    %add3A_14 = arith.addi %mul3A_2, %add3A_13 : i32
    %mul3A_15 = arith.constant 200 : i32
    %mul3A_16 = arith.muli %add3A_14, %mul3A_15 : i32
    %add3A_17 = arith.constant 128 : i32
    %add3A_18 = arith.addi %mul3A_16, %add3A_17 : i32
    %dma_start3A_19 = arith.constant 0 : i32
    %dma_start3A_20 = arith.constant 128 : i32
    %dma_start3A_21 = tpu.memref_slice %arg6[%dma_start3A_19, %dma_start3A_20] : memref<32x200xi32, #tpu.memory_space<vmem>> -> memref<1x72xi32, #tpu.memory_space<vmem>>
    %dma_start3A_22 = tpu.memref_squeeze %dma_start3A_21 : memref<1x72xi32, #tpu.memory_space<vmem>> -> memref<72xi32, #tpu.memory_space<vmem>>
    %dma_start3A_23 = arith.constant 0 : i32
    %dma_start3A_24 = arith.constant 0 : i32
    %dma_start3A_25 = tpu.memref_slice %arg2[%dma_start3A_23, %dma_start3A_24] : memref<100000x128xf32, #tpu.memory_space<hbm>> -> memref<100000x128xf32, #tpu.memory_space<hbm>>
    tpu.enqueue_indirect_dma source(%dma_start3A_25 : memref<100000x128xf32, #tpu.memory_space<hbm>>) target(%arg11 : memref<72x128xf32, #tpu.memory_space<vmem>>) offsets(%dma_start3A_22 : memref<72xi32, #tpu.memory_space<vmem>>) semaphore(%arg17 : memref<!tpu.dma_semaphore, #tpu.memory_space<semaphore_mem>>)
    tpu.wait_dma2 semaphore(%arg26 : memref<!tpu.dma_semaphore, #tpu.memory_space<semaphore_mem>>) src(%arg4 : memref<200x128xf32, #tpu.memory_space<hbm>>) dst(%arg7 : memref<200x128xf32, #tpu.memory_space<vmem>>)
    %add3A_26 = arith.constant 1 : i32
    %add3A_27 = arith.addi %mul3A_2, %add3A_26 : i32
    %mul3A_28 = arith.constant 200 : i32
    %mul3A_29 = arith.muli %add3A_27, %mul3A_28 : i32
    %dma_start3A_30 = arith.constant 1 : i32
    %dma_start3A_31 = arith.constant 0 : i32
    %dma_start3A_32 = tpu.memref_slice %arg6[%dma_start3A_30, %dma_start3A_31] : memref<32x200xi32, #tpu.memory_space<vmem>> -> memref<1x128xi32, #tpu.memory_space<vmem>>
    %dma_start3A_33 = tpu.memref_squeeze %dma_start3A_32 : memref<1x128xi32, #tpu.memory_space<vmem>> -> memref<128xi32, #tpu.memory_space<vmem>>
    %dma_start3A_34 = arith.constant 0 : i32
    %dma_start3A_35 = arith.constant 0 : i32
    %dma_start3A_36 = tpu.memref_slice %arg2[%dma_start3A_34, %dma_start3A_35] : memref<100000x128xf32, #tpu.memory_space<hbm>> -> memref<100000x128xf32, #tpu.memory_space<hbm>>
    tpu.enqueue_indirect_dma source(%dma_start3A_36 : memref<100000x128xf32, #tpu.memory_space<hbm>>) target(%arg9 : memref<128x128xf32, #tpu.memory_space<vmem>>) offsets(%dma_start3A_33 : memref<128xi32, #tpu.memory_space<vmem>>) semaphore(%arg15 : memref<!tpu.dma_semaphore, #tpu.memory_space<semaphore_mem>>)
    %add3A_37 = arith.constant 0 : i32
    %add3A_38 = arith.addi %mul3A_2, %add3A_37 : i32
    %mul3A_39 = arith.constant 200 : i32
    %mul3A_40 = arith.muli %add3A_38, %mul3A_39 : i32
    %dma_wait3A = arith.constant 0 : i32
    %dma_wait3A_41 = arith.constant 0 : i32
    %dma_wait3A_42 = tpu.memref_slice %arg6[%dma_wait3A, %dma_wait3A_41] : memref<32x200xi32, #tpu.memory_space<vmem>> -> memref<1x128xi32, #tpu.memory_space<vmem>>
    %dma_wait3A_43 = tpu.memref_squeeze %dma_wait3A_42 : memref<1x128xi32, #tpu.memory_space<vmem>> -> memref<128xi32, #tpu.memory_space<vmem>>
    %dma_wait3A_44 = arith.constant 0 : i32
    %dma_wait3A_45 = arith.constant 0 : i32
    %dma_wait3A_46 = tpu.memref_slice %arg2[%dma_wait3A_44, %dma_wait3A_45] : memref<100000x128xf32, #tpu.memory_space<hbm>> -> memref<100000x128xf32, #tpu.memory_space<hbm>>
    tpu.wait_indirect_dma semaphore(%arg14 : memref<!tpu.dma_semaphore, #tpu.memory_space<semaphore_mem>>) src(%dma_wait3A_46 : memref<100000x128xf32, #tpu.memory_space<hbm>>) dst(%arg8 : memref<128x128xf32, #tpu.memory_space<vmem>>)
    %scan3A = arith.constant 0 : i32
    %scan3A_47 = arith.constant 128 : i32
    %scan3A_48 = arith.addi %scan3A, %scan3A_47 : i32
    %scan3A_49 = arith.constant 1 : i32
    scf.for %scan3A_475 = %scan3A to %scan3A_48 step %scan3A_49  : i32 {
      %mul3A_476 = arith.constant 1 : i32
      %mul3A_477 = arith.muli %scan3A_475, %mul3A_476 : i32
      %add3A_478 = arith.constant 0 : i32
      %add3A_479 = arith.addi %add3A_478, %mul3A_477 : i32
      %add3A_480 = arith.constant 0 : i32
      %add3A_481 = arith.addi %add3A_480, %add3A_479 : i32
      %get3A = arith.index_cast %add3A_481 : i32 to index
      %get3A_482 = arith.constant 0 : index
      %get3A_483 = tpu.vector_load %arg7[%get3A, %get3A_482] {strides = array<i32>} : memref<200x128xf32, #tpu.memory_space<vmem>>, vector<1x16xf32>,
      %get3A_484 = vector.shape_cast %get3A_483 : vector<1x16xf32> to vector<16xf32>
      %swap3A = arith.index_cast %add3A_479 : i32 to index
      %swap3A_485 = arith.constant 0 : index
      %swap3A_486 = tpu.vector_load %arg8[%swap3A, %swap3A_485] {strides = array<i32>} : memref<128x128xf32, #tpu.memory_space<vmem>>, vector<1x16xf32>,
      %swap3A_487 = vector.shape_cast %swap3A_486 : vector<1x16xf32> to vector<16xf32>
      %swap3A_488 = vector.shape_cast %get3A_484 : vector<16xf32> to vector<1x16xf32>
      tpu.vector_store %arg8[%swap3A, %swap3A_485], %swap3A_488 {add = true, strides = array<i32>} : memref<128x128xf32, #tpu.memory_space<vmem>>, vector<1x16xf32>,
      %add3A_489 = arith.constant 0 : i32
      %add3A_490 = arith.addi %add3A_489, %add3A_479 : i32
      %get3A_491 = arith.index_cast %add3A_490 : i32 to index
      %get3A_492 = arith.constant 16 : index
      %get3A_493 = tpu.vector_load %arg7[%get3A_491, %get3A_492] {strides = array<i32>} : memref<200x128xf32, #tpu.memory_space<vmem>>, vector<1x16xf32>,
      %get3A_494 = vector.shape_cast %get3A_493 : vector<1x16xf32> to vector<16xf32>
      %swap3A_495 = arith.index_cast %add3A_479 : i32 to index
      %swap3A_496 = arith.constant 16 : index
      %swap3A_497 = tpu.vector_load %arg8[%swap3A_495, %swap3A_496] {strides = array<i32>} : memref<128x128xf32, #tpu.memory_space<vmem>>, vector<1x16xf32>,
      %swap3A_498 = vector.shape_cast %swap3A_497 : vector<1x16xf32> to vector<16xf32>
      %swap3A_499 = vector.shape_cast %get3A_494 : vector<16xf32> to vector<1x16xf32>
      tpu.vector_store %arg8[%swap3A_495, %swap3A_496], %swap3A_499 {add = true, strides = array<i32>} : memref<128x128xf32, #tpu.memory_space<vmem>>, vector<1x16xf32>,
      %add3A_500 = arith.constant 0 : i32
      %add3A_501 = arith.addi %add3A_500, %add3A_479 : i32
      %get3A_502 = arith.index_cast %add3A_501 : i32 to index
      %get3A_503 = arith.constant 32 : index
      %get3A_504 = tpu.vector_load %arg7[%get3A_502, %get3A_503] {strides = array<i32>} : memref<200x128xf32, #tpu.memory_space<vmem>>, vector<1x16xf32>,
      %get3A_505 = vector.shape_cast %get3A_504 : vector<1x16xf32> to vector<16xf32>
      %swap3A_506 = arith.index_cast %add3A_479 : i32 to index
      %swap3A_507 = arith.constant 32 : index
      %swap3A_508 = tpu.vector_load %arg8[%swap3A_506, %swap3A_507] {strides = array<i32>} : memref<128x128xf32, #tpu.memory_space<vmem>>, vector<1x16xf32>,
      %swap3A_509 = vector.shape_cast %swap3A_508 : vector<1x16xf32> to vector<16xf32>
      %swap3A_510 = vector.shape_cast %get3A_505 : vector<16xf32> to vector<1x16xf32>
      tpu.vector_store %arg8[%swap3A_506, %swap3A_507], %swap3A_510 {add = true, strides = array<i32>} : memref<128x128xf32, #tpu.memory_space<vmem>>, vector<1x16xf32>,
      %add3A_511 = arith.constant 0 : i32
      %add3A_512 = arith.addi %add3A_511, %add3A_479 : i32
      %get3A_513 = arith.index_cast %add3A_512 : i32 to index
      %get3A_514 = arith.constant 48 : index
      %get3A_515 = tpu.vector_load %arg7[%get3A_513, %get3A_514] {strides = array<i32>} : memref<200x128xf32, #tpu.memory_space<vmem>>, vector<1x16xf32>,
      %get3A_516 = vector.shape_cast %get3A_515 : vector<1x16xf32> to vector<16xf32>
      %swap3A_517 = arith.index_cast %add3A_479 : i32 to index
      %swap3A_518 = arith.constant 48 : index
      %swap3A_519 = tpu.vector_load %arg8[%swap3A_517, %swap3A_518] {strides = array<i32>} : memref<128x128xf32, #tpu.memory_space<vmem>>, vector<1x16xf32>,
      %swap3A_520 = vector.shape_cast %swap3A_519 : vector<1x16xf32> to vector<16xf32>
      %swap3A_521 = vector.shape_cast %get3A_516 : vector<16xf32> to vector<1x16xf32>
      tpu.vector_store %arg8[%swap3A_517, %swap3A_518], %swap3A_521 {add = true, strides = array<i32>} : memref<128x128xf32, #tpu.memory_space<vmem>>, vector<1x16xf32>,
      %add3A_522 = arith.constant 0 : i32
      %add3A_523 = arith.addi %add3A_522, %add3A_479 : i32
      %get3A_524 = arith.index_cast %add3A_523 : i32 to index
      %get3A_525 = arith.constant 64 : index
      %get3A_526 = tpu.vector_load %arg7[%get3A_524, %get3A_525] {strides = array<i32>} : memref<200x128xf32, #tpu.memory_space<vmem>>, vector<1x16xf32>,
      %get3A_527 = vector.shape_cast %get3A_526 : vector<1x16xf32> to vector<16xf32>
      %swap3A_528 = arith.index_cast %add3A_479 : i32 to index
      %swap3A_529 = arith.constant 64 : index
      %swap3A_530 = tpu.vector_load %arg8[%swap3A_528, %swap3A_529] {strides = array<i32>} : memref<128x128xf32, #tpu.memory_space<vmem>>, vector<1x16xf32>,
      %swap3A_531 = vector.shape_cast %swap3A_530 : vector<1x16xf32> to vector<16xf32>
      %swap3A_532 = vector.shape_cast %get3A_527 : vector<16xf32> to vector<1x16xf32>
      tpu.vector_store %arg8[%swap3A_528, %swap3A_529], %swap3A_532 {add = true, strides = array<i32>} : memref<128x128xf32, #tpu.memory_space<vmem>>, vector<1x16xf32>,
      %add3A_533 = arith.constant 0 : i32
      %add3A_534 = arith.addi %add3A_533, %add3A_479 : i32
      %get3A_535 = arith.index_cast %add3A_534 : i32 to index
      %get3A_536 = arith.constant 80 : index
      %get3A_537 = tpu.vector_load %arg7[%get3A_535, %get3A_536] {strides = array<i32>} : memref<200x128xf32, #tpu.memory_space<vmem>>, vector<1x16xf32>,
      %get3A_538 = vector.shape_cast %get3A_537 : vector<1x16xf32> to vector<16xf32>
      %swap3A_539 = arith.index_cast %add3A_479 : i32 to index
      %swap3A_540 = arith.constant 80 : index
      %swap3A_541 = tpu.vector_load %arg8[%swap3A_539, %swap3A_540] {strides = array<i32>} : memref<128x128xf32, #tpu.memory_space<vmem>>, vector<1x16xf32>,
      %swap3A_542 = vector.shape_cast %swap3A_541 : vector<1x16xf32> to vector<16xf32>
      %swap3A_543 = vector.shape_cast %get3A_538 : vector<16xf32> to vector<1x16xf32>
      tpu.vector_store %arg8[%swap3A_539, %swap3A_540], %swap3A_543 {add = true, strides = array<i32>} : memref<128x128xf32, #tpu.memory_space<vmem>>, vector<1x16xf32>,
      %add3A_544 = arith.constant 0 : i32
      %add3A_545 = arith.addi %add3A_544, %add3A_479 : i32
      %get3A_546 = arith.index_cast %add3A_545 : i32 to index
      %get3A_547 = arith.constant 96 : index
      %get3A_548 = tpu.vector_load %arg7[%get3A_546, %get3A_547] {strides = array<i32>} : memref<200x128xf32, #tpu.memory_space<vmem>>, vector<1x16xf32>,
      %get3A_549 = vector.shape_cast %get3A_548 : vector<1x16xf32> to vector<16xf32>
      %swap3A_550 = arith.index_cast %add3A_479 : i32 to index
      %swap3A_551 = arith.constant 96 : index
      %swap3A_552 = tpu.vector_load %arg8[%swap3A_550, %swap3A_551] {strides = array<i32>} : memref<128x128xf32, #tpu.memory_space<vmem>>, vector<1x16xf32>,
      %swap3A_553 = vector.shape_cast %swap3A_552 : vector<1x16xf32> to vector<16xf32>
      %swap3A_554 = vector.shape_cast %get3A_549 : vector<16xf32> to vector<1x16xf32>
      tpu.vector_store %arg8[%swap3A_550, %swap3A_551], %swap3A_554 {add = true, strides = array<i32>} : memref<128x128xf32, #tpu.memory_space<vmem>>, vector<1x16xf32>,
      %add3A_555 = arith.constant 0 : i32
      %add3A_556 = arith.addi %add3A_555, %add3A_479 : i32
      %get3A_557 = arith.index_cast %add3A_556 : i32 to index
      %get3A_558 = arith.constant 112 : index
      %get3A_559 = tpu.vector_load %arg7[%get3A_557, %get3A_558] {strides = array<i32>} : memref<200x128xf32, #tpu.memory_space<vmem>>, vector<1x16xf32>,
      %get3A_560 = vector.shape_cast %get3A_559 : vector<1x16xf32> to vector<16xf32>
      %swap3A_561 = arith.index_cast %add3A_479 : i32 to index
      %swap3A_562 = arith.constant 112 : index
      %swap3A_563 = tpu.vector_load %arg8[%swap3A_561, %swap3A_562] {strides = array<i32>} : memref<128x128xf32, #tpu.memory_space<vmem>>, vector<1x16xf32>,
      %swap3A_564 = vector.shape_cast %swap3A_563 : vector<1x16xf32> to vector<16xf32>
      %swap3A_565 = vector.shape_cast %get3A_560 : vector<16xf32> to vector<1x16xf32>
      tpu.vector_store %arg8[%swap3A_561, %swap3A_562], %swap3A_565 {add = true, strides = array<i32>} : memref<128x128xf32, #tpu.memory_space<vmem>>, vector<1x16xf32>,
    }
    %scan3A_50 = arith.constant 128 : i32
    %add3A_51 = arith.constant 0 : i32
    %add3A_52 = arith.addi %mul3A_2, %add3A_51 : i32
    %mul3A_53 = arith.constant 200 : i32
    %mul3A_54 = arith.muli %add3A_52, %mul3A_53 : i32
    %dma_start3A_55 = arith.constant 0 : i32
    %dma_start3A_56 = tpu.memref_slice %arg5[%mul3A_54, %dma_start3A_55] : memref<204800x128xf32, #tpu.memory_space<hbm>> -> memref<128x128xf32, #tpu.memory_space<hbm>>
    %dma_start3A_57 = arith.constant 0 : i32
    %dma_start3A_58 = tpu.memref_slice %arg5[%mul3A_54, %dma_start3A_57] : memref<204800x128xf32, #tpu.memory_space<hbm>> -> memref<128x128xf32, #tpu.memory_space<hbm>>
    tpu.enqueue_dma source(%arg8 : memref<128x128xf32, #tpu.memory_space<vmem>>) target(%dma_start3A_58 : memref<128x128xf32, #tpu.memory_space<hbm>>) target_semaphore(%arg20 : memref<!tpu.dma_semaphore, #tpu.memory_space<semaphore_mem>>)
    %add3A_59 = arith.constant 1 : i32
    %add3A_60 = arith.addi %mul3A_2, %add3A_59 : i32
    %mul3A_61 = arith.constant 200 : i32
    %mul3A_62 = arith.muli %add3A_60, %mul3A_61 : i32
    %add3A_63 = arith.constant 128 : i32
    %add3A_64 = arith.addi %mul3A_62, %add3A_63 : i32
    %dma_start3A_65 = arith.constant 1 : i32
    %dma_start3A_66 = arith.constant 128 : i32
    %dma_start3A_67 = tpu.memref_slice %arg6[%dma_start3A_65, %dma_start3A_66] : memref<32x200xi32, #tpu.memory_space<vmem>> -> memref<1x72xi32, #tpu.memory_space<vmem>>
    %dma_start3A_68 = tpu.memref_squeeze %dma_start3A_67 : memref<1x72xi32, #tpu.memory_space<vmem>> -> memref<72xi32, #tpu.memory_space<vmem>>
    %dma_start3A_69 = arith.constant 0 : i32
    %dma_start3A_70 = arith.constant 0 : i32
    %dma_start3A_71 = tpu.memref_slice %arg2[%dma_start3A_69, %dma_start3A_70] : memref<100000x128xf32, #tpu.memory_space<hbm>> -> memref<100000x128xf32, #tpu.memory_space<hbm>>
    tpu.enqueue_indirect_dma source(%dma_start3A_71 : memref<100000x128xf32, #tpu.memory_space<hbm>>) target(%arg12 : memref<72x128xf32, #tpu.memory_space<vmem>>) offsets(%dma_start3A_68 : memref<72xi32, #tpu.memory_space<vmem>>) semaphore(%arg18 : memref<!tpu.dma_semaphore, #tpu.memory_space<semaphore_mem>>)
    %add3A_72 = arith.constant 0 : i32
    %add3A_73 = arith.addi %mul3A_2, %add3A_72 : i32
    %mul3A_74 = arith.constant 200 : i32
    %mul3A_75 = arith.muli %add3A_73, %mul3A_74 : i32
    %add3A_76 = arith.constant 128 : i32
    %add3A_77 = arith.addi %mul3A_75, %add3A_76 : i32
    %dma_wait3A_78 = arith.constant 0 : i32
    %dma_wait3A_79 = arith.constant 128 : i32
    %dma_wait3A_80 = tpu.memref_slice %arg6[%dma_wait3A_78, %dma_wait3A_79] : memref<32x200xi32, #tpu.memory_space<vmem>> -> memref<1x72xi32, #tpu.memory_space<vmem>>
    %dma_wait3A_81 = tpu.memref_squeeze %dma_wait3A_80 : memref<1x72xi32, #tpu.memory_space<vmem>> -> memref<72xi32, #tpu.memory_space<vmem>>
    %dma_wait3A_82 = arith.constant 0 : i32
    %dma_wait3A_83 = arith.constant 0 : i32
    %dma_wait3A_84 = tpu.memref_slice %arg2[%dma_wait3A_82, %dma_wait3A_83] : memref<100000x128xf32, #tpu.memory_space<hbm>> -> memref<100000x128xf32, #tpu.memory_space<hbm>>
    tpu.wait_indirect_dma semaphore(%arg17 : memref<!tpu.dma_semaphore, #tpu.memory_space<semaphore_mem>>) src(%dma_wait3A_84 : memref<100000x128xf32, #tpu.memory_space<hbm>>) dst(%arg11 : memref<72x128xf32, #tpu.memory_space<vmem>>)
    %scan3A_85 = arith.constant 0 : i32
    %scan3A_86 = arith.constant 72 : i32
    %scan3A_87 = arith.addi %scan3A_85, %scan3A_86 : i32
    %scan3A_88 = arith.constant 1 : i32
    scf.for %scan3A_475 = %scan3A_85 to %scan3A_87 step %scan3A_88  : i32 {
      %mul3A_476 = arith.constant 1 : i32
      %mul3A_477 = arith.muli %scan3A_475, %mul3A_476 : i32
      %add3A_478 = arith.constant 0 : i32
      %add3A_479 = arith.addi %add3A_478, %mul3A_477 : i32
      %add3A_480 = arith.constant 128 : i32
      %add3A_481 = arith.addi %add3A_480, %add3A_479 : i32
      %get3A = arith.index_cast %add3A_481 : i32 to index
      %get3A_482 = arith.constant 0 : index
      %get3A_483 = tpu.vector_load %arg7[%get3A, %get3A_482] {strides = array<i32>} : memref<200x128xf32, #tpu.memory_space<vmem>>, vector<1x16xf32>,
      %get3A_484 = vector.shape_cast %get3A_483 : vector<1x16xf32> to vector<16xf32>
      %swap3A = arith.index_cast %add3A_479 : i32 to index
      %swap3A_485 = arith.constant 0 : index
      %swap3A_486 = tpu.vector_load %arg11[%swap3A, %swap3A_485] {strides = array<i32>} : memref<72x128xf32, #tpu.memory_space<vmem>>, vector<1x16xf32>,
      %swap3A_487 = vector.shape_cast %swap3A_486 : vector<1x16xf32> to vector<16xf32>
      %swap3A_488 = vector.shape_cast %get3A_484 : vector<16xf32> to vector<1x16xf32>
      tpu.vector_store %arg11[%swap3A, %swap3A_485], %swap3A_488 {add = true, strides = array<i32>} : memref<72x128xf32, #tpu.memory_space<vmem>>, vector<1x16xf32>,
      %add3A_489 = arith.constant 128 : i32
      %add3A_490 = arith.addi %add3A_489, %add3A_479 : i32
      %get3A_491 = arith.index_cast %add3A_490 : i32 to index
      %get3A_492 = arith.constant 16 : index
      %get3A_493 = tpu.vector_load %arg7[%get3A_491, %get3A_492] {strides = array<i32>} : memref<200x128xf32, #tpu.memory_space<vmem>>, vector<1x16xf32>,
      %get3A_494 = vector.shape_cast %get3A_493 : vector<1x16xf32> to vector<16xf32>
      %swap3A_495 = arith.index_cast %add3A_479 : i32 to index
      %swap3A_496 = arith.constant 16 : index
      %swap3A_497 = tpu.vector_load %arg11[%swap3A_495, %swap3A_496] {strides = array<i32>} : memref<72x128xf32, #tpu.memory_space<vmem>>, vector<1x16xf32>,
      %swap3A_498 = vector.shape_cast %swap3A_497 : vector<1x16xf32> to vector<16xf32>
      %swap3A_499 = vector.shape_cast %get3A_494 : vector<16xf32> to vector<1x16xf32>
      tpu.vector_store %arg11[%swap3A_495, %swap3A_496], %swap3A_499 {add = true, strides = array<i32>} : memref<72x128xf32, #tpu.memory_space<vmem>>, vector<1x16xf32>,
      %add3A_500 = arith.constant 128 : i32
      %add3A_501 = arith.addi %add3A_500, %add3A_479 : i32
      %get3A_502 = arith.index_cast %add3A_501 : i32 to index
      %get3A_503 = arith.constant 32 : index
      %get3A_504 = tpu.vector_load %arg7[%get3A_502, %get3A_503] {strides = array<i32>} : memref<200x128xf32, #tpu.memory_space<vmem>>, vector<1x16xf32>,
      %get3A_505 = vector.shape_cast %get3A_504 : vector<1x16xf32> to vector<16xf32>
      %swap3A_506 = arith.index_cast %add3A_479 : i32 to index
      %swap3A_507 = arith.constant 32 : index
      %swap3A_508 = tpu.vector_load %arg11[%swap3A_506, %swap3A_507] {strides = array<i32>} : memref<72x128xf32, #tpu.memory_space<vmem>>, vector<1x16xf32>,
      %swap3A_509 = vector.shape_cast %swap3A_508 : vector<1x16xf32> to vector<16xf32>
      %swap3A_510 = vector.shape_cast %get3A_505 : vector<16xf32> to vector<1x16xf32>
      tpu.vector_store %arg11[%swap3A_506, %swap3A_507], %swap3A_510 {add = true, strides = array<i32>} : memref<72x128xf32, #tpu.memory_space<vmem>>, vector<1x16xf32>,
      %add3A_511 = arith.constant 128 : i32
      %add3A_512 = arith.addi %add3A_511, %add3A_479 : i32
      %get3A_513 = arith.index_cast %add3A_512 : i32 to index
      %get3A_514 = arith.constant 48 : index
      %get3A_515 = tpu.vector_load %arg7[%get3A_513, %get3A_514] {strides = array<i32>} : memref<200x128xf32, #tpu.memory_space<vmem>>, vector<1x16xf32>,
      %get3A_516 = vector.shape_cast %get3A_515 : vector<1x16xf32> to vector<16xf32>
      %swap3A_517 = arith.index_cast %add3A_479 : i32 to index
      %swap3A_518 = arith.constant 48 : index
      %swap3A_519 = tpu.vector_load %arg11[%swap3A_517, %swap3A_518] {strides = array<i32>} : memref<72x128xf32, #tpu.memory_space<vmem>>, vector<1x16xf32>,
      %swap3A_520 = vector.shape_cast %swap3A_519 : vector<1x16xf32> to vector<16xf32>
      %swap3A_521 = vector.shape_cast %get3A_516 : vector<16xf32> to vector<1x16xf32>
      tpu.vector_store %arg11[%swap3A_517, %swap3A_518], %swap3A_521 {add = true, strides = array<i32>} : memref<72x128xf32, #tpu.memory_space<vmem>>, vector<1x16xf32>,
      %add3A_522 = arith.constant 128 : i32
      %add3A_523 = arith.addi %add3A_522, %add3A_479 : i32
      %get3A_524 = arith.index_cast %add3A_523 : i32 to index
      %get3A_525 = arith.constant 64 : index
      %get3A_526 = tpu.vector_load %arg7[%get3A_524, %get3A_525] {strides = array<i32>} : memref<200x128xf32, #tpu.memory_space<vmem>>, vector<1x16xf32>,
      %get3A_527 = vector.shape_cast %get3A_526 : vector<1x16xf32> to vector<16xf32>
      %swap3A_528 = arith.index_cast %add3A_479 : i32 to index
      %swap3A_529 = arith.constant 64 : index
      %swap3A_530 = tpu.vector_load %arg11[%swap3A_528, %swap3A_529] {strides = array<i32>} : memref<72x128xf32, #tpu.memory_space<vmem>>, vector<1x16xf32>,
      %swap3A_531 = vector.shape_cast %swap3A_530 : vector<1x16xf32> to vector<16xf32>
      %swap3A_532 = vector.shape_cast %get3A_527 : vector<16xf32> to vector<1x16xf32>
      tpu.vector_store %arg11[%swap3A_528, %swap3A_529], %swap3A_532 {add = true, strides = array<i32>} : memref<72x128xf32, #tpu.memory_space<vmem>>, vector<1x16xf32>,
      %add3A_533 = arith.constant 128 : i32
      %add3A_534 = arith.addi %add3A_533, %add3A_479 : i32
      %get3A_535 = arith.index_cast %add3A_534 : i32 to index
      %get3A_536 = arith.constant 80 : index
      %get3A_537 = tpu.vector_load %arg7[%get3A_535, %get3A_536] {strides = array<i32>} : memref<200x128xf32, #tpu.memory_space<vmem>>, vector<1x16xf32>,
      %get3A_538 = vector.shape_cast %get3A_537 : vector<1x16xf32> to vector<16xf32>
      %swap3A_539 = arith.index_cast %add3A_479 : i32 to index
      %swap3A_540 = arith.constant 80 : index
      %swap3A_541 = tpu.vector_load %arg11[%swap3A_539, %swap3A_540] {strides = array<i32>} : memref<72x128xf32, #tpu.memory_space<vmem>>, vector<1x16xf32>,
      %swap3A_542 = vector.shape_cast %swap3A_541 : vector<1x16xf32> to vector<16xf32>
      %swap3A_543 = vector.shape_cast %get3A_538 : vector<16xf32> to vector<1x16xf32>
      tpu.vector_store %arg11[%swap3A_539, %swap3A_540], %swap3A_543 {add = true, strides = array<i32>} : memref<72x128xf32, #tpu.memory_space<vmem>>, vector<1x16xf32>,
      %add3A_544 = arith.constant 128 : i32
      %add3A_545 = arith.addi %add3A_544, %add3A_479 : i32
      %get3A_546 = arith.index_cast %add3A_545 : i32 to index
      %get3A_547 = arith.constant 96 : index
      %get3A_548 = tpu.vector_load %arg7[%get3A_546, %get3A_547] {strides = array<i32>} : memref<200x128xf32, #tpu.memory_space<vmem>>, vector<1x16xf32>,
      %get3A_549 = vector.shape_cast %get3A_548 : vector<1x16xf32> to vector<16xf32>
      %swap3A_550 = arith.index_cast %add3A_479 : i32 to index
      %swap3A_551 = arith.constant 96 : index
      %swap3A_552 = tpu.vector_load %arg11[%swap3A_550, %swap3A_551] {strides = array<i32>} : memref<72x128xf32, #tpu.memory_space<vmem>>, vector<1x16xf32>,
      %swap3A_553 = vector.shape_cast %swap3A_552 : vector<1x16xf32> to vector<16xf32>
      %swap3A_554 = vector.shape_cast %get3A_549 : vector<16xf32> to vector<1x16xf32>
      tpu.vector_store %arg11[%swap3A_550, %swap3A_551], %swap3A_554 {add = true, strides = array<i32>} : memref<72x128xf32, #tpu.memory_space<vmem>>, vector<1x16xf32>,
      %add3A_555 = arith.constant 128 : i32
      %add3A_556 = arith.addi %add3A_555, %add3A_479 : i32
      %get3A_557 = arith.index_cast %add3A_556 : i32 to index
      %get3A_558 = arith.constant 112 : index
      %get3A_559 = tpu.vector_load %arg7[%get3A_557, %get3A_558] {strides = array<i32>} : memref<200x128xf32, #tpu.memory_space<vmem>>, vector<1x16xf32>,
      %get3A_560 = vector.shape_cast %get3A_559 : vector<1x16xf32> to vector<16xf32>
      %swap3A_561 = arith.index_cast %add3A_479 : i32 to index
      %swap3A_562 = arith.constant 112 : index
      %swap3A_563 = tpu.vector_load %arg11[%swap3A_561, %swap3A_562] {strides = array<i32>} : memref<72x128xf32, #tpu.memory_space<vmem>>, vector<1x16xf32>,
      %swap3A_564 = vector.shape_cast %swap3A_563 : vector<1x16xf32> to vector<16xf32>
      %swap3A_565 = vector.shape_cast %get3A_560 : vector<16xf32> to vector<1x16xf32>
      tpu.vector_store %arg11[%swap3A_561, %swap3A_562], %swap3A_565 {add = true, strides = array<i32>} : memref<72x128xf32, #tpu.memory_space<vmem>>, vector<1x16xf32>,
    }
    %scan3A_89 = arith.constant 72 : i32
    %add3A_90 = arith.constant 0 : i32
    %add3A_91 = arith.addi %mul3A_2, %add3A_90 : i32
    %mul3A_92 = arith.constant 200 : i32
    %mul3A_93 = arith.muli %add3A_91, %mul3A_92 : i32
    %add3A_94 = arith.constant 128 : i32
    %add3A_95 = arith.addi %mul3A_93, %add3A_94 : i32
    %dma_start3A_96 = arith.constant 0 : i32
    %dma_start3A_97 = tpu.memref_slice %arg5[%add3A_95, %dma_start3A_96] : memref<204800x128xf32, #tpu.memory_space<hbm>> -> memref<72x128xf32, #tpu.memory_space<hbm>>
    %dma_start3A_98 = arith.constant 0 : i32
    %dma_start3A_99 = tpu.memref_slice %arg5[%add3A_95, %dma_start3A_98] : memref<204800x128xf32, #tpu.memory_space<hbm>> -> memref<72x128xf32, #tpu.memory_space<hbm>>
    tpu.enqueue_dma source(%arg11 : memref<72x128xf32, #tpu.memory_space<vmem>>) target(%dma_start3A_99 : memref<72x128xf32, #tpu.memory_space<hbm>>) target_semaphore(%arg23 : memref<!tpu.dma_semaphore, #tpu.memory_space<semaphore_mem>>)
    %add3A_100 = arith.constant 2 : i32
    %add3A_101 = arith.addi %mul3A_2, %add3A_100 : i32
    %mul3A_102 = arith.constant 200 : i32
    %mul3A_103 = arith.muli %add3A_101, %mul3A_102 : i32
    %dma_start3A_104 = arith.constant 2 : i32
    %dma_start3A_105 = arith.constant 0 : i32
    %dma_start3A_106 = tpu.memref_slice %arg6[%dma_start3A_104, %dma_start3A_105] : memref<32x200xi32, #tpu.memory_space<vmem>> -> memref<1x128xi32, #tpu.memory_space<vmem>>
    %dma_start3A_107 = tpu.memref_squeeze %dma_start3A_106 : memref<1x128xi32, #tpu.memory_space<vmem>> -> memref<128xi32, #tpu.memory_space<vmem>>
    %dma_start3A_108 = arith.constant 0 : i32
    %dma_start3A_109 = arith.constant 0 : i32
    %dma_start3A_110 = tpu.memref_slice %arg2[%dma_start3A_108, %dma_start3A_109] : memref<100000x128xf32, #tpu.memory_space<hbm>> -> memref<100000x128xf32, #tpu.memory_space<hbm>>
    tpu.enqueue_indirect_dma source(%dma_start3A_110 : memref<100000x128xf32, #tpu.memory_space<hbm>>) target(%arg10 : memref<128x128xf32, #tpu.memory_space<vmem>>) offsets(%dma_start3A_107 : memref<128xi32, #tpu.memory_space<vmem>>) semaphore(%arg16 : memref<!tpu.dma_semaphore, #tpu.memory_space<semaphore_mem>>)
    %add3A_111 = arith.constant 1 : i32
    %add3A_112 = arith.addi %mul3A_2, %add3A_111 : i32
    %mul3A_113 = arith.constant 200 : i32
    %mul3A_114 = arith.muli %add3A_112, %mul3A_113 : i32
    %dma_wait3A_115 = arith.constant 1 : i32
    %dma_wait3A_116 = arith.constant 0 : i32
    %dma_wait3A_117 = tpu.memref_slice %arg6[%dma_wait3A_115, %dma_wait3A_116] : memref<32x200xi32, #tpu.memory_space<vmem>> -> memref<1x128xi32, #tpu.memory_space<vmem>>
    %dma_wait3A_118 = tpu.memref_squeeze %dma_wait3A_117 : memref<1x128xi32, #tpu.memory_space<vmem>> -> memref<128xi32, #tpu.memory_space<vmem>>
    %dma_wait3A_119 = arith.constant 0 : i32
    %dma_wait3A_120 = arith.constant 0 : i32
    %dma_wait3A_121 = tpu.memref_slice %arg2[%dma_wait3A_119, %dma_wait3A_120] : memref<100000x128xf32, #tpu.memory_space<hbm>> -> memref<100000x128xf32, #tpu.memory_space<hbm>>
    tpu.wait_indirect_dma semaphore(%arg15 : memref<!tpu.dma_semaphore, #tpu.memory_space<semaphore_mem>>) src(%dma_wait3A_121 : memref<100000x128xf32, #tpu.memory_space<hbm>>) dst(%arg9 : memref<128x128xf32, #tpu.memory_space<vmem>>)
    %scan3A_122 = arith.constant 0 : i32
    %scan3A_123 = arith.constant 128 : i32
    %scan3A_124 = arith.addi %scan3A_122, %scan3A_123 : i32
    %scan3A_125 = arith.constant 1 : i32
    scf.for %scan3A_475 = %scan3A_122 to %scan3A_124 step %scan3A_125  : i32 {
      %mul3A_476 = arith.constant 1 : i32
      %mul3A_477 = arith.muli %scan3A_475, %mul3A_476 : i32
      %add3A_478 = arith.constant 0 : i32
      %add3A_479 = arith.addi %add3A_478, %mul3A_477 : i32
      %add3A_480 = arith.constant 0 : i32
      %add3A_481 = arith.addi %add3A_480, %add3A_479 : i32
      %get3A = arith.index_cast %add3A_481 : i32 to index
      %get3A_482 = arith.constant 0 : index
      %get3A_483 = tpu.vector_load %arg7[%get3A, %get3A_482] {strides = array<i32>} : memref<200x128xf32, #tpu.memory_space<vmem>>, vector<1x16xf32>,
      %get3A_484 = vector.shape_cast %get3A_483 : vector<1x16xf32> to vector<16xf32>
      %swap3A = arith.index_cast %add3A_479 : i32 to index
      %swap3A_485 = arith.constant 0 : index
      %swap3A_486 = tpu.vector_load %arg9[%swap3A, %swap3A_485] {strides = array<i32>} : memref<128x128xf32, #tpu.memory_space<vmem>>, vector<1x16xf32>,
      %swap3A_487 = vector.shape_cast %swap3A_486 : vector<1x16xf32> to vector<16xf32>
      %swap3A_488 = vector.shape_cast %get3A_484 : vector<16xf32> to vector<1x16xf32>
      tpu.vector_store %arg9[%swap3A, %swap3A_485], %swap3A_488 {add = true, strides = array<i32>} : memref<128x128xf32, #tpu.memory_space<vmem>>, vector<1x16xf32>,
      %add3A_489 = arith.constant 0 : i32
      %add3A_490 = arith.addi %add3A_489, %add3A_479 : i32
      %get3A_491 = arith.index_cast %add3A_490 : i32 to index
      %get3A_492 = arith.constant 16 : index
      %get3A_493 = tpu.vector_load %arg7[%get3A_491, %get3A_492] {strides = array<i32>} : memref<200x128xf32, #tpu.memory_space<vmem>>, vector<1x16xf32>,
      %get3A_494 = vector.shape_cast %get3A_493 : vector<1x16xf32> to vector<16xf32>
      %swap3A_495 = arith.index_cast %add3A_479 : i32 to index
      %swap3A_496 = arith.constant 16 : index
      %swap3A_497 = tpu.vector_load %arg9[%swap3A_495, %swap3A_496] {strides = array<i32>} : memref<128x128xf32, #tpu.memory_space<vmem>>, vector<1x16xf32>,
      %swap3A_498 = vector.shape_cast %swap3A_497 : vector<1x16xf32> to vector<16xf32>
      %swap3A_499 = vector.shape_cast %get3A_494 : vector<16xf32> to vector<1x16xf32>
      tpu.vector_store %arg9[%swap3A_495, %swap3A_496], %swap3A_499 {add = true, strides = array<i32>} : memref<128x128xf32, #tpu.memory_space<vmem>>, vector<1x16xf32>,
      %add3A_500 = arith.constant 0 : i32
      %add3A_501 = arith.addi %add3A_500, %add3A_479 : i32
      %get3A_502 = arith.index_cast %add3A_501 : i32 to index
      %get3A_503 = arith.constant 32 : index
      %get3A_504 = tpu.vector_load %arg7[%get3A_502, %get3A_503] {strides = array<i32>} : memref<200x128xf32, #tpu.memory_space<vmem>>, vector<1x16xf32>,
      %get3A_505 = vector.shape_cast %get3A_504 : vector<1x16xf32> to vector<16xf32>
      %swap3A_506 = arith.index_cast %add3A_479 : i32 to index
      %swap3A_507 = arith.constant 32 : index
      %swap3A_508 = tpu.vector_load %arg9[%swap3A_506, %swap3A_507] {strides = array<i32>} : memref<128x128xf32, #tpu.memory_space<vmem>>, vector<1x16xf32>,
      %swap3A_509 = vector.shape_cast %swap3A_508 : vector<1x16xf32> to vector<16xf32>
      %swap3A_510 = vector.shape_cast %get3A_505 : vector<16xf32> to vector<1x16xf32>
      tpu.vector_store %arg9[%swap3A_506, %swap3A_507], %swap3A_510 {add = true, strides = array<i32>} : memref<128x128xf32, #tpu.memory_space<vmem>>, vector<1x16xf32>,
      %add3A_511 = arith.constant 0 : i32
      %add3A_512 = arith.addi %add3A_511, %add3A_479 : i32
      %get3A_513 = arith.index_cast %add3A_512 : i32 to index
      %get3A_514 = arith.constant 48 : index
      %get3A_515 = tpu.vector_load %arg7[%get3A_513, %get3A_514] {strides = array<i32>} : memref<200x128xf32, #tpu.memory_space<vmem>>, vector<1x16xf32>,
      %get3A_516 = vector.shape_cast %get3A_515 : vector<1x16xf32> to vector<16xf32>
      %swap3A_517 = arith.index_cast %add3A_479 : i32 to index
      %swap3A_518 = arith.constant 48 : index
      %swap3A_519 = tpu.vector_load %arg9[%swap3A_517, %swap3A_518] {strides = array<i32>} : memref<128x128xf32, #tpu.memory_space<vmem>>, vector<1x16xf32>,
      %swap3A_520 = vector.shape_cast %swap3A_519 : vector<1x16xf32> to vector<16xf32>
      %swap3A_521 = vector.shape_cast %get3A_516 : vector<16xf32> to vector<1x16xf32>
      tpu.vector_store %arg9[%swap3A_517, %swap3A_518], %swap3A_521 {add = true, strides = array<i32>} : memref<128x128xf32, #tpu.memory_space<vmem>>, vector<1x16xf32>,
      %add3A_522 = arith.constant 0 : i32
      %add3A_523 = arith.addi %add3A_522, %add3A_479 : i32
      %get3A_524 = arith.index_cast %add3A_523 : i32 to index
      %get3A_525 = arith.constant 64 : index
      %get3A_526 = tpu.vector_load %arg7[%get3A_524, %get3A_525] {strides = array<i32>} : memref<200x128xf32, #tpu.memory_space<vmem>>, vector<1x16xf32>,
      %get3A_527 = vector.shape_cast %get3A_526 : vector<1x16xf32> to vector<16xf32>
      %swap3A_528 = arith.index_cast %add3A_479 : i32 to index
      %swap3A_529 = arith.constant 64 : index
      %swap3A_530 = tpu.vector_load %arg9[%swap3A_528, %swap3A_529] {strides = array<i32>} : memref<128x128xf32, #tpu.memory_space<vmem>>, vector<1x16xf32>,
      %swap3A_531 = vector.shape_cast %swap3A_530 : vector<1x16xf32> to vector<16xf32>
      %swap3A_532 = vector.shape_cast %get3A_527 : vector<16xf32> to vector<1x16xf32>
      tpu.vector_store %arg9[%swap3A_528, %swap3A_529], %swap3A_532 {add = true, strides = array<i32>} : memref<128x128xf32, #tpu.memory_space<vmem>>, vector<1x16xf32>,
      %add3A_533 = arith.constant 0 : i32
      %add3A_534 = arith.addi %add3A_533, %add3A_479 : i32
      %get3A_535 = arith.index_cast %add3A_534 : i32 to index
      %get3A_536 = arith.constant 80 : index
      %get3A_537 = tpu.vector_load %arg7[%get3A_535, %get3A_536] {strides = array<i32>} : memref<200x128xf32, #tpu.memory_space<vmem>>, vector<1x16xf32>,
      %get3A_538 = vector.shape_cast %get3A_537 : vector<1x16xf32> to vector<16xf32>
      %swap3A_539 = arith.index_cast %add3A_479 : i32 to index
      %swap3A_540 = arith.constant 80 : index
      %swap3A_541 = tpu.vector_load %arg9[%swap3A_539, %swap3A_540] {strides = array<i32>} : memref<128x128xf32, #tpu.memory_space<vmem>>, vector<1x16xf32>,
      %swap3A_542 = vector.shape_cast %swap3A_541 : vector<1x16xf32> to vector<16xf32>
      %swap3A_543 = vector.shape_cast %get3A_538 : vector<16xf32> to vector<1x16xf32>
      tpu.vector_store %arg9[%swap3A_539, %swap3A_540], %swap3A_543 {add = true, strides = array<i32>} : memref<128x128xf32, #tpu.memory_space<vmem>>, vector<1x16xf32>,
      %add3A_544 = arith.constant 0 : i32
      %add3A_545 = arith.addi %add3A_544, %add3A_479 : i32
      %get3A_546 = arith.index_cast %add3A_545 : i32 to index
      %get3A_547 = arith.constant 96 : index
      %get3A_548 = tpu.vector_load %arg7[%get3A_546, %get3A_547] {strides = array<i32>} : memref<200x128xf32, #tpu.memory_space<vmem>>, vector<1x16xf32>,
      %get3A_549 = vector.shape_cast %get3A_548 : vector<1x16xf32> to vector<16xf32>
      %swap3A_550 = arith.index_cast %add3A_479 : i32 to index
      %swap3A_551 = arith.constant 96 : index
      %swap3A_552 = tpu.vector_load %arg9[%swap3A_550, %swap3A_551] {strides = array<i32>} : memref<128x128xf32, #tpu.memory_space<vmem>>, vector<1x16xf32>,
      %swap3A_553 = vector.shape_cast %swap3A_552 : vector<1x16xf32> to vector<16xf32>
      %swap3A_554 = vector.shape_cast %get3A_549 : vector<16xf32> to vector<1x16xf32>
      tpu.vector_store %arg9[%swap3A_550, %swap3A_551], %swap3A_554 {add = true, strides = array<i32>} : memref<128x128xf32, #tpu.memory_space<vmem>>, vector<1x16xf32>,
      %add3A_555 = arith.constant 0 : i32
      %add3A_556 = arith.addi %add3A_555, %add3A_479 : i32
      %get3A_557 = arith.index_cast %add3A_556 : i32 to index
      %get3A_558 = arith.constant 112 : index
      %get3A_559 = tpu.vector_load %arg7[%get3A_557, %get3A_558] {strides = array<i32>} : memref<200x128xf32, #tpu.memory_space<vmem>>, vector<1x16xf32>,
      %get3A_560 = vector.shape_cast %get3A_559 : vector<1x16xf32> to vector<16xf32>
      %swap3A_561 = arith.index_cast %add3A_479 : i32 to index
      %swap3A_562 = arith.constant 112 : index
      %swap3A_563 = tpu.vector_load %arg9[%swap3A_561, %swap3A_562] {strides = array<i32>} : memref<128x128xf32, #tpu.memory_space<vmem>>, vector<1x16xf32>,
      %swap3A_564 = vector.shape_cast %swap3A_563 : vector<1x16xf32> to vector<16xf32>
      %swap3A_565 = vector.shape_cast %get3A_560 : vector<16xf32> to vector<1x16xf32>
      tpu.vector_store %arg9[%swap3A_561, %swap3A_562], %swap3A_565 {add = true, strides = array<i32>} : memref<128x128xf32, #tpu.memory_space<vmem>>, vector<1x16xf32>,
    }
    %scan3A_126 = arith.constant 128 : i32
    %add3A_127 = arith.constant 1 : i32
    %add3A_128 = arith.addi %mul3A_2, %add3A_127 : i32
    %mul3A_129 = arith.constant 200 : i32
    %mul3A_130 = arith.muli %add3A_128, %mul3A_129 : i32
    %dma_start3A_131 = arith.constant 0 : i32
    %dma_start3A_132 = tpu.memref_slice %arg5[%mul3A_130, %dma_start3A_131] : memref<204800x128xf32, #tpu.memory_space<hbm>> -> memref<128x128xf32, #tpu.memory_space<hbm>>
    %dma_start3A_133 = arith.constant 0 : i32
    %dma_start3A_134 = tpu.memref_slice %arg5[%mul3A_130, %dma_start3A_133] : memref<204800x128xf32, #tpu.memory_space<hbm>> -> memref<128x128xf32, #tpu.memory_space<hbm>>
    tpu.enqueue_dma source(%arg9 : memref<128x128xf32, #tpu.memory_space<vmem>>) target(%dma_start3A_134 : memref<128x128xf32, #tpu.memory_space<hbm>>) target_semaphore(%arg21 : memref<!tpu.dma_semaphore, #tpu.memory_space<semaphore_mem>>)
    %add3A_135 = arith.constant 2 : i32
    %add3A_136 = arith.addi %mul3A_2, %add3A_135 : i32
    %mul3A_137 = arith.constant 200 : i32
    %mul3A_138 = arith.muli %add3A_136, %mul3A_137 : i32
    %add3A_139 = arith.constant 128 : i32
    %add3A_140 = arith.addi %mul3A_138, %add3A_139 : i32
    %dma_start3A_141 = arith.constant 2 : i32
    %dma_start3A_142 = arith.constant 128 : i32
    %dma_start3A_143 = tpu.memref_slice %arg6[%dma_start3A_141, %dma_start3A_142] : memref<32x200xi32, #tpu.memory_space<vmem>> -> memref<1x72xi32, #tpu.memory_space<vmem>>
    %dma_start3A_144 = tpu.memref_squeeze %dma_start3A_143 : memref<1x72xi32, #tpu.memory_space<vmem>> -> memref<72xi32, #tpu.memory_space<vmem>>
    %dma_start3A_145 = arith.constant 0 : i32
    %dma_start3A_146 = arith.constant 0 : i32
    %dma_start3A_147 = tpu.memref_slice %arg2[%dma_start3A_145, %dma_start3A_146] : memref<100000x128xf32, #tpu.memory_space<hbm>> -> memref<100000x128xf32, #tpu.memory_space<hbm>>
    tpu.enqueue_indirect_dma source(%dma_start3A_147 : memref<100000x128xf32, #tpu.memory_space<hbm>>) target(%arg13 : memref<72x128xf32, #tpu.memory_space<vmem>>) offsets(%dma_start3A_144 : memref<72xi32, #tpu.memory_space<vmem>>) semaphore(%arg19 : memref<!tpu.dma_semaphore, #tpu.memory_space<semaphore_mem>>)
    %add3A_148 = arith.constant 1 : i32
    %add3A_149 = arith.addi %mul3A_2, %add3A_148 : i32
    %mul3A_150 = arith.constant 200 : i32
    %mul3A_151 = arith.muli %add3A_149, %mul3A_150 : i32
    %add3A_152 = arith.constant 128 : i32
    %add3A_153 = arith.addi %mul3A_151, %add3A_152 : i32
    %dma_wait3A_154 = arith.constant 1 : i32
    %dma_wait3A_155 = arith.constant 128 : i32
    %dma_wait3A_156 = tpu.memref_slice %arg6[%dma_wait3A_154, %dma_wait3A_155] : memref<32x200xi32, #tpu.memory_space<vmem>> -> memref<1x72xi32, #tpu.memory_space<vmem>>
    %dma_wait3A_157 = tpu.memref_squeeze %dma_wait3A_156 : memref<1x72xi32, #tpu.memory_space<vmem>> -> memref<72xi32, #tpu.memory_space<vmem>>
    %dma_wait3A_158 = arith.constant 0 : i32
    %dma_wait3A_159 = arith.constant 0 : i32
    %dma_wait3A_160 = tpu.memref_slice %arg2[%dma_wait3A_158, %dma_wait3A_159] : memref<100000x128xf32, #tpu.memory_space<hbm>> -> memref<100000x128xf32, #tpu.memory_space<hbm>>
    tpu.wait_indirect_dma semaphore(%arg18 : memref<!tpu.dma_semaphore, #tpu.memory_space<semaphore_mem>>) src(%dma_wait3A_160 : memref<100000x128xf32, #tpu.memory_space<hbm>>) dst(%arg12 : memref<72x128xf32, #tpu.memory_space<vmem>>)
    %scan3A_161 = arith.constant 0 : i32
    %scan3A_162 = arith.constant 72 : i32
    %scan3A_163 = arith.addi %scan3A_161, %scan3A_162 : i32
    %scan3A_164 = arith.constant 1 : i32
    scf.for %scan3A_475 = %scan3A_161 to %scan3A_163 step %scan3A_164  : i32 {
      %mul3A_476 = arith.constant 1 : i32
      %mul3A_477 = arith.muli %scan3A_475, %mul3A_476 : i32
      %add3A_478 = arith.constant 0 : i32
      %add3A_479 = arith.addi %add3A_478, %mul3A_477 : i32
      %add3A_480 = arith.constant 128 : i32
      %add3A_481 = arith.addi %add3A_480, %add3A_479 : i32
      %get3A = arith.index_cast %add3A_481 : i32 to index
      %get3A_482 = arith.constant 0 : index
      %get3A_483 = tpu.vector_load %arg7[%get3A, %get3A_482] {strides = array<i32>} : memref<200x128xf32, #tpu.memory_space<vmem>>, vector<1x16xf32>,
      %get3A_484 = vector.shape_cast %get3A_483 : vector<1x16xf32> to vector<16xf32>
      %swap3A = arith.index_cast %add3A_479 : i32 to index
      %swap3A_485 = arith.constant 0 : index
      %swap3A_486 = tpu.vector_load %arg12[%swap3A, %swap3A_485] {strides = array<i32>} : memref<72x128xf32, #tpu.memory_space<vmem>>, vector<1x16xf32>,
      %swap3A_487 = vector.shape_cast %swap3A_486 : vector<1x16xf32> to vector<16xf32>
      %swap3A_488 = vector.shape_cast %get3A_484 : vector<16xf32> to vector<1x16xf32>
      tpu.vector_store %arg12[%swap3A, %swap3A_485], %swap3A_488 {add = true, strides = array<i32>} : memref<72x128xf32, #tpu.memory_space<vmem>>, vector<1x16xf32>,
      %add3A_489 = arith.constant 128 : i32
      %add3A_490 = arith.addi %add3A_489, %add3A_479 : i32
      %get3A_491 = arith.index_cast %add3A_490 : i32 to index
      %get3A_492 = arith.constant 16 : index
      %get3A_493 = tpu.vector_load %arg7[%get3A_491, %get3A_492] {strides = array<i32>} : memref<200x128xf32, #tpu.memory_space<vmem>>, vector<1x16xf32>,
      %get3A_494 = vector.shape_cast %get3A_493 : vector<1x16xf32> to vector<16xf32>
      %swap3A_495 = arith.index_cast %add3A_479 : i32 to index
      %swap3A_496 = arith.constant 16 : index
      %swap3A_497 = tpu.vector_load %arg12[%swap3A_495, %swap3A_496] {strides = array<i32>} : memref<72x128xf32, #tpu.memory_space<vmem>>, vector<1x16xf32>,
      %swap3A_498 = vector.shape_cast %swap3A_497 : vector<1x16xf32> to vector<16xf32>
      %swap3A_499 = vector.shape_cast %get3A_494 : vector<16xf32> to vector<1x16xf32>
      tpu.vector_store %arg12[%swap3A_495, %swap3A_496], %swap3A_499 {add = true, strides = array<i32>} : memref<72x128xf32, #tpu.memory_space<vmem>>, vector<1x16xf32>,
      %add3A_500 = arith.constant 128 : i32
      %add3A_501 = arith.addi %add3A_500, %add3A_479 : i32
      %get3A_502 = arith.index_cast %add3A_501 : i32 to index
      %get3A_503 = arith.constant 32 : index
      %get3A_504 = tpu.vector_load %arg7[%get3A_502, %get3A_503] {strides = array<i32>} : memref<200x128xf32, #tpu.memory_space<vmem>>, vector<1x16xf32>,
      %get3A_505 = vector.shape_cast %get3A_504 : vector<1x16xf32> to vector<16xf32>
      %swap3A_506 = arith.index_cast %add3A_479 : i32 to index
      %swap3A_507 = arith.constant 32 : index
      %swap3A_508 = tpu.vector_load %arg12[%swap3A_506, %swap3A_507] {strides = array<i32>} : memref<72x128xf32, #tpu.memory_space<vmem>>, vector<1x16xf32>,
      %swap3A_509 = vector.shape_cast %swap3A_508 : vector<1x16xf32> to vector<16xf32>
      %swap3A_510 = vector.shape_cast %get3A_505 : vector<16xf32> to vector<1x16xf32>
      tpu.vector_store %arg12[%swap3A_506, %swap3A_507], %swap3A_510 {add = true, strides = array<i32>} : memref<72x128xf32, #tpu.memory_space<vmem>>, vector<1x16xf32>,
      %add3A_511 = arith.constant 128 : i32
      %add3A_512 = arith.addi %add3A_511, %add3A_479 : i32
      %get3A_513 = arith.index_cast %add3A_512 : i32 to index
      %get3A_514 = arith.constant 48 : index
      %get3A_515 = tpu.vector_load %arg7[%get3A_513, %get3A_514] {strides = array<i32>} : memref<200x128xf32, #tpu.memory_space<vmem>>, vector<1x16xf32>,
      %get3A_516 = vector.shape_cast %get3A_515 : vector<1x16xf32> to vector<16xf32>
      %swap3A_517 = arith.index_cast %add3A_479 : i32 to index
      %swap3A_518 = arith.constant 48 : index
      %swap3A_519 = tpu.vector_load %arg12[%swap3A_517, %swap3A_518] {strides = array<i32>} : memref<72x128xf32, #tpu.memory_space<vmem>>, vector<1x16xf32>,
      %swap3A_520 = vector.shape_cast %swap3A_519 : vector<1x16xf32> to vector<16xf32>
      %swap3A_521 = vector.shape_cast %get3A_516 : vector<16xf32> to vector<1x16xf32>
      tpu.vector_store %arg12[%swap3A_517, %swap3A_518], %swap3A_521 {add = true, strides = array<i32>} : memref<72x128xf32, #tpu.memory_space<vmem>>, vector<1x16xf32>,
      %add3A_522 = arith.constant 128 : i32
      %add3A_523 = arith.addi %add3A_522, %add3A_479 : i32
      %get3A_524 = arith.index_cast %add3A_523 : i32 to index
      %get3A_525 = arith.constant 64 : index
      %get3A_526 = tpu.vector_load %arg7[%get3A_524, %get3A_525] {strides = array<i32>} : memref<200x128xf32, #tpu.memory_space<vmem>>, vector<1x16xf32>,
      %get3A_527 = vector.shape_cast %get3A_526 : vector<1x16xf32> to vector<16xf32>
      %swap3A_528 = arith.index_cast %add3A_479 : i32 to index
      %swap3A_529 = arith.constant 64 : index
      %swap3A_530 = tpu.vector_load %arg12[%swap3A_528, %swap3A_529] {strides = array<i32>} : memref<72x128xf32, #tpu.memory_space<vmem>>, vector<1x16xf32>,
      %swap3A_531 = vector.shape_cast %swap3A_530 : vector<1x16xf32> to vector<16xf32>
      %swap3A_532 = vector.shape_cast %get3A_527 : vector<16xf32> to vector<1x16xf32>
      tpu.vector_store %arg12[%swap3A_528, %swap3A_529], %swap3A_532 {add = true, strides = array<i32>} : memref<72x128xf32, #tpu.memory_space<vmem>>, vector<1x16xf32>,
      %add3A_533 = arith.constant 128 : i32
      %add3A_534 = arith.addi %add3A_533, %add3A_479 : i32
      %get3A_535 = arith.index_cast %add3A_534 : i32 to index
      %get3A_536 = arith.constant 80 : index
      %get3A_537 = tpu.vector_load %arg7[%get3A_535, %get3A_536] {strides = array<i32>} : memref<200x128xf32, #tpu.memory_space<vmem>>, vector<1x16xf32>,
      %get3A_538 = vector.shape_cast %get3A_537 : vector<1x16xf32> to vector<16xf32>
      %swap3A_539 = arith.index_cast %add3A_479 : i32 to index
      %swap3A_540 = arith.constant 80 : index
      %swap3A_541 = tpu.vector_load %arg12[%swap3A_539, %swap3A_540] {strides = array<i32>} : memref<72x128xf32, #tpu.memory_space<vmem>>, vector<1x16xf32>,
      %swap3A_542 = vector.shape_cast %swap3A_541 : vector<1x16xf32> to vector<16xf32>
      %swap3A_543 = vector.shape_cast %get3A_538 : vector<16xf32> to vector<1x16xf32>
      tpu.vector_store %arg12[%swap3A_539, %swap3A_540], %swap3A_543 {add = true, strides = array<i32>} : memref<72x128xf32, #tpu.memory_space<vmem>>, vector<1x16xf32>,
      %add3A_544 = arith.constant 128 : i32
      %add3A_545 = arith.addi %add3A_544, %add3A_479 : i32
      %get3A_546 = arith.index_cast %add3A_545 : i32 to index
      %get3A_547 = arith.constant 96 : index
      %get3A_548 = tpu.vector_load %arg7[%get3A_546, %get3A_547] {strides = array<i32>} : memref<200x128xf32, #tpu.memory_space<vmem>>, vector<1x16xf32>,
      %get3A_549 = vector.shape_cast %get3A_548 : vector<1x16xf32> to vector<16xf32>
      %swap3A_550 = arith.index_cast %add3A_479 : i32 to index
      %swap3A_551 = arith.constant 96 : index
      %swap3A_552 = tpu.vector_load %arg12[%swap3A_550, %swap3A_551] {strides = array<i32>} : memref<72x128xf32, #tpu.memory_space<vmem>>, vector<1x16xf32>,
      %swap3A_553 = vector.shape_cast %swap3A_552 : vector<1x16xf32> to vector<16xf32>
      %swap3A_554 = vector.shape_cast %get3A_549 : vector<16xf32> to vector<1x16xf32>
      tpu.vector_store %arg12[%swap3A_550, %swap3A_551], %swap3A_554 {add = true, strides = array<i32>} : memref<72x128xf32, #tpu.memory_space<vmem>>, vector<1x16xf32>,
      %add3A_555 = arith.constant 128 : i32
      %add3A_556 = arith.addi %add3A_555, %add3A_479 : i32
      %get3A_557 = arith.index_cast %add3A_556 : i32 to index
      %get3A_558 = arith.constant 112 : index
      %get3A_559 = tpu.vector_load %arg7[%get3A_557, %get3A_558] {strides = array<i32>} : memref<200x128xf32, #tpu.memory_space<vmem>>, vector<1x16xf32>,
      %get3A_560 = vector.shape_cast %get3A_559 : vector<1x16xf32> to vector<16xf32>
      %swap3A_561 = arith.index_cast %add3A_479 : i32 to index
      %swap3A_562 = arith.constant 112 : index
      %swap3A_563 = tpu.vector_load %arg12[%swap3A_561, %swap3A_562] {strides = array<i32>} : memref<72x128xf32, #tpu.memory_space<vmem>>, vector<1x16xf32>,
      %swap3A_564 = vector.shape_cast %swap3A_563 : vector<1x16xf32> to vector<16xf32>
      %swap3A_565 = vector.shape_cast %get3A_560 : vector<16xf32> to vector<1x16xf32>
      tpu.vector_store %arg12[%swap3A_561, %swap3A_562], %swap3A_565 {add = true, strides = array<i32>} : memref<72x128xf32, #tpu.memory_space<vmem>>, vector<1x16xf32>,
    }
    %scan3A_165 = arith.constant 72 : i32
    %add3A_166 = arith.constant 1 : i32
    %add3A_167 = arith.addi %mul3A_2, %add3A_166 : i32
    %mul3A_168 = arith.constant 200 : i32
    %mul3A_169 = arith.muli %add3A_167, %mul3A_168 : i32
    %add3A_170 = arith.constant 128 : i32
    %add3A_171 = arith.addi %mul3A_169, %add3A_170 : i32
    %dma_start3A_172 = arith.constant 0 : i32
    %dma_start3A_173 = tpu.memref_slice %arg5[%add3A_171, %dma_start3A_172] : memref<204800x128xf32, #tpu.memory_space<hbm>> -> memref<72x128xf32, #tpu.memory_space<hbm>>
    %dma_start3A_174 = arith.constant 0 : i32
    %dma_start3A_175 = tpu.memref_slice %arg5[%add3A_171, %dma_start3A_174] : memref<204800x128xf32, #tpu.memory_space<hbm>> -> memref<72x128xf32, #tpu.memory_space<hbm>>
    tpu.enqueue_dma source(%arg12 : memref<72x128xf32, #tpu.memory_space<vmem>>) target(%dma_start3A_175 : memref<72x128xf32, #tpu.memory_space<hbm>>) target_semaphore(%arg24 : memref<!tpu.dma_semaphore, #tpu.memory_space<semaphore_mem>>)
    %scan3A_176 = arith.constant 0 : i32
    %scan3A_177 = arith.constant 9 : i32
    %scan3A_178 = arith.addi %scan3A_176, %scan3A_177 : i32
    %scan3A_179 = arith.constant 1 : i32
    scf.for %scan3A_475 = %scan3A_176 to %scan3A_178 step %scan3A_179  : i32 {
      %mul3A_476 = arith.constant 6 : i32
      %mul3A_477 = arith.muli %scan3A_475, %mul3A_476 : i32
      %add3A_478 = arith.constant 4 : i32
      %add3A_479 = arith.addi %add3A_478, %mul3A_477 : i32
      %add3A_480 = arith.constant 0 : i32
      %add3A_481 = arith.addi %add3A_479, %add3A_480 : i32
      %sub3A = arith.constant 4 : i32
      %sub3A_482 = arith.subi %add3A_481, %sub3A : i32
      %jit3A = arith.constant 2 : i32
      %div3A = arith.divsi %sub3A_482, %jit3A : i32
      %sign3A = arith.constant 0 : i32
      %sign3A_483 = arith.cmpi sgt, %sub3A_482, %sign3A : i32
      %sign3A_484 = arith.extui %sign3A_483 : i1 to i32
      %sign3A_485 = arith.constant 0 : i32
      %sign3A_486 = arith.cmpi slt, %sub3A_482, %sign3A_485 : i32
      %sign3A_487 = arith.extui %sign3A_486 : i1 to i32
      %sign3A_488 = arith.subi %sign3A_484, %sign3A_487 : i32
      %sign3A_489 = arith.constant 0 : i32
      %sign3A_490 = arith.cmpi sgt, %jit3A, %sign3A_489 : i32
      %sign3A_491 = arith.extui %sign3A_490 : i1 to i32
      %sign3A_492 = arith.constant 0 : i32
      %sign3A_493 = arith.cmpi slt, %jit3A, %sign3A_492 : i32
      %sign3A_494 = arith.extui %sign3A_493 : i1 to i32
      %sign3A_495 = arith.subi %sign3A_491, %sign3A_494 : i32
      %ne3A = arith.cmpi ne, %sign3A_488, %sign3A_495 : i32
      %rem3A = arith.remsi %sub3A_482, %jit3A : i32
      %ne3A_496 = arith.constant 0 : i32
      %ne3A_497 = arith.cmpi ne, %rem3A, %ne3A_496 : i32
      %and3A = arith.andi %ne3A, %ne3A_497 : i1
      %sub3A_498 = arith.constant 1 : i32
      %sub3A_499 = arith.subi %div3A, %sub3A_498 : i32
      %select_n3A = arith.select %and3A, %sub3A_499, %div3A : i32
      %add3A_500 = arith.addi %mul3A_2, %select_n3A : i32
      %mul3A_501 = arith.constant 200 : i32
      %mul3A_502 = arith.muli %add3A_500, %mul3A_501 : i32
      %dma_wait3A_503 = arith.constant 0 : i32
      %dma_wait3A_504 = tpu.memref_slice %arg5[%mul3A_502, %dma_wait3A_503] : memref<204800x128xf32, #tpu.memory_space<hbm>> -> memref<128x128xf32, #tpu.memory_space<hbm>>
      %dma_wait3A_505 = arith.constant 0 : i32
      %dma_wait3A_506 = tpu.memref_slice %arg5[%mul3A_502, %dma_wait3A_505] : memref<204800x128xf32, #tpu.memory_space<hbm>> -> memref<128x128xf32, #tpu.memory_space<hbm>>
      tpu.wait_dma2 semaphore(%arg20 : memref<!tpu.dma_semaphore, #tpu.memory_space<semaphore_mem>>) src(%arg8 : memref<128x128xf32, #tpu.memory_space<vmem>>) dst(%dma_wait3A_506 : memref<128x128xf32, #tpu.memory_space<hbm>>)
      %add3A_507 = arith.constant 2 : i32
      %add3A_508 = arith.addi %add3A_481, %add3A_507 : i32
      %jit3A_509 = arith.constant 2 : i32
      %div3A_510 = arith.divsi %add3A_508, %jit3A_509 : i32
      %sign3A_511 = arith.constant 0 : i32
      %sign3A_512 = arith.cmpi sgt, %add3A_508, %sign3A_511 : i32
      %sign3A_513 = arith.extui %sign3A_512 : i1 to i32
      %sign3A_514 = arith.constant 0 : i32
      %sign3A_515 = arith.cmpi slt, %add3A_508, %sign3A_514 : i32
      %sign3A_516 = arith.extui %sign3A_515 : i1 to i32
      %sign3A_517 = arith.subi %sign3A_513, %sign3A_516 : i32
      %sign3A_518 = arith.constant 0 : i32
      %sign3A_519 = arith.cmpi sgt, %jit3A_509, %sign3A_518 : i32
      %sign3A_520 = arith.extui %sign3A_519 : i1 to i32
      %sign3A_521 = arith.constant 0 : i32
      %sign3A_522 = arith.cmpi slt, %jit3A_509, %sign3A_521 : i32
      %sign3A_523 = arith.extui %sign3A_522 : i1 to i32
      %sign3A_524 = arith.subi %sign3A_520, %sign3A_523 : i32
      %ne3A_525 = arith.cmpi ne, %sign3A_517, %sign3A_524 : i32
      %rem3A_526 = arith.remsi %add3A_508, %jit3A_509 : i32
      %ne3A_527 = arith.constant 0 : i32
      %ne3A_528 = arith.cmpi ne, %rem3A_526, %ne3A_527 : i32
      %and3A_529 = arith.andi %ne3A_525, %ne3A_528 : i1
      %sub3A_530 = arith.constant 1 : i32
      %sub3A_531 = arith.subi %div3A_510, %sub3A_530 : i32
      %select_n3A_532 = arith.select %and3A_529, %sub3A_531, %div3A_510 : i32
      %add3A_533 = arith.addi %mul3A_2, %select_n3A_532 : i32
      %mul3A_534 = arith.constant 200 : i32
      %mul3A_535 = arith.muli %add3A_533, %mul3A_534 : i32
      %dma_start3A_536 = arith.constant 0 : i32
      %dma_start3A_537 = tpu.memref_slice %arg6[%select_n3A_532, %dma_start3A_536] : memref<32x200xi32, #tpu.memory_space<vmem>> -> memref<1x128xi32, #tpu.memory_space<vmem>>
      %dma_start3A_538 = tpu.memref_squeeze %dma_start3A_537 : memref<1x128xi32, #tpu.memory_space<vmem>> -> memref<128xi32, #tpu.memory_space<vmem>>
      %dma_start3A_539 = arith.constant 0 : i32
      %dma_start3A_540 = arith.constant 0 : i32
      %dma_start3A_541 = tpu.memref_slice %arg2[%dma_start3A_539, %dma_start3A_540] : memref<100000x128xf32, #tpu.memory_space<hbm>> -> memref<100000x128xf32, #tpu.memory_space<hbm>>
      tpu.enqueue_indirect_dma source(%dma_start3A_541 : memref<100000x128xf32, #tpu.memory_space<hbm>>) target(%arg8 : memref<128x128xf32, #tpu.memory_space<vmem>>) offsets(%dma_start3A_538 : memref<128xi32, #tpu.memory_space<vmem>>) semaphore(%arg14 : memref<!tpu.dma_semaphore, #tpu.memory_space<semaphore_mem>>)
      %jit3A_542 = arith.constant 2 : i32
      %div3A_543 = arith.divsi %add3A_481, %jit3A_542 : i32
      %sign3A_544 = arith.constant 0 : i32
      %sign3A_545 = arith.cmpi sgt, %add3A_481, %sign3A_544 : i32
      %sign3A_546 = arith.extui %sign3A_545 : i1 to i32
      %sign3A_547 = arith.constant 0 : i32
      %sign3A_548 = arith.cmpi slt, %add3A_481, %sign3A_547 : i32
      %sign3A_549 = arith.extui %sign3A_548 : i1 to i32
      %sign3A_550 = arith.subi %sign3A_546, %sign3A_549 : i32
      %sign3A_551 = arith.constant 0 : i32
      %sign3A_552 = arith.cmpi sgt, %jit3A_542, %sign3A_551 : i32
      %sign3A_553 = arith.extui %sign3A_552 : i1 to i32
      %sign3A_554 = arith.constant 0 : i32
      %sign3A_555 = arith.cmpi slt, %jit3A_542, %sign3A_554 : i32
      %sign3A_556 = arith.extui %sign3A_555 : i1 to i32
      %sign3A_557 = arith.subi %sign3A_553, %sign3A_556 : i32
      %ne3A_558 = arith.cmpi ne, %sign3A_550, %sign3A_557 : i32
      %rem3A_559 = arith.remsi %add3A_481, %jit3A_542 : i32
      %ne3A_560 = arith.constant 0 : i32
      %ne3A_561 = arith.cmpi ne, %rem3A_559, %ne3A_560 : i32
      %and3A_562 = arith.andi %ne3A_558, %ne3A_561 : i1
      %sub3A_563 = arith.constant 1 : i32
      %sub3A_564 = arith.subi %div3A_543, %sub3A_563 : i32
      %select_n3A_565 = arith.select %and3A_562, %sub3A_564, %div3A_543 : i32
      %add3A_566 = arith.addi %mul3A_2, %select_n3A_565 : i32
      %mul3A_567 = arith.constant 200 : i32
      %mul3A_568 = arith.muli %add3A_566, %mul3A_567 : i32
      %dma_wait3A_569 = arith.constant 0 : i32
      %dma_wait3A_570 = tpu.memref_slice %arg6[%select_n3A_565, %dma_wait3A_569] : memref<32x200xi32, #tpu.memory_space<vmem>> -> memref<1x128xi32, #tpu.memory_space<vmem>>
      %dma_wait3A_571 = tpu.memref_squeeze %dma_wait3A_570 : memref<1x128xi32, #tpu.memory_space<vmem>> -> memref<128xi32, #tpu.memory_space<vmem>>
      %dma_wait3A_572 = arith.constant 0 : i32
      %dma_wait3A_573 = arith.constant 0 : i32
      %dma_wait3A_574 = tpu.memref_slice %arg2[%dma_wait3A_572, %dma_wait3A_573] : memref<100000x128xf32, #tpu.memory_space<hbm>> -> memref<100000x128xf32, #tpu.memory_space<hbm>>
      tpu.wait_indirect_dma semaphore(%arg16 : memref<!tpu.dma_semaphore, #tpu.memory_space<semaphore_mem>>) src(%dma_wait3A_574 : memref<100000x128xf32, #tpu.memory_space<hbm>>) dst(%arg10 : memref<128x128xf32, #tpu.memory_space<vmem>>)
      %scan3A_575 = arith.constant 0 : i32
      %scan3A_576 = arith.constant 128 : i32
      %scan3A_577 = arith.addi %scan3A_575, %scan3A_576 : i32
      %scan3A_578 = arith.constant 1 : i32
      scf.for %scan3A_1330 = %scan3A_575 to %scan3A_577 step %scan3A_578  : i32 {
        %mul3A_1331 = arith.constant 1 : i32
        %mul3A_1332 = arith.muli %scan3A_1330, %mul3A_1331 : i32
        %add3A_1333 = arith.constant 0 : i32
        %add3A_1334 = arith.addi %add3A_1333, %mul3A_1332 : i32
        %add3A_1335 = arith.constant 0 : i32
        %add3A_1336 = arith.addi %add3A_1335, %add3A_1334 : i32
        %get3A = arith.index_cast %add3A_1336 : i32 to index
        %get3A_1337 = arith.constant 0 : index
        %get3A_1338 = tpu.vector_load %arg7[%get3A, %get3A_1337] {strides = array<i32>} : memref<200x128xf32, #tpu.memory_space<vmem>>, vector<1x16xf32>,
        %get3A_1339 = vector.shape_cast %get3A_1338 : vector<1x16xf32> to vector<16xf32>
        %swap3A = arith.index_cast %add3A_1334 : i32 to index
        %swap3A_1340 = arith.constant 0 : index
        %swap3A_1341 = tpu.vector_load %arg10[%swap3A, %swap3A_1340] {strides = array<i32>} : memref<128x128xf32, #tpu.memory_space<vmem>>, vector<1x16xf32>,
        %swap3A_1342 = vector.shape_cast %swap3A_1341 : vector<1x16xf32> to vector<16xf32>
        %swap3A_1343 = vector.shape_cast %get3A_1339 : vector<16xf32> to vector<1x16xf32>
        tpu.vector_store %arg10[%swap3A, %swap3A_1340], %swap3A_1343 {add = true, strides = array<i32>} : memref<128x128xf32, #tpu.memory_space<vmem>>, vector<1x16xf32>,
        %add3A_1344 = arith.constant 0 : i32
        %add3A_1345 = arith.addi %add3A_1344, %add3A_1334 : i32
        %get3A_1346 = arith.index_cast %add3A_1345 : i32 to index
        %get3A_1347 = arith.constant 16 : index
        %get3A_1348 = tpu.vector_load %arg7[%get3A_1346, %get3A_1347] {strides = array<i32>} : memref<200x128xf32, #tpu.memory_space<vmem>>, vector<1x16xf32>,
        %get3A_1349 = vector.shape_cast %get3A_1348 : vector<1x16xf32> to vector<16xf32>
        %swap3A_1350 = arith.index_cast %add3A_1334 : i32 to index
        %swap3A_1351 = arith.constant 16 : index
        %swap3A_1352 = tpu.vector_load %arg10[%swap3A_1350, %swap3A_1351] {strides = array<i32>} : memref<128x128xf32, #tpu.memory_space<vmem>>, vector<1x16xf32>,
        %swap3A_1353 = vector.shape_cast %swap3A_1352 : vector<1x16xf32> to vector<16xf32>
        %swap3A_1354 = vector.shape_cast %get3A_1349 : vector<16xf32> to vector<1x16xf32>
        tpu.vector_store %arg10[%swap3A_1350, %swap3A_1351], %swap3A_1354 {add = true, strides = array<i32>} : memref<128x128xf32, #tpu.memory_space<vmem>>, vector<1x16xf32>,
        %add3A_1355 = arith.constant 0 : i32
        %add3A_1356 = arith.addi %add3A_1355, %add3A_1334 : i32
        %get3A_1357 = arith.index_cast %add3A_1356 : i32 to index
        %get3A_1358 = arith.constant 32 : index
        %get3A_1359 = tpu.vector_load %arg7[%get3A_1357, %get3A_1358] {strides = array<i32>} : memref<200x128xf32, #tpu.memory_space<vmem>>, vector<1x16xf32>,
        %get3A_1360 = vector.shape_cast %get3A_1359 : vector<1x16xf32> to vector<16xf32>
        %swap3A_1361 = arith.index_cast %add3A_1334 : i32 to index
        %swap3A_1362 = arith.constant 32 : index
        %swap3A_1363 = tpu.vector_load %arg10[%swap3A_1361, %swap3A_1362] {strides = array<i32>} : memref<128x128xf32, #tpu.memory_space<vmem>>, vector<1x16xf32>,
        %swap3A_1364 = vector.shape_cast %swap3A_1363 : vector<1x16xf32> to vector<16xf32>
        %swap3A_1365 = vector.shape_cast %get3A_1360 : vector<16xf32> to vector<1x16xf32>
        tpu.vector_store %arg10[%swap3A_1361, %swap3A_1362], %swap3A_1365 {add = true, strides = array<i32>} : memref<128x128xf32, #tpu.memory_space<vmem>>, vector<1x16xf32>,
        %add3A_1366 = arith.constant 0 : i32
        %add3A_1367 = arith.addi %add3A_1366, %add3A_1334 : i32
        %get3A_1368 = arith.index_cast %add3A_1367 : i32 to index
        %get3A_1369 = arith.constant 48 : index
        %get3A_1370 = tpu.vector_load %arg7[%get3A_1368, %get3A_1369] {strides = array<i32>} : memref<200x128xf32, #tpu.memory_space<vmem>>, vector<1x16xf32>,
        %get3A_1371 = vector.shape_cast %get3A_1370 : vector<1x16xf32> to vector<16xf32>
        %swap3A_1372 = arith.index_cast %add3A_1334 : i32 to index
        %swap3A_1373 = arith.constant 48 : index
        %swap3A_1374 = tpu.vector_load %arg10[%swap3A_1372, %swap3A_1373] {strides = array<i32>} : memref<128x128xf32, #tpu.memory_space<vmem>>, vector<1x16xf32>,
        %swap3A_1375 = vector.shape_cast %swap3A_1374 : vector<1x16xf32> to vector<16xf32>
        %swap3A_1376 = vector.shape_cast %get3A_1371 : vector<16xf32> to vector<1x16xf32>
        tpu.vector_store %arg10[%swap3A_1372, %swap3A_1373], %swap3A_1376 {add = true, strides = array<i32>} : memref<128x128xf32, #tpu.memory_space<vmem>>, vector<1x16xf32>,
        %add3A_1377 = arith.constant 0 : i32
        %add3A_1378 = arith.addi %add3A_1377, %add3A_1334 : i32
        %get3A_1379 = arith.index_cast %add3A_1378 : i32 to index
        %get3A_1380 = arith.constant 64 : index
        %get3A_1381 = tpu.vector_load %arg7[%get3A_1379, %get3A_1380] {strides = array<i32>} : memref<200x128xf32, #tpu.memory_space<vmem>>, vector<1x16xf32>,
        %get3A_1382 = vector.shape_cast %get3A_1381 : vector<1x16xf32> to vector<16xf32>
        %swap3A_1383 = arith.index_cast %add3A_1334 : i32 to index
        %swap3A_1384 = arith.constant 64 : index
        %swap3A_1385 = tpu.vector_load %arg10[%swap3A_1383, %swap3A_1384] {strides = array<i32>} : memref<128x128xf32, #tpu.memory_space<vmem>>, vector<1x16xf32>,
        %swap3A_1386 = vector.shape_cast %swap3A_1385 : vector<1x16xf32> to vector<16xf32>
        %swap3A_1387 = vector.shape_cast %get3A_1382 : vector<16xf32> to vector<1x16xf32>
        tpu.vector_store %arg10[%swap3A_1383, %swap3A_1384], %swap3A_1387 {add = true, strides = array<i32>} : memref<128x128xf32, #tpu.memory_space<vmem>>, vector<1x16xf32>,
        %add3A_1388 = arith.constant 0 : i32
        %add3A_1389 = arith.addi %add3A_1388, %add3A_1334 : i32
        %get3A_1390 = arith.index_cast %add3A_1389 : i32 to index
        %get3A_1391 = arith.constant 80 : index
        %get3A_1392 = tpu.vector_load %arg7[%get3A_1390, %get3A_1391] {strides = array<i32>} : memref<200x128xf32, #tpu.memory_space<vmem>>, vector<1x16xf32>,
        %get3A_1393 = vector.shape_cast %get3A_1392 : vector<1x16xf32> to vector<16xf32>
        %swap3A_1394 = arith.index_cast %add3A_1334 : i32 to index
        %swap3A_1395 = arith.constant 80 : index
        %swap3A_1396 = tpu.vector_load %arg10[%swap3A_1394, %swap3A_1395] {strides = array<i32>} : memref<128x128xf32, #tpu.memory_space<vmem>>, vector<1x16xf32>,
        %swap3A_1397 = vector.shape_cast %swap3A_1396 : vector<1x16xf32> to vector<16xf32>
        %swap3A_1398 = vector.shape_cast %get3A_1393 : vector<16xf32> to vector<1x16xf32>
        tpu.vector_store %arg10[%swap3A_1394, %swap3A_1395], %swap3A_1398 {add = true, strides = array<i32>} : memref<128x128xf32, #tpu.memory_space<vmem>>, vector<1x16xf32>,
        %add3A_1399 = arith.constant 0 : i32
        %add3A_1400 = arith.addi %add3A_1399, %add3A_1334 : i32
        %get3A_1401 = arith.index_cast %add3A_1400 : i32 to index
        %get3A_1402 = arith.constant 96 : index
        %get3A_1403 = tpu.vector_load %arg7[%get3A_1401, %get3A_1402] {strides = array<i32>} : memref<200x128xf32, #tpu.memory_space<vmem>>, vector<1x16xf32>,
        %get3A_1404 = vector.shape_cast %get3A_1403 : vector<1x16xf32> to vector<16xf32>
        %swap3A_1405 = arith.index_cast %add3A_1334 : i32 to index
        %swap3A_1406 = arith.constant 96 : index
        %swap3A_1407 = tpu.vector_load %arg10[%swap3A_1405, %swap3A_1406] {strides = array<i32>} : memref<128x128xf32, #tpu.memory_space<vmem>>, vector<1x16xf32>,
        %swap3A_1408 = vector.shape_cast %swap3A_1407 : vector<1x16xf32> to vector<16xf32>
        %swap3A_1409 = vector.shape_cast %get3A_1404 : vector<16xf32> to vector<1x16xf32>
        tpu.vector_store %arg10[%swap3A_1405, %swap3A_1406], %swap3A_1409 {add = true, strides = array<i32>} : memref<128x128xf32, #tpu.memory_space<vmem>>, vector<1x16xf32>,
        %add3A_1410 = arith.constant 0 : i32
        %add3A_1411 = arith.addi %add3A_1410, %add3A_1334 : i32
        %get3A_1412 = arith.index_cast %add3A_1411 : i32 to index
        %get3A_1413 = arith.constant 112 : index
        %get3A_1414 = tpu.vector_load %arg7[%get3A_1412, %get3A_1413] {strides = array<i32>} : memref<200x128xf32, #tpu.memory_space<vmem>>, vector<1x16xf32>,
        %get3A_1415 = vector.shape_cast %get3A_1414 : vector<1x16xf32> to vector<16xf32>
        %swap3A_1416 = arith.index_cast %add3A_1334 : i32 to index
        %swap3A_1417 = arith.constant 112 : index
        %swap3A_1418 = tpu.vector_load %arg10[%swap3A_1416, %swap3A_1417] {strides = array<i32>} : memref<128x128xf32, #tpu.memory_space<vmem>>, vector<1x16xf32>,
        %swap3A_1419 = vector.shape_cast %swap3A_1418 : vector<1x16xf32> to vector<16xf32>
        %swap3A_1420 = vector.shape_cast %get3A_1415 : vector<16xf32> to vector<1x16xf32>
        tpu.vector_store %arg10[%swap3A_1416, %swap3A_1417], %swap3A_1420 {add = true, strides = array<i32>} : memref<128x128xf32, #tpu.memory_space<vmem>>, vector<1x16xf32>,
      }
      %scan3A_579 = arith.constant 128 : i32
      %jit3A_580 = arith.constant 2 : i32
      %div3A_581 = arith.divsi %add3A_481, %jit3A_580 : i32
      %sign3A_582 = arith.constant 0 : i32
      %sign3A_583 = arith.cmpi sgt, %add3A_481, %sign3A_582 : i32
      %sign3A_584 = arith.extui %sign3A_583 : i1 to i32
      %sign3A_585 = arith.constant 0 : i32
      %sign3A_586 = arith.cmpi slt, %add3A_481, %sign3A_585 : i32
      %sign3A_587 = arith.extui %sign3A_586 : i1 to i32
      %sign3A_588 = arith.subi %sign3A_584, %sign3A_587 : i32
      %sign3A_589 = arith.constant 0 : i32
      %sign3A_590 = arith.cmpi sgt, %jit3A_580, %sign3A_589 : i32
      %sign3A_591 = arith.extui %sign3A_590 : i1 to i32
      %sign3A_592 = arith.constant 0 : i32
      %sign3A_593 = arith.cmpi slt, %jit3A_580, %sign3A_592 : i32
      %sign3A_594 = arith.extui %sign3A_593 : i1 to i32
      %sign3A_595 = arith.subi %sign3A_591, %sign3A_594 : i32
      %ne3A_596 = arith.cmpi ne, %sign3A_588, %sign3A_595 : i32
      %rem3A_597 = arith.remsi %add3A_481, %jit3A_580 : i32
      %ne3A_598 = arith.constant 0 : i32
      %ne3A_599 = arith.cmpi ne, %rem3A_597, %ne3A_598 : i32
      %and3A_600 = arith.andi %ne3A_596, %ne3A_599 : i1
      %sub3A_601 = arith.constant 1 : i32
      %sub3A_602 = arith.subi %div3A_581, %sub3A_601 : i32
      %select_n3A_603 = arith.select %and3A_600, %sub3A_602, %div3A_581 : i32
      %add3A_604 = arith.addi %mul3A_2, %select_n3A_603 : i32
      %mul3A_605 = arith.constant 200 : i32
      %mul3A_606 = arith.muli %add3A_604, %mul3A_605 : i32
      %dma_start3A_607 = arith.constant 0 : i32
      %dma_start3A_608 = tpu.memref_slice %arg5[%mul3A_606, %dma_start3A_607] : memref<204800x128xf32, #tpu.memory_space<hbm>> -> memref<128x128xf32, #tpu.memory_space<hbm>>
      %dma_start3A_609 = arith.constant 0 : i32
      %dma_start3A_610 = tpu.memref_slice %arg5[%mul3A_606, %dma_start3A_609] : memref<204800x128xf32, #tpu.memory_space<hbm>> -> memref<128x128xf32, #tpu.memory_space<hbm>>
      tpu.enqueue_dma source(%arg10 : memref<128x128xf32, #tpu.memory_space<vmem>>) target(%dma_start3A_610 : memref<128x128xf32, #tpu.memory_space<hbm>>) target_semaphore(%arg22 : memref<!tpu.dma_semaphore, #tpu.memory_space<semaphore_mem>>)
      %add3A_611 = arith.constant 1 : i32
      %add3A_612 = arith.addi %add3A_479, %add3A_611 : i32
      %sub3A_613 = arith.constant 4 : i32
      %sub3A_614 = arith.subi %add3A_612, %sub3A_613 : i32
      %jit3A_615 = arith.constant 2 : i32
      %div3A_616 = arith.divsi %sub3A_614, %jit3A_615 : i32
      %sign3A_617 = arith.constant 0 : i32
      %sign3A_618 = arith.cmpi sgt, %sub3A_614, %sign3A_617 : i32
      %sign3A_619 = arith.extui %sign3A_618 : i1 to i32
      %sign3A_620 = arith.constant 0 : i32
      %sign3A_621 = arith.cmpi slt, %sub3A_614, %sign3A_620 : i32
      %sign3A_622 = arith.extui %sign3A_621 : i1 to i32
      %sign3A_623 = arith.subi %sign3A_619, %sign3A_622 : i32
      %sign3A_624 = arith.constant 0 : i32
      %sign3A_625 = arith.cmpi sgt, %jit3A_615, %sign3A_624 : i32
      %sign3A_626 = arith.extui %sign3A_625 : i1 to i32
      %sign3A_627 = arith.constant 0 : i32
      %sign3A_628 = arith.cmpi slt, %jit3A_615, %sign3A_627 : i32
      %sign3A_629 = arith.extui %sign3A_628 : i1 to i32
      %sign3A_630 = arith.subi %sign3A_626, %sign3A_629 : i32
      %ne3A_631 = arith.cmpi ne, %sign3A_623, %sign3A_630 : i32
      %rem3A_632 = arith.remsi %sub3A_614, %jit3A_615 : i32
      %ne3A_633 = arith.constant 0 : i32
      %ne3A_634 = arith.cmpi ne, %rem3A_632, %ne3A_633 : i32
      %and3A_635 = arith.andi %ne3A_631, %ne3A_634 : i1
      %sub3A_636 = arith.constant 1 : i32
      %sub3A_637 = arith.subi %div3A_616, %sub3A_636 : i32
      %select_n3A_638 = arith.select %and3A_635, %sub3A_637, %div3A_616 : i32
      %add3A_639 = arith.addi %mul3A_2, %select_n3A_638 : i32
      %mul3A_640 = arith.constant 200 : i32
      %mul3A_641 = arith.muli %add3A_639, %mul3A_640 : i32
      %add3A_642 = arith.constant 128 : i32
      %add3A_643 = arith.addi %mul3A_641, %add3A_642 : i32
      %dma_wait3A_644 = arith.constant 0 : i32
      %dma_wait3A_645 = tpu.memref_slice %arg5[%add3A_643, %dma_wait3A_644] : memref<204800x128xf32, #tpu.memory_space<hbm>> -> memref<72x128xf32, #tpu.memory_space<hbm>>
      %dma_wait3A_646 = arith.constant 0 : i32
      %dma_wait3A_647 = tpu.memref_slice %arg5[%add3A_643, %dma_wait3A_646] : memref<204800x128xf32, #tpu.memory_space<hbm>> -> memref<72x128xf32, #tpu.memory_space<hbm>>
      tpu.wait_dma2 semaphore(%arg23 : memref<!tpu.dma_semaphore, #tpu.memory_space<semaphore_mem>>) src(%arg11 : memref<72x128xf32, #tpu.memory_space<vmem>>) dst(%dma_wait3A_647 : memref<72x128xf32, #tpu.memory_space<hbm>>)
      %add3A_648 = arith.constant 2 : i32
      %add3A_649 = arith.addi %add3A_612, %add3A_648 : i32
      %jit3A_650 = arith.constant 2 : i32
      %div3A_651 = arith.divsi %add3A_649, %jit3A_650 : i32
      %sign3A_652 = arith.constant 0 : i32
      %sign3A_653 = arith.cmpi sgt, %add3A_649, %sign3A_652 : i32
      %sign3A_654 = arith.extui %sign3A_653 : i1 to i32
      %sign3A_655 = arith.constant 0 : i32
      %sign3A_656 = arith.cmpi slt, %add3A_649, %sign3A_655 : i32
      %sign3A_657 = arith.extui %sign3A_656 : i1 to i32
      %sign3A_658 = arith.subi %sign3A_654, %sign3A_657 : i32
      %sign3A_659 = arith.constant 0 : i32
      %sign3A_660 = arith.cmpi sgt, %jit3A_650, %sign3A_659 : i32
      %sign3A_661 = arith.extui %sign3A_660 : i1 to i32
      %sign3A_662 = arith.constant 0 : i32
      %sign3A_663 = arith.cmpi slt, %jit3A_650, %sign3A_662 : i32
      %sign3A_664 = arith.extui %sign3A_663 : i1 to i32
      %sign3A_665 = arith.subi %sign3A_661, %sign3A_664 : i32
      %ne3A_666 = arith.cmpi ne, %sign3A_658, %sign3A_665 : i32
      %rem3A_667 = arith.remsi %add3A_649, %jit3A_650 : i32
      %ne3A_668 = arith.constant 0 : i32
      %ne3A_669 = arith.cmpi ne, %rem3A_667, %ne3A_668 : i32
      %and3A_670 = arith.andi %ne3A_666, %ne3A_669 : i1
      %sub3A_671 = arith.constant 1 : i32
      %sub3A_672 = arith.subi %div3A_651, %sub3A_671 : i32
      %select_n3A_673 = arith.select %and3A_670, %sub3A_672, %div3A_651 : i32
      %add3A_674 = arith.addi %mul3A_2, %select_n3A_673 : i32
      %mul3A_675 = arith.constant 200 : i32
      %mul3A_676 = arith.muli %add3A_674, %mul3A_675 : i32
      %add3A_677 = arith.constant 128 : i32
      %add3A_678 = arith.addi %mul3A_676, %add3A_677 : i32
      %dma_start3A_679 = arith.constant 128 : i32
      %dma_start3A_680 = tpu.memref_slice %arg6[%select_n3A_673, %dma_start3A_679] : memref<32x200xi32, #tpu.memory_space<vmem>> -> memref<1x72xi32, #tpu.memory_space<vmem>>
      %dma_start3A_681 = tpu.memref_squeeze %dma_start3A_680 : memref<1x72xi32, #tpu.memory_space<vmem>> -> memref<72xi32, #tpu.memory_space<vmem>>
      %dma_start3A_682 = arith.constant 0 : i32
      %dma_start3A_683 = arith.constant 0 : i32
      %dma_start3A_684 = tpu.memref_slice %arg2[%dma_start3A_682, %dma_start3A_683] : memref<100000x128xf32, #tpu.memory_space<hbm>> -> memref<100000x128xf32, #tpu.memory_space<hbm>>
      tpu.enqueue_indirect_dma source(%dma_start3A_684 : memref<100000x128xf32, #tpu.memory_space<hbm>>) target(%arg11 : memref<72x128xf32, #tpu.memory_space<vmem>>) offsets(%dma_start3A_681 : memref<72xi32, #tpu.memory_space<vmem>>) semaphore(%arg17 : memref<!tpu.dma_semaphore, #tpu.memory_space<semaphore_mem>>)
      %jit3A_685 = arith.constant 2 : i32
      %div3A_686 = arith.divsi %add3A_612, %jit3A_685 : i32
      %sign3A_687 = arith.constant 0 : i32
      %sign3A_688 = arith.cmpi sgt, %add3A_612, %sign3A_687 : i32
      %sign3A_689 = arith.extui %sign3A_688 : i1 to i32
      %sign3A_690 = arith.constant 0 : i32
      %sign3A_691 = arith.cmpi slt, %add3A_612, %sign3A_690 : i32
      %sign3A_692 = arith.extui %sign3A_691 : i1 to i32
      %sign3A_693 = arith.subi %sign3A_689, %sign3A_692 : i32
      %sign3A_694 = arith.constant 0 : i32
      %sign3A_695 = arith.cmpi sgt, %jit3A_685, %sign3A_694 : i32
      %sign3A_696 = arith.extui %sign3A_695 : i1 to i32
      %sign3A_697 = arith.constant 0 : i32
      %sign3A_698 = arith.cmpi slt, %jit3A_685, %sign3A_697 : i32
      %sign3A_699 = arith.extui %sign3A_698 : i1 to i32
      %sign3A_700 = arith.subi %sign3A_696, %sign3A_699 : i32
      %ne3A_701 = arith.cmpi ne, %sign3A_693, %sign3A_700 : i32
      %rem3A_702 = arith.remsi %add3A_612, %jit3A_685 : i32
      %ne3A_703 = arith.constant 0 : i32
      %ne3A_704 = arith.cmpi ne, %rem3A_702, %ne3A_703 : i32
      %and3A_705 = arith.andi %ne3A_701, %ne3A_704 : i1
      %sub3A_706 = arith.constant 1 : i32
      %sub3A_707 = arith.subi %div3A_686, %sub3A_706 : i32
      %select_n3A_708 = arith.select %and3A_705, %sub3A_707, %div3A_686 : i32
      %add3A_709 = arith.addi %mul3A_2, %select_n3A_708 : i32
      %mul3A_710 = arith.constant 200 : i32
      %mul3A_711 = arith.muli %add3A_709, %mul3A_710 : i32
      %add3A_712 = arith.constant 128 : i32
      %add3A_713 = arith.addi %mul3A_711, %add3A_712 : i32
      %dma_wait3A_714 = arith.constant 128 : i32
      %dma_wait3A_715 = tpu.memref_slice %arg6[%select_n3A_708, %dma_wait3A_714] : memref<32x200xi32, #tpu.memory_space<vmem>> -> memref<1x72xi32, #tpu.memory_space<vmem>>
      %dma_wait3A_716 = tpu.memref_squeeze %dma_wait3A_715 : memref<1x72xi32, #tpu.memory_space<vmem>> -> memref<72xi32, #tpu.memory_space<vmem>>
      %dma_wait3A_717 = arith.constant 0 : i32
      %dma_wait3A_718 = arith.constant 0 : i32
      %dma_wait3A_719 = tpu.memref_slice %arg2[%dma_wait3A_717, %dma_wait3A_718] : memref<100000x128xf32, #tpu.memory_space<hbm>> -> memref<100000x128xf32, #tpu.memory_space<hbm>>
      tpu.wait_indirect_dma semaphore(%arg19 : memref<!tpu.dma_semaphore, #tpu.memory_space<semaphore_mem>>) src(%dma_wait3A_719 : memref<100000x128xf32, #tpu.memory_space<hbm>>) dst(%arg13 : memref<72x128xf32, #tpu.memory_space<vmem>>)
      %scan3A_720 = arith.constant 0 : i32
      %scan3A_721 = arith.constant 72 : i32
      %scan3A_722 = arith.addi %scan3A_720, %scan3A_721 : i32
      %scan3A_723 = arith.constant 1 : i32
      scf.for %scan3A_1330 = %scan3A_720 to %scan3A_722 step %scan3A_723  : i32 {
        %mul3A_1331 = arith.constant 1 : i32
        %mul3A_1332 = arith.muli %scan3A_1330, %mul3A_1331 : i32
        %add3A_1333 = arith.constant 0 : i32
        %add3A_1334 = arith.addi %add3A_1333, %mul3A_1332 : i32
        %add3A_1335 = arith.constant 128 : i32
        %add3A_1336 = arith.addi %add3A_1335, %add3A_1334 : i32
        %get3A = arith.index_cast %add3A_1336 : i32 to index
        %get3A_1337 = arith.constant 0 : index
        %get3A_1338 = tpu.vector_load %arg7[%get3A, %get3A_1337] {strides = array<i32>} : memref<200x128xf32, #tpu.memory_space<vmem>>, vector<1x16xf32>,
        %get3A_1339 = vector.shape_cast %get3A_1338 : vector<1x16xf32> to vector<16xf32>
        %swap3A = arith.index_cast %add3A_1334 : i32 to index
        %swap3A_1340 = arith.constant 0 : index
        %swap3A_1341 = tpu.vector_load %arg13[%swap3A, %swap3A_1340] {strides = array<i32>} : memref<72x128xf32, #tpu.memory_space<vmem>>, vector<1x16xf32>,
        %swap3A_1342 = vector.shape_cast %swap3A_1341 : vector<1x16xf32> to vector<16xf32>
        %swap3A_1343 = vector.shape_cast %get3A_1339 : vector<16xf32> to vector<1x16xf32>
        tpu.vector_store %arg13[%swap3A, %swap3A_1340], %swap3A_1343 {add = true, strides = array<i32>} : memref<72x128xf32, #tpu.memory_space<vmem>>, vector<1x16xf32>,
        %add3A_1344 = arith.constant 128 : i32
        %add3A_1345 = arith.addi %add3A_1344, %add3A_1334 : i32
        %get3A_1346 = arith.index_cast %add3A_1345 : i32 to index
        %get3A_1347 = arith.constant 16 : index
        %get3A_1348 = tpu.vector_load %arg7[%get3A_1346, %get3A_1347] {strides = array<i32>} : memref<200x128xf32, #tpu.memory_space<vmem>>, vector<1x16xf32>,
        %get3A_1349 = vector.shape_cast %get3A_1348 : vector<1x16xf32> to vector<16xf32>
        %swap3A_1350 = arith.index_cast %add3A_1334 : i32 to index
        %swap3A_1351 = arith.constant 16 : index
        %swap3A_1352 = tpu.vector_load %arg13[%swap3A_1350, %swap3A_1351] {strides = array<i32>} : memref<72x128xf32, #tpu.memory_space<vmem>>, vector<1x16xf32>,
        %swap3A_1353 = vector.shape_cast %swap3A_1352 : vector<1x16xf32> to vector<16xf32>
        %swap3A_1354 = vector.shape_cast %get3A_1349 : vector<16xf32> to vector<1x16xf32>
        tpu.vector_store %arg13[%swap3A_1350, %swap3A_1351], %swap3A_1354 {add = true, strides = array<i32>} : memref<72x128xf32, #tpu.memory_space<vmem>>, vector<1x16xf32>,
        %add3A_1355 = arith.constant 128 : i32
        %add3A_1356 = arith.addi %add3A_1355, %add3A_1334 : i32
        %get3A_1357 = arith.index_cast %add3A_1356 : i32 to index
        %get3A_1358 = arith.constant 32 : index
        %get3A_1359 = tpu.vector_load %arg7[%get3A_1357, %get3A_1358] {strides = array<i32>} : memref<200x128xf32, #tpu.memory_space<vmem>>, vector<1x16xf32>,
        %get3A_1360 = vector.shape_cast %get3A_1359 : vector<1x16xf32> to vector<16xf32>
        %swap3A_1361 = arith.index_cast %add3A_1334 : i32 to index
        %swap3A_1362 = arith.constant 32 : index
        %swap3A_1363 = tpu.vector_load %arg13[%swap3A_1361, %swap3A_1362] {strides = array<i32>} : memref<72x128xf32, #tpu.memory_space<vmem>>, vector<1x16xf32>,
        %swap3A_1364 = vector.shape_cast %swap3A_1363 : vector<1x16xf32> to vector<16xf32>
        %swap3A_1365 = vector.shape_cast %get3A_1360 : vector<16xf32> to vector<1x16xf32>
        tpu.vector_store %arg13[%swap3A_1361, %swap3A_1362], %swap3A_1365 {add = true, strides = array<i32>} : memref<72x128xf32, #tpu.memory_space<vmem>>, vector<1x16xf32>,
        %add3A_1366 = arith.constant 128 : i32
        %add3A_1367 = arith.addi %add3A_1366, %add3A_1334 : i32
        %get3A_1368 = arith.index_cast %add3A_1367 : i32 to index
        %get3A_1369 = arith.constant 48 : index
        %get3A_1370 = tpu.vector_load %arg7[%get3A_1368, %get3A_1369] {strides = array<i32>} : memref<200x128xf32, #tpu.memory_space<vmem>>, vector<1x16xf32>,
        %get3A_1371 = vector.shape_cast %get3A_1370 : vector<1x16xf32> to vector<16xf32>
        %swap3A_1372 = arith.index_cast %add3A_1334 : i32 to index
        %swap3A_1373 = arith.constant 48 : index
        %swap3A_1374 = tpu.vector_load %arg13[%swap3A_1372, %swap3A_1373] {strides = array<i32>} : memref<72x128xf32, #tpu.memory_space<vmem>>, vector<1x16xf32>,
        %swap3A_1375 = vector.shape_cast %swap3A_1374 : vector<1x16xf32> to vector<16xf32>
        %swap3A_1376 = vector.shape_cast %get3A_1371 : vector<16xf32> to vector<1x16xf32>
        tpu.vector_store %arg13[%swap3A_1372, %swap3A_1373], %swap3A_1376 {add = true, strides = array<i32>} : memref<72x128xf32, #tpu.memory_space<vmem>>, vector<1x16xf32>,
        %add3A_1377 = arith.constant 128 : i32
        %add3A_1378 = arith.addi %add3A_1377, %add3A_1334 : i32
        %get3A_1379 = arith.index_cast %add3A_1378 : i32 to index
        %get3A_1380 = arith.constant 64 : index
        %get3A_1381 = tpu.vector_load %arg7[%get3A_1379, %get3A_1380] {strides = array<i32>} : memref<200x128xf32, #tpu.memory_space<vmem>>, vector<1x16xf32>,
        %get3A_1382 = vector.shape_cast %get3A_1381 : vector<1x16xf32> to vector<16xf32>
        %swap3A_1383 = arith.index_cast %add3A_1334 : i32 to index
        %swap3A_1384 = arith.constant 64 : index
        %swap3A_1385 = tpu.vector_load %arg13[%swap3A_1383, %swap3A_1384] {strides = array<i32>} : memref<72x128xf32, #tpu.memory_space<vmem>>, vector<1x16xf32>,
        %swap3A_1386 = vector.shape_cast %swap3A_1385 : vector<1x16xf32> to vector<16xf32>
        %swap3A_1387 = vector.shape_cast %get3A_1382 : vector<16xf32> to vector<1x16xf32>
        tpu.vector_store %arg13[%swap3A_1383, %swap3A_1384], %swap3A_1387 {add = true, strides = array<i32>} : memref<72x128xf32, #tpu.memory_space<vmem>>, vector<1x16xf32>,
        %add3A_1388 = arith.constant 128 : i32
        %add3A_1389 = arith.addi %add3A_1388, %add3A_1334 : i32
        %get3A_1390 = arith.index_cast %add3A_1389 : i32 to index
        %get3A_1391 = arith.constant 80 : index
        %get3A_1392 = tpu.vector_load %arg7[%get3A_1390, %get3A_1391] {strides = array<i32>} : memref<200x128xf32, #tpu.memory_space<vmem>>, vector<1x16xf32>,
        %get3A_1393 = vector.shape_cast %get3A_1392 : vector<1x16xf32> to vector<16xf32>
        %swap3A_1394 = arith.index_cast %add3A_1334 : i32 to index
        %swap3A_1395 = arith.constant 80 : index
        %swap3A_1396 = tpu.vector_load %arg13[%swap3A_1394, %swap3A_1395] {strides = array<i32>} : memref<72x128xf32, #tpu.memory_space<vmem>>, vector<1x16xf32>,
        %swap3A_1397 = vector.shape_cast %swap3A_1396 : vector<1x16xf32> to vector<16xf32>
        %swap3A_1398 = vector.shape_cast %get3A_1393 : vector<16xf32> to vector<1x16xf32>
        tpu.vector_store %arg13[%swap3A_1394, %swap3A_1395], %swap3A_1398 {add = true, strides = array<i32>} : memref<72x128xf32, #tpu.memory_space<vmem>>, vector<1x16xf32>,
        %add3A_1399 = arith.constant 128 : i32
        %add3A_1400 = arith.addi %add3A_1399, %add3A_1334 : i32
        %get3A_1401 = arith.index_cast %add3A_1400 : i32 to index
        %get3A_1402 = arith.constant 96 : index
        %get3A_1403 = tpu.vector_load %arg7[%get3A_1401, %get3A_1402] {strides = array<i32>} : memref<200x128xf32, #tpu.memory_space<vmem>>, vector<1x16xf32>,
        %get3A_1404 = vector.shape_cast %get3A_1403 : vector<1x16xf32> to vector<16xf32>
        %swap3A_1405 = arith.index_cast %add3A_1334 : i32 to index
        %swap3A_1406 = arith.constant 96 : index
        %swap3A_1407 = tpu.vector_load %arg13[%swap3A_1405, %swap3A_1406] {strides = array<i32>} : memref<72x128xf32, #tpu.memory_space<vmem>>, vector<1x16xf32>,
        %swap3A_1408 = vector.shape_cast %swap3A_1407 : vector<1x16xf32> to vector<16xf32>
        %swap3A_1409 = vector.shape_cast %get3A_1404 : vector<16xf32> to vector<1x16xf32>
        tpu.vector_store %arg13[%swap3A_1405, %swap3A_1406], %swap3A_1409 {add = true, strides = array<i32>} : memref<72x128xf32, #tpu.memory_space<vmem>>, vector<1x16xf32>,
        %add3A_1410 = arith.constant 128 : i32
        %add3A_1411 = arith.addi %add3A_1410, %add3A_1334 : i32
        %get3A_1412 = arith.index_cast %add3A_1411 : i32 to index
        %get3A_1413 = arith.constant 112 : index
        %get3A_1414 = tpu.vector_load %arg7[%get3A_1412, %get3A_1413] {strides = array<i32>} : memref<200x128xf32, #tpu.memory_space<vmem>>, vector<1x16xf32>,
        %get3A_1415 = vector.shape_cast %get3A_1414 : vector<1x16xf32> to vector<16xf32>
        %swap3A_1416 = arith.index_cast %add3A_1334 : i32 to index
        %swap3A_1417 = arith.constant 112 : index
        %swap3A_1418 = tpu.vector_load %arg13[%swap3A_1416, %swap3A_1417] {strides = array<i32>} : memref<72x128xf32, #tpu.memory_space<vmem>>, vector<1x16xf32>,
        %swap3A_1419 = vector.shape_cast %swap3A_1418 : vector<1x16xf32> to vector<16xf32>
        %swap3A_1420 = vector.shape_cast %get3A_1415 : vector<16xf32> to vector<1x16xf32>
        tpu.vector_store %arg13[%swap3A_1416, %swap3A_1417], %swap3A_1420 {add = true, strides = array<i32>} : memref<72x128xf32, #tpu.memory_space<vmem>>, vector<1x16xf32>,
      }
      %scan3A_724 = arith.constant 72 : i32
      %jit3A_725 = arith.constant 2 : i32
      %div3A_726 = arith.divsi %add3A_612, %jit3A_725 : i32
      %sign3A_727 = arith.constant 0 : i32
      %sign3A_728 = arith.cmpi sgt, %add3A_612, %sign3A_727 : i32
      %sign3A_729 = arith.extui %sign3A_728 : i1 to i32
      %sign3A_730 = arith.constant 0 : i32
      %sign3A_731 = arith.cmpi slt, %add3A_612, %sign3A_730 : i32
      %sign3A_732 = arith.extui %sign3A_731 : i1 to i32
      %sign3A_733 = arith.subi %sign3A_729, %sign3A_732 : i32
      %sign3A_734 = arith.constant 0 : i32
      %sign3A_735 = arith.cmpi sgt, %jit3A_725, %sign3A_734 : i32
      %sign3A_736 = arith.extui %sign3A_735 : i1 to i32
      %sign3A_737 = arith.constant 0 : i32
      %sign3A_738 = arith.cmpi slt, %jit3A_725, %sign3A_737 : i32
      %sign3A_739 = arith.extui %sign3A_738 : i1 to i32
      %sign3A_740 = arith.subi %sign3A_736, %sign3A_739 : i32
      %ne3A_741 = arith.cmpi ne, %sign3A_733, %sign3A_740 : i32
      %rem3A_742 = arith.remsi %add3A_612, %jit3A_725 : i32
      %ne3A_743 = arith.constant 0 : i32
      %ne3A_744 = arith.cmpi ne, %rem3A_742, %ne3A_743 : i32
      %and3A_745 = arith.andi %ne3A_741, %ne3A_744 : i1
      %sub3A_746 = arith.constant 1 : i32
      %sub3A_747 = arith.subi %div3A_726, %sub3A_746 : i32
      %select_n3A_748 = arith.select %and3A_745, %sub3A_747, %div3A_726 : i32
      %add3A_749 = arith.addi %mul3A_2, %select_n3A_748 : i32
      %mul3A_750 = arith.constant 200 : i32
      %mul3A_751 = arith.muli %add3A_749, %mul3A_750 : i32
      %add3A_752 = arith.constant 128 : i32
      %add3A_753 = arith.addi %mul3A_751, %add3A_752 : i32
      %dma_start3A_754 = arith.constant 0 : i32
      %dma_start3A_755 = tpu.memref_slice %arg5[%add3A_753, %dma_start3A_754] : memref<204800x128xf32, #tpu.memory_space<hbm>> -> memref<72x128xf32, #tpu.memory_space<hbm>>
      %dma_start3A_756 = arith.constant 0 : i32
      %dma_start3A_757 = tpu.memref_slice %arg5[%add3A_753, %dma_start3A_756] : memref<204800x128xf32, #tpu.memory_space<hbm>> -> memref<72x128xf32, #tpu.memory_space<hbm>>
      tpu.enqueue_dma source(%arg13 : memref<72x128xf32, #tpu.memory_space<vmem>>) target(%dma_start3A_757 : memref<72x128xf32, #tpu.memory_space<hbm>>) target_semaphore(%arg25 : memref<!tpu.dma_semaphore, #tpu.memory_space<semaphore_mem>>)
      %add3A_758 = arith.constant 2 : i32
      %add3A_759 = arith.addi %add3A_479, %add3A_758 : i32
      %sub3A_760 = arith.constant 4 : i32
      %sub3A_761 = arith.subi %add3A_759, %sub3A_760 : i32
      %jit3A_762 = arith.constant 2 : i32
      %div3A_763 = arith.divsi %sub3A_761, %jit3A_762 : i32
      %sign3A_764 = arith.constant 0 : i32
      %sign3A_765 = arith.cmpi sgt, %sub3A_761, %sign3A_764 : i32
      %sign3A_766 = arith.extui %sign3A_765 : i1 to i32
      %sign3A_767 = arith.constant 0 : i32
      %sign3A_768 = arith.cmpi slt, %sub3A_761, %sign3A_767 : i32
      %sign3A_769 = arith.extui %sign3A_768 : i1 to i32
      %sign3A_770 = arith.subi %sign3A_766, %sign3A_769 : i32
      %sign3A_771 = arith.constant 0 : i32
      %sign3A_772 = arith.cmpi sgt, %jit3A_762, %sign3A_771 : i32
      %sign3A_773 = arith.extui %sign3A_772 : i1 to i32
      %sign3A_774 = arith.constant 0 : i32
      %sign3A_775 = arith.cmpi slt, %jit3A_762, %sign3A_774 : i32
      %sign3A_776 = arith.extui %sign3A_775 : i1 to i32
      %sign3A_777 = arith.subi %sign3A_773, %sign3A_776 : i32
      %ne3A_778 = arith.cmpi ne, %sign3A_770, %sign3A_777 : i32
      %rem3A_779 = arith.remsi %sub3A_761, %jit3A_762 : i32
      %ne3A_780 = arith.constant 0 : i32
      %ne3A_781 = arith.cmpi ne, %rem3A_779, %ne3A_780 : i32
      %and3A_782 = arith.andi %ne3A_778, %ne3A_781 : i1
      %sub3A_783 = arith.constant 1 : i32
      %sub3A_784 = arith.subi %div3A_763, %sub3A_783 : i32
      %select_n3A_785 = arith.select %and3A_782, %sub3A_784, %div3A_763 : i32
      %add3A_786 = arith.addi %mul3A_2, %select_n3A_785 : i32
      %mul3A_787 = arith.constant 200 : i32
      %mul3A_788 = arith.muli %add3A_786, %mul3A_787 : i32
      %dma_wait3A_789 = arith.constant 0 : i32
      %dma_wait3A_790 = tpu.memref_slice %arg5[%mul3A_788, %dma_wait3A_789] : memref<204800x128xf32, #tpu.memory_space<hbm>> -> memref<128x128xf32, #tpu.memory_space<hbm>>
      %dma_wait3A_791 = arith.constant 0 : i32
      %dma_wait3A_792 = tpu.memref_slice %arg5[%mul3A_788, %dma_wait3A_791] : memref<204800x128xf32, #tpu.memory_space<hbm>> -> memref<128x128xf32, #tpu.memory_space<hbm>>
      tpu.wait_dma2 semaphore(%arg21 : memref<!tpu.dma_semaphore, #tpu.memory_space<semaphore_mem>>) src(%arg9 : memref<128x128xf32, #tpu.memory_space<vmem>>) dst(%dma_wait3A_792 : memref<128x128xf32, #tpu.memory_space<hbm>>)
      %add3A_793 = arith.constant 2 : i32
      %add3A_794 = arith.addi %add3A_759, %add3A_793 : i32
      %jit3A_795 = arith.constant 2 : i32
      %div3A_796 = arith.divsi %add3A_794, %jit3A_795 : i32
      %sign3A_797 = arith.constant 0 : i32
      %sign3A_798 = arith.cmpi sgt, %add3A_794, %sign3A_797 : i32
      %sign3A_799 = arith.extui %sign3A_798 : i1 to i32
      %sign3A_800 = arith.constant 0 : i32
      %sign3A_801 = arith.cmpi slt, %add3A_794, %sign3A_800 : i32
      %sign3A_802 = arith.extui %sign3A_801 : i1 to i32
      %sign3A_803 = arith.subi %sign3A_799, %sign3A_802 : i32
      %sign3A_804 = arith.constant 0 : i32
      %sign3A_805 = arith.cmpi sgt, %jit3A_795, %sign3A_804 : i32
      %sign3A_806 = arith.extui %sign3A_805 : i1 to i32
      %sign3A_807 = arith.constant 0 : i32
      %sign3A_808 = arith.cmpi slt, %jit3A_795, %sign3A_807 : i32
      %sign3A_809 = arith.extui %sign3A_808 : i1 to i32
      %sign3A_810 = arith.subi %sign3A_806, %sign3A_809 : i32
      %ne3A_811 = arith.cmpi ne, %sign3A_803, %sign3A_810 : i32
      %rem3A_812 = arith.remsi %add3A_794, %jit3A_795 : i32
      %ne3A_813 = arith.constant 0 : i32
      %ne3A_814 = arith.cmpi ne, %rem3A_812, %ne3A_813 : i32
      %and3A_815 = arith.andi %ne3A_811, %ne3A_814 : i1
      %sub3A_816 = arith.constant 1 : i32
      %sub3A_817 = arith.subi %div3A_796, %sub3A_816 : i32
      %select_n3A_818 = arith.select %and3A_815, %sub3A_817, %div3A_796 : i32
      %add3A_819 = arith.addi %mul3A_2, %select_n3A_818 : i32
      %mul3A_820 = arith.constant 200 : i32
      %mul3A_821 = arith.muli %add3A_819, %mul3A_820 : i32
      %dma_start3A_822 = arith.constant 0 : i32
      %dma_start3A_823 = tpu.memref_slice %arg6[%select_n3A_818, %dma_start3A_822] : memref<32x200xi32, #tpu.memory_space<vmem>> -> memref<1x128xi32, #tpu.memory_space<vmem>>
      %dma_start3A_824 = tpu.memref_squeeze %dma_start3A_823 : memref<1x128xi32, #tpu.memory_space<vmem>> -> memref<128xi32, #tpu.memory_space<vmem>>
      %dma_start3A_825 = arith.constant 0 : i32
      %dma_start3A_826 = arith.constant 0 : i32
      %dma_start3A_827 = tpu.memref_slice %arg2[%dma_start3A_825, %dma_start3A_826] : memref<100000x128xf32, #tpu.memory_space<hbm>> -> memref<100000x128xf32, #tpu.memory_space<hbm>>
      tpu.enqueue_indirect_dma source(%dma_start3A_827 : memref<100000x128xf32, #tpu.memory_space<hbm>>) target(%arg9 : memref<128x128xf32, #tpu.memory_space<vmem>>) offsets(%dma_start3A_824 : memref<128xi32, #tpu.memory_space<vmem>>) semaphore(%arg15 : memref<!tpu.dma_semaphore, #tpu.memory_space<semaphore_mem>>)
      %jit3A_828 = arith.constant 2 : i32
      %div3A_829 = arith.divsi %add3A_759, %jit3A_828 : i32
      %sign3A_830 = arith.constant 0 : i32
      %sign3A_831 = arith.cmpi sgt, %add3A_759, %sign3A_830 : i32
      %sign3A_832 = arith.extui %sign3A_831 : i1 to i32
      %sign3A_833 = arith.constant 0 : i32
      %sign3A_834 = arith.cmpi slt, %add3A_759, %sign3A_833 : i32
      %sign3A_835 = arith.extui %sign3A_834 : i1 to i32
      %sign3A_836 = arith.subi %sign3A_832, %sign3A_835 : i32
      %sign3A_837 = arith.constant 0 : i32
      %sign3A_838 = arith.cmpi sgt, %jit3A_828, %sign3A_837 : i32
      %sign3A_839 = arith.extui %sign3A_838 : i1 to i32
      %sign3A_840 = arith.constant 0 : i32
      %sign3A_841 = arith.cmpi slt, %jit3A_828, %sign3A_840 : i32
      %sign3A_842 = arith.extui %sign3A_841 : i1 to i32
      %sign3A_843 = arith.subi %sign3A_839, %sign3A_842 : i32
      %ne3A_844 = arith.cmpi ne, %sign3A_836, %sign3A_843 : i32
      %rem3A_845 = arith.remsi %add3A_759, %jit3A_828 : i32
      %ne3A_846 = arith.constant 0 : i32
      %ne3A_847 = arith.cmpi ne, %rem3A_845, %ne3A_846 : i32
      %and3A_848 = arith.andi %ne3A_844, %ne3A_847 : i1
      %sub3A_849 = arith.constant 1 : i32
      %sub3A_850 = arith.subi %div3A_829, %sub3A_849 : i32
      %select_n3A_851 = arith.select %and3A_848, %sub3A_850, %div3A_829 : i32
      %add3A_852 = arith.addi %mul3A_2, %select_n3A_851 : i32
      %mul3A_853 = arith.constant 200 : i32
      %mul3A_854 = arith.muli %add3A_852, %mul3A_853 : i32
      %dma_wait3A_855 = arith.constant 0 : i32
      %dma_wait3A_856 = tpu.memref_slice %arg6[%select_n3A_851, %dma_wait3A_855] : memref<32x200xi32, #tpu.memory_space<vmem>> -> memref<1x128xi32, #tpu.memory_space<vmem>>
      %dma_wait3A_857 = tpu.memref_squeeze %dma_wait3A_856 : memref<1x128xi32, #tpu.memory_space<vmem>> -> memref<128xi32, #tpu.memory_space<vmem>>
      %dma_wait3A_858 = arith.constant 0 : i32
      %dma_wait3A_859 = arith.constant 0 : i32
      %dma_wait3A_860 = tpu.memref_slice %arg2[%dma_wait3A_858, %dma_wait3A_859] : memref<100000x128xf32, #tpu.memory_space<hbm>> -> memref<100000x128xf32, #tpu.memory_space<hbm>>
      tpu.wait_indirect_dma semaphore(%arg14 : memref<!tpu.dma_semaphore, #tpu.memory_space<semaphore_mem>>) src(%dma_wait3A_860 : memref<100000x128xf32, #tpu.memory_space<hbm>>) dst(%arg8 : memref<128x128xf32, #tpu.memory_space<vmem>>)
      %scan3A_861 = arith.constant 0 : i32
      %scan3A_862 = arith.constant 128 : i32
      %scan3A_863 = arith.addi %scan3A_861, %scan3A_862 : i32
      %scan3A_864 = arith.constant 1 : i32
      scf.for %scan3A_1330 = %scan3A_861 to %scan3A_863 step %scan3A_864  : i32 {
        %mul3A_1331 = arith.constant 1 : i32
        %mul3A_1332 = arith.muli %scan3A_1330, %mul3A_1331 : i32
        %add3A_1333 = arith.constant 0 : i32
        %add3A_1334 = arith.addi %add3A_1333, %mul3A_1332 : i32
        %add3A_1335 = arith.constant 0 : i32
        %add3A_1336 = arith.addi %add3A_1335, %add3A_1334 : i32
        %get3A = arith.index_cast %add3A_1336 : i32 to index
        %get3A_1337 = arith.constant 0 : index
        %get3A_1338 = tpu.vector_load %arg7[%get3A, %get3A_1337] {strides = array<i32>} : memref<200x128xf32, #tpu.memory_space<vmem>>, vector<1x16xf32>,
        %get3A_1339 = vector.shape_cast %get3A_1338 : vector<1x16xf32> to vector<16xf32>
        %swap3A = arith.index_cast %add3A_1334 : i32 to index
        %swap3A_1340 = arith.constant 0 : index
        %swap3A_1341 = tpu.vector_load %arg8[%swap3A, %swap3A_1340] {strides = array<i32>} : memref<128x128xf32, #tpu.memory_space<vmem>>, vector<1x16xf32>,
        %swap3A_1342 = vector.shape_cast %swap3A_1341 : vector<1x16xf32> to vector<16xf32>
        %swap3A_1343 = vector.shape_cast %get3A_1339 : vector<16xf32> to vector<1x16xf32>
        tpu.vector_store %arg8[%swap3A, %swap3A_1340], %swap3A_1343 {add = true, strides = array<i32>} : memref<128x128xf32, #tpu.memory_space<vmem>>, vector<1x16xf32>,
        %add3A_1344 = arith.constant 0 : i32
        %add3A_1345 = arith.addi %add3A_1344, %add3A_1334 : i32
        %get3A_1346 = arith.index_cast %add3A_1345 : i32 to index
        %get3A_1347 = arith.constant 16 : index
        %get3A_1348 = tpu.vector_load %arg7[%get3A_1346, %get3A_1347] {strides = array<i32>} : memref<200x128xf32, #tpu.memory_space<vmem>>, vector<1x16xf32>,
        %get3A_1349 = vector.shape_cast %get3A_1348 : vector<1x16xf32> to vector<16xf32>
        %swap3A_1350 = arith.index_cast %add3A_1334 : i32 to index
        %swap3A_1351 = arith.constant 16 : index
        %swap3A_1352 = tpu.vector_load %arg8[%swap3A_1350, %swap3A_1351] {strides = array<i32>} : memref<128x128xf32, #tpu.memory_space<vmem>>, vector<1x16xf32>,
        %swap3A_1353 = vector.shape_cast %swap3A_1352 : vector<1x16xf32> to vector<16xf32>
        %swap3A_1354 = vector.shape_cast %get3A_1349 : vector<16xf32> to vector<1x16xf32>
        tpu.vector_store %arg8[%swap3A_1350, %swap3A_1351], %swap3A_1354 {add = true, strides = array<i32>} : memref<128x128xf32, #tpu.memory_space<vmem>>, vector<1x16xf32>,
        %add3A_1355 = arith.constant 0 : i32
        %add3A_1356 = arith.addi %add3A_1355, %add3A_1334 : i32
        %get3A_1357 = arith.index_cast %add3A_1356 : i32 to index
        %get3A_1358 = arith.constant 32 : index
        %get3A_1359 = tpu.vector_load %arg7[%get3A_1357, %get3A_1358] {strides = array<i32>} : memref<200x128xf32, #tpu.memory_space<vmem>>, vector<1x16xf32>,
        %get3A_1360 = vector.shape_cast %get3A_1359 : vector<1x16xf32> to vector<16xf32>
        %swap3A_1361 = arith.index_cast %add3A_1334 : i32 to index
        %swap3A_1362 = arith.constant 32 : index
        %swap3A_1363 = tpu.vector_load %arg8[%swap3A_1361, %swap3A_1362] {strides = array<i32>} : memref<128x128xf32, #tpu.memory_space<vmem>>, vector<1x16xf32>,
        %swap3A_1364 = vector.shape_cast %swap3A_1363 : vector<1x16xf32> to vector<16xf32>
        %swap3A_1365 = vector.shape_cast %get3A_1360 : vector<16xf32> to vector<1x16xf32>
        tpu.vector_store %arg8[%swap3A_1361, %swap3A_1362], %swap3A_1365 {add = true, strides = array<i32>} : memref<128x128xf32, #tpu.memory_space<vmem>>, vector<1x16xf32>,
        %add3A_1366 = arith.constant 0 : i32
        %add3A_1367 = arith.addi %add3A_1366, %add3A_1334 : i32
        %get3A_1368 = arith.index_cast %add3A_1367 : i32 to index
        %get3A_1369 = arith.constant 48 : index
        %get3A_1370 = tpu.vector_load %arg7[%get3A_1368, %get3A_1369] {strides = array<i32>} : memref<200x128xf32, #tpu.memory_space<vmem>>, vector<1x16xf32>,
        %get3A_1371 = vector.shape_cast %get3A_1370 : vector<1x16xf32> to vector<16xf32>
        %swap3A_1372 = arith.index_cast %add3A_1334 : i32 to index
        %swap3A_1373 = arith.constant 48 : index
        %swap3A_1374 = tpu.vector_load %arg8[%swap3A_1372, %swap3A_1373] {strides = array<i32>} : memref<128x128xf32, #tpu.memory_space<vmem>>, vector<1x16xf32>,
        %swap3A_1375 = vector.shape_cast %swap3A_1374 : vector<1x16xf32> to vector<16xf32>
        %swap3A_1376 = vector.shape_cast %get3A_1371 : vector<16xf32> to vector<1x16xf32>
        tpu.vector_store %arg8[%swap3A_1372, %swap3A_1373], %swap3A_1376 {add = true, strides = array<i32>} : memref<128x128xf32, #tpu.memory_space<vmem>>, vector<1x16xf32>,
        %add3A_1377 = arith.constant 0 : i32
        %add3A_1378 = arith.addi %add3A_1377, %add3A_1334 : i32
        %get3A_1379 = arith.index_cast %add3A_1378 : i32 to index
        %get3A_1380 = arith.constant 64 : index
        %get3A_1381 = tpu.vector_load %arg7[%get3A_1379, %get3A_1380] {strides = array<i32>} : memref<200x128xf32, #tpu.memory_space<vmem>>, vector<1x16xf32>,
        %get3A_1382 = vector.shape_cast %get3A_1381 : vector<1x16xf32> to vector<16xf32>
        %swap3A_1383 = arith.index_cast %add3A_1334 : i32 to index
        %swap3A_1384 = arith.constant 64 : index
        %swap3A_1385 = tpu.vector_load %arg8[%swap3A_1383, %swap3A_1384] {strides = array<i32>} : memref<128x128xf32, #tpu.memory_space<vmem>>, vector<1x16xf32>,
        %swap3A_1386 = vector.shape_cast %swap3A_1385 : vector<1x16xf32> to vector<16xf32>
        %swap3A_1387 = vector.shape_cast %get3A_1382 : vector<16xf32> to vector<1x16xf32>
        tpu.vector_store %arg8[%swap3A_1383, %swap3A_1384], %swap3A_1387 {add = true, strides = array<i32>} : memref<128x128xf32, #tpu.memory_space<vmem>>, vector<1x16xf32>,
        %add3A_1388 = arith.constant 0 : i32
        %add3A_1389 = arith.addi %add3A_1388, %add3A_1334 : i32
        %get3A_1390 = arith.index_cast %add3A_1389 : i32 to index
        %get3A_1391 = arith.constant 80 : index
        %get3A_1392 = tpu.vector_load %arg7[%get3A_1390, %get3A_1391] {strides = array<i32>} : memref<200x128xf32, #tpu.memory_space<vmem>>, vector<1x16xf32>,
        %get3A_1393 = vector.shape_cast %get3A_1392 : vector<1x16xf32> to vector<16xf32>
        %swap3A_1394 = arith.index_cast %add3A_1334 : i32 to index
        %swap3A_1395 = arith.constant 80 : index
        %swap3A_1396 = tpu.vector_load %arg8[%swap3A_1394, %swap3A_1395] {strides = array<i32>} : memref<128x128xf32, #tpu.memory_space<vmem>>, vector<1x16xf32>,
        %swap3A_1397 = vector.shape_cast %swap3A_1396 : vector<1x16xf32> to vector<16xf32>
        %swap3A_1398 = vector.shape_cast %get3A_1393 : vector<16xf32> to vector<1x16xf32>
        tpu.vector_store %arg8[%swap3A_1394, %swap3A_1395], %swap3A_1398 {add = true, strides = array<i32>} : memref<128x128xf32, #tpu.memory_space<vmem>>, vector<1x16xf32>,
        %add3A_1399 = arith.constant 0 : i32
        %add3A_1400 = arith.addi %add3A_1399, %add3A_1334 : i32
        %get3A_1401 = arith.index_cast %add3A_1400 : i32 to index
        %get3A_1402 = arith.constant 96 : index
        %get3A_1403 = tpu.vector_load %arg7[%get3A_1401, %get3A_1402] {strides = array<i32>} : memref<200x128xf32, #tpu.memory_space<vmem>>, vector<1x16xf32>,
        %get3A_1404 = vector.shape_cast %get3A_1403 : vector<1x16xf32> to vector<16xf32>
        %swap3A_1405 = arith.index_cast %add3A_1334 : i32 to index
        %swap3A_1406 = arith.constant 96 : index
        %swap3A_1407 = tpu.vector_load %arg8[%swap3A_1405, %swap3A_1406] {strides = array<i32>} : memref<128x128xf32, #tpu.memory_space<vmem>>, vector<1x16xf32>,
        %swap3A_1408 = vector.shape_cast %swap3A_1407 : vector<1x16xf32> to vector<16xf32>
        %swap3A_1409 = vector.shape_cast %get3A_1404 : vector<16xf32> to vector<1x16xf32>
        tpu.vector_store %arg8[%swap3A_1405, %swap3A_1406], %swap3A_1409 {add = true, strides = array<i32>} : memref<128x128xf32, #tpu.memory_space<vmem>>, vector<1x16xf32>,
        %add3A_1410 = arith.constant 0 : i32
        %add3A_1411 = arith.addi %add3A_1410, %add3A_1334 : i32
        %get3A_1412 = arith.index_cast %add3A_1411 : i32 to index
        %get3A_1413 = arith.constant 112 : index
        %get3A_1414 = tpu.vector_load %arg7[%get3A_1412, %get3A_1413] {strides = array<i32>} : memref<200x128xf32, #tpu.memory_space<vmem>>, vector<1x16xf32>,
        %get3A_1415 = vector.shape_cast %get3A_1414 : vector<1x16xf32> to vector<16xf32>
        %swap3A_1416 = arith.index_cast %add3A_1334 : i32 to index
        %swap3A_1417 = arith.constant 112 : index
        %swap3A_1418 = tpu.vector_load %arg8[%swap3A_1416, %swap3A_1417] {strides = array<i32>} : memref<128x128xf32, #tpu.memory_space<vmem>>, vector<1x16xf32>,
        %swap3A_1419 = vector.shape_cast %swap3A_1418 : vector<1x16xf32> to vector<16xf32>
        %swap3A_1420 = vector.shape_cast %get3A_1415 : vector<16xf32> to vector<1x16xf32>
        tpu.vector_store %arg8[%swap3A_1416, %swap3A_1417], %swap3A_1420 {add = true, strides = array<i32>} : memref<128x128xf32, #tpu.memory_space<vmem>>, vector<1x16xf32>,
      }
      %scan3A_865 = arith.constant 128 : i32
      %jit3A_866 = arith.constant 2 : i32
      %div3A_867 = arith.divsi %add3A_759, %jit3A_866 : i32
      %sign3A_868 = arith.constant 0 : i32
      %sign3A_869 = arith.cmpi sgt, %add3A_759, %sign3A_868 : i32
      %sign3A_870 = arith.extui %sign3A_869 : i1 to i32
      %sign3A_871 = arith.constant 0 : i32
      %sign3A_872 = arith.cmpi slt, %add3A_759, %sign3A_871 : i32
      %sign3A_873 = arith.extui %sign3A_872 : i1 to i32
      %sign3A_874 = arith.subi %sign3A_870, %sign3A_873 : i32
      %sign3A_875 = arith.constant 0 : i32
      %sign3A_876 = arith.cmpi sgt, %jit3A_866, %sign3A_875 : i32
      %sign3A_877 = arith.extui %sign3A_876 : i1 to i32
      %sign3A_878 = arith.constant 0 : i32
      %sign3A_879 = arith.cmpi slt, %jit3A_866, %sign3A_878 : i32
      %sign3A_880 = arith.extui %sign3A_879 : i1 to i32
      %sign3A_881 = arith.subi %sign3A_877, %sign3A_880 : i32
      %ne3A_882 = arith.cmpi ne, %sign3A_874, %sign3A_881 : i32
      %rem3A_883 = arith.remsi %add3A_759, %jit3A_866 : i32
      %ne3A_884 = arith.constant 0 : i32
      %ne3A_885 = arith.cmpi ne, %rem3A_883, %ne3A_884 : i32
      %and3A_886 = arith.andi %ne3A_882, %ne3A_885 : i1
      %sub3A_887 = arith.constant 1 : i32
      %sub3A_888 = arith.subi %div3A_867, %sub3A_887 : i32
      %select_n3A_889 = arith.select %and3A_886, %sub3A_888, %div3A_867 : i32
      %add3A_890 = arith.addi %mul3A_2, %select_n3A_889 : i32
      %mul3A_891 = arith.constant 200 : i32
      %mul3A_892 = arith.muli %add3A_890, %mul3A_891 : i32
      %dma_start3A_893 = arith.constant 0 : i32
      %dma_start3A_894 = tpu.memref_slice %arg5[%mul3A_892, %dma_start3A_893] : memref<204800x128xf32, #tpu.memory_space<hbm>> -> memref<128x128xf32, #tpu.memory_space<hbm>>
      %dma_start3A_895 = arith.constant 0 : i32
      %dma_start3A_896 = tpu.memref_slice %arg5[%mul3A_892, %dma_start3A_895] : memref<204800x128xf32, #tpu.memory_space<hbm>> -> memref<128x128xf32, #tpu.memory_space<hbm>>
      tpu.enqueue_dma source(%arg8 : memref<128x128xf32, #tpu.memory_space<vmem>>) target(%dma_start3A_896 : memref<128x128xf32, #tpu.memory_space<hbm>>) target_semaphore(%arg20 : memref<!tpu.dma_semaphore, #tpu.memory_space<semaphore_mem>>)
      %add3A_897 = arith.constant 3 : i32
      %add3A_898 = arith.addi %add3A_479, %add3A_897 : i32
      %sub3A_899 = arith.constant 4 : i32
      %sub3A_900 = arith.subi %add3A_898, %sub3A_899 : i32
      %jit3A_901 = arith.constant 2 : i32
      %div3A_902 = arith.divsi %sub3A_900, %jit3A_901 : i32
      %sign3A_903 = arith.constant 0 : i32
      %sign3A_904 = arith.cmpi sgt, %sub3A_900, %sign3A_903 : i32
      %sign3A_905 = arith.extui %sign3A_904 : i1 to i32
      %sign3A_906 = arith.constant 0 : i32
      %sign3A_907 = arith.cmpi slt, %sub3A_900, %sign3A_906 : i32
      %sign3A_908 = arith.extui %sign3A_907 : i1 to i32
      %sign3A_909 = arith.subi %sign3A_905, %sign3A_908 : i32
      %sign3A_910 = arith.constant 0 : i32
      %sign3A_911 = arith.cmpi sgt, %jit3A_901, %sign3A_910 : i32
      %sign3A_912 = arith.extui %sign3A_911 : i1 to i32
      %sign3A_913 = arith.constant 0 : i32
      %sign3A_914 = arith.cmpi slt, %jit3A_901, %sign3A_913 : i32
      %sign3A_915 = arith.extui %sign3A_914 : i1 to i32
      %sign3A_916 = arith.subi %sign3A_912, %sign3A_915 : i32
      %ne3A_917 = arith.cmpi ne, %sign3A_909, %sign3A_916 : i32
      %rem3A_918 = arith.remsi %sub3A_900, %jit3A_901 : i32
      %ne3A_919 = arith.constant 0 : i32
      %ne3A_920 = arith.cmpi ne, %rem3A_918, %ne3A_919 : i32
      %and3A_921 = arith.andi %ne3A_917, %ne3A_920 : i1
      %sub3A_922 = arith.constant 1 : i32
      %sub3A_923 = arith.subi %div3A_902, %sub3A_922 : i32
      %select_n3A_924 = arith.select %and3A_921, %sub3A_923, %div3A_902 : i32
      %add3A_925 = arith.addi %mul3A_2, %select_n3A_924 : i32
      %mul3A_926 = arith.constant 200 : i32
      %mul3A_927 = arith.muli %add3A_925, %mul3A_926 : i32
      %add3A_928 = arith.constant 128 : i32
      %add3A_929 = arith.addi %mul3A_927, %add3A_928 : i32
      %dma_wait3A_930 = arith.constant 0 : i32
      %dma_wait3A_931 = tpu.memref_slice %arg5[%add3A_929, %dma_wait3A_930] : memref<204800x128xf32, #tpu.memory_space<hbm>> -> memref<72x128xf32, #tpu.memory_space<hbm>>
      %dma_wait3A_932 = arith.constant 0 : i32
      %dma_wait3A_933 = tpu.memref_slice %arg5[%add3A_929, %dma_wait3A_932] : memref<204800x128xf32, #tpu.memory_space<hbm>> -> memref<72x128xf32, #tpu.memory_space<hbm>>
      tpu.wait_dma2 semaphore(%arg24 : memref<!tpu.dma_semaphore, #tpu.memory_space<semaphore_mem>>) src(%arg12 : memref<72x128xf32, #tpu.memory_space<vmem>>) dst(%dma_wait3A_933 : memref<72x128xf32, #tpu.memory_space<hbm>>)
      %add3A_934 = arith.constant 2 : i32
      %add3A_935 = arith.addi %add3A_898, %add3A_934 : i32
      %jit3A_936 = arith.constant 2 : i32
      %div3A_937 = arith.divsi %add3A_935, %jit3A_936 : i32
      %sign3A_938 = arith.constant 0 : i32
      %sign3A_939 = arith.cmpi sgt, %add3A_935, %sign3A_938 : i32
      %sign3A_940 = arith.extui %sign3A_939 : i1 to i32
      %sign3A_941 = arith.constant 0 : i32
      %sign3A_942 = arith.cmpi slt, %add3A_935, %sign3A_941 : i32
      %sign3A_943 = arith.extui %sign3A_942 : i1 to i32
      %sign3A_944 = arith.subi %sign3A_940, %sign3A_943 : i32
      %sign3A_945 = arith.constant 0 : i32
      %sign3A_946 = arith.cmpi sgt, %jit3A_936, %sign3A_945 : i32
      %sign3A_947 = arith.extui %sign3A_946 : i1 to i32
      %sign3A_948 = arith.constant 0 : i32
      %sign3A_949 = arith.cmpi slt, %jit3A_936, %sign3A_948 : i32
      %sign3A_950 = arith.extui %sign3A_949 : i1 to i32
      %sign3A_951 = arith.subi %sign3A_947, %sign3A_950 : i32
      %ne3A_952 = arith.cmpi ne, %sign3A_944, %sign3A_951 : i32
      %rem3A_953 = arith.remsi %add3A_935, %jit3A_936 : i32
      %ne3A_954 = arith.constant 0 : i32
      %ne3A_955 = arith.cmpi ne, %rem3A_953, %ne3A_954 : i32
      %and3A_956 = arith.andi %ne3A_952, %ne3A_955 : i1
      %sub3A_957 = arith.constant 1 : i32
      %sub3A_958 = arith.subi %div3A_937, %sub3A_957 : i32
      %select_n3A_959 = arith.select %and3A_956, %sub3A_958, %div3A_937 : i32
      %add3A_960 = arith.addi %mul3A_2, %select_n3A_959 : i32
      %mul3A_961 = arith.constant 200 : i32
      %mul3A_962 = arith.muli %add3A_960, %mul3A_961 : i32
      %add3A_963 = arith.constant 128 : i32
      %add3A_964 = arith.addi %mul3A_962, %add3A_963 : i32
      %dma_start3A_965 = arith.constant 128 : i32
      %dma_start3A_966 = tpu.memref_slice %arg6[%select_n3A_959, %dma_start3A_965] : memref<32x200xi32, #tpu.memory_space<vmem>> -> memref<1x72xi32, #tpu.memory_space<vmem>>
      %dma_start3A_967 = tpu.memref_squeeze %dma_start3A_966 : memref<1x72xi32, #tpu.memory_space<vmem>> -> memref<72xi32, #tpu.memory_space<vmem>>
      %dma_start3A_968 = arith.constant 0 : i32
      %dma_start3A_969 = arith.constant 0 : i32
      %dma_start3A_970 = tpu.memref_slice %arg2[%dma_start3A_968, %dma_start3A_969] : memref<100000x128xf32, #tpu.memory_space<hbm>> -> memref<100000x128xf32, #tpu.memory_space<hbm>>
      tpu.enqueue_indirect_dma source(%dma_start3A_970 : memref<100000x128xf32, #tpu.memory_space<hbm>>) target(%arg12 : memref<72x128xf32, #tpu.memory_space<vmem>>) offsets(%dma_start3A_967 : memref<72xi32, #tpu.memory_space<vmem>>) semaphore(%arg18 : memref<!tpu.dma_semaphore, #tpu.memory_space<semaphore_mem>>)
      %jit3A_971 = arith.constant 2 : i32
      %div3A_972 = arith.divsi %add3A_898, %jit3A_971 : i32
      %sign3A_973 = arith.constant 0 : i32
      %sign3A_974 = arith.cmpi sgt, %add3A_898, %sign3A_973 : i32
      %sign3A_975 = arith.extui %sign3A_974 : i1 to i32
      %sign3A_976 = arith.constant 0 : i32
      %sign3A_977 = arith.cmpi slt, %add3A_898, %sign3A_976 : i32
      %sign3A_978 = arith.extui %sign3A_977 : i1 to i32
      %sign3A_979 = arith.subi %sign3A_975, %sign3A_978 : i32
      %sign3A_980 = arith.constant 0 : i32
      %sign3A_981 = arith.cmpi sgt, %jit3A_971, %sign3A_980 : i32
      %sign3A_982 = arith.extui %sign3A_981 : i1 to i32
      %sign3A_983 = arith.constant 0 : i32
      %sign3A_984 = arith.cmpi slt, %jit3A_971, %sign3A_983 : i32
      %sign3A_985 = arith.extui %sign3A_984 : i1 to i32
      %sign3A_986 = arith.subi %sign3A_982, %sign3A_985 : i32
      %ne3A_987 = arith.cmpi ne, %sign3A_979, %sign3A_986 : i32
      %rem3A_988 = arith.remsi %add3A_898, %jit3A_971 : i32
      %ne3A_989 = arith.constant 0 : i32
      %ne3A_990 = arith.cmpi ne, %rem3A_988, %ne3A_989 : i32
      %and3A_991 = arith.andi %ne3A_987, %ne3A_990 : i1
      %sub3A_992 = arith.constant 1 : i32
      %sub3A_993 = arith.subi %div3A_972, %sub3A_992 : i32
      %select_n3A_994 = arith.select %and3A_991, %sub3A_993, %div3A_972 : i32
      %add3A_995 = arith.addi %mul3A_2, %select_n3A_994 : i32
      %mul3A_996 = arith.constant 200 : i32
      %mul3A_997 = arith.muli %add3A_995, %mul3A_996 : i32
      %add3A_998 = arith.constant 128 : i32
      %add3A_999 = arith.addi %mul3A_997, %add3A_998 : i32
      %dma_wait3A_1000 = arith.constant 128 : i32
      %dma_wait3A_1001 = tpu.memref_slice %arg6[%select_n3A_994, %dma_wait3A_1000] : memref<32x200xi32, #tpu.memory_space<vmem>> -> memref<1x72xi32, #tpu.memory_space<vmem>>
      %dma_wait3A_1002 = tpu.memref_squeeze %dma_wait3A_1001 : memref<1x72xi32, #tpu.memory_space<vmem>> -> memref<72xi32, #tpu.memory_space<vmem>>
      %dma_wait3A_1003 = arith.constant 0 : i32
      %dma_wait3A_1004 = arith.constant 0 : i32
      %dma_wait3A_1005 = tpu.memref_slice %arg2[%dma_wait3A_1003, %dma_wait3A_1004] : memref<100000x128xf32, #tpu.memory_space<hbm>> -> memref<100000x128xf32, #tpu.memory_space<hbm>>
      tpu.wait_indirect_dma semaphore(%arg17 : memref<!tpu.dma_semaphore, #tpu.memory_space<semaphore_mem>>) src(%dma_wait3A_1005 : memref<100000x128xf32, #tpu.memory_space<hbm>>) dst(%arg11 : memref<72x128xf32, #tpu.memory_space<vmem>>)
      %scan3A_1006 = arith.constant 0 : i32
      %scan3A_1007 = arith.constant 72 : i32
      %scan3A_1008 = arith.addi %scan3A_1006, %scan3A_1007 : i32
      %scan3A_1009 = arith.constant 1 : i32
      scf.for %scan3A_1330 = %scan3A_1006 to %scan3A_1008 step %scan3A_1009  : i32 {
        %mul3A_1331 = arith.constant 1 : i32
        %mul3A_1332 = arith.muli %scan3A_1330, %mul3A_1331 : i32
        %add3A_1333 = arith.constant 0 : i32
        %add3A_1334 = arith.addi %add3A_1333, %mul3A_1332 : i32
        %add3A_1335 = arith.constant 128 : i32
        %add3A_1336 = arith.addi %add3A_1335, %add3A_1334 : i32
        %get3A = arith.index_cast %add3A_1336 : i32 to index
        %get3A_1337 = arith.constant 0 : index
        %get3A_1338 = tpu.vector_load %arg7[%get3A, %get3A_1337] {strides = array<i32>} : memref<200x128xf32, #tpu.memory_space<vmem>>, vector<1x16xf32>,
        %get3A_1339 = vector.shape_cast %get3A_1338 : vector<1x16xf32> to vector<16xf32>
        %swap3A = arith.index_cast %add3A_1334 : i32 to index
        %swap3A_1340 = arith.constant 0 : index
        %swap3A_1341 = tpu.vector_load %arg11[%swap3A, %swap3A_1340] {strides = array<i32>} : memref<72x128xf32, #tpu.memory_space<vmem>>, vector<1x16xf32>,
        %swap3A_1342 = vector.shape_cast %swap3A_1341 : vector<1x16xf32> to vector<16xf32>
        %swap3A_1343 = vector.shape_cast %get3A_1339 : vector<16xf32> to vector<1x16xf32>
        tpu.vector_store %arg11[%swap3A, %swap3A_1340], %swap3A_1343 {add = true, strides = array<i32>} : memref<72x128xf32, #tpu.memory_space<vmem>>, vector<1x16xf32>,
        %add3A_1344 = arith.constant 128 : i32
        %add3A_1345 = arith.addi %add3A_1344, %add3A_1334 : i32
        %get3A_1346 = arith.index_cast %add3A_1345 : i32 to index
        %get3A_1347 = arith.constant 16 : index
        %get3A_1348 = tpu.vector_load %arg7[%get3A_1346, %get3A_1347] {strides = array<i32>} : memref<200x128xf32, #tpu.memory_space<vmem>>, vector<1x16xf32>,
        %get3A_1349 = vector.shape_cast %get3A_1348 : vector<1x16xf32> to vector<16xf32>
        %swap3A_1350 = arith.index_cast %add3A_1334 : i32 to index
        %swap3A_1351 = arith.constant 16 : index
        %swap3A_1352 = tpu.vector_load %arg11[%swap3A_1350, %swap3A_1351] {strides = array<i32>} : memref<72x128xf32, #tpu.memory_space<vmem>>, vector<1x16xf32>,
        %swap3A_1353 = vector.shape_cast %swap3A_1352 : vector<1x16xf32> to vector<16xf32>
        %swap3A_1354 = vector.shape_cast %get3A_1349 : vector<16xf32> to vector<1x16xf32>
        tpu.vector_store %arg11[%swap3A_1350, %swap3A_1351], %swap3A_1354 {add = true, strides = array<i32>} : memref<72x128xf32, #tpu.memory_space<vmem>>, vector<1x16xf32>,
        %add3A_1355 = arith.constant 128 : i32
        %add3A_1356 = arith.addi %add3A_1355, %add3A_1334 : i32
        %get3A_1357 = arith.index_cast %add3A_1356 : i32 to index
        %get3A_1358 = arith.constant 32 : index
        %get3A_1359 = tpu.vector_load %arg7[%get3A_1357, %get3A_1358] {strides = array<i32>} : memref<200x128xf32, #tpu.memory_space<vmem>>, vector<1x16xf32>,
        %get3A_1360 = vector.shape_cast %get3A_1359 : vector<1x16xf32> to vector<16xf32>
        %swap3A_1361 = arith.index_cast %add3A_1334 : i32 to index
        %swap3A_1362 = arith.constant 32 : index
        %swap3A_1363 = tpu.vector_load %arg11[%swap3A_1361, %swap3A_1362] {strides = array<i32>} : memref<72x128xf32, #tpu.memory_space<vmem>>, vector<1x16xf32>,
        %swap3A_1364 = vector.shape_cast %swap3A_1363 : vector<1x16xf32> to vector<16xf32>
        %swap3A_1365 = vector.shape_cast %get3A_1360 : vector<16xf32> to vector<1x16xf32>
        tpu.vector_store %arg11[%swap3A_1361, %swap3A_1362], %swap3A_1365 {add = true, strides = array<i32>} : memref<72x128xf32, #tpu.memory_space<vmem>>, vector<1x16xf32>,
        %add3A_1366 = arith.constant 128 : i32
        %add3A_1367 = arith.addi %add3A_1366, %add3A_1334 : i32
        %get3A_1368 = arith.index_cast %add3A_1367 : i32 to index
        %get3A_1369 = arith.constant 48 : index
        %get3A_1370 = tpu.vector_load %arg7[%get3A_1368, %get3A_1369] {strides = array<i32>} : memref<200x128xf32, #tpu.memory_space<vmem>>, vector<1x16xf32>,
        %get3A_1371 = vector.shape_cast %get3A_1370 : vector<1x16xf32> to vector<16xf32>
        %swap3A_1372 = arith.index_cast %add3A_1334 : i32 to index
        %swap3A_1373 = arith.constant 48 : index
        %swap3A_1374 = tpu.vector_load %arg11[%swap3A_1372, %swap3A_1373] {strides = array<i32>} : memref<72x128xf32, #tpu.memory_space<vmem>>, vector<1x16xf32>,
        %swap3A_1375 = vector.shape_cast %swap3A_1374 : vector<1x16xf32> to vector<16xf32>
        %swap3A_1376 = vector.shape_cast %get3A_1371 : vector<16xf32> to vector<1x16xf32>
        tpu.vector_store %arg11[%swap3A_1372, %swap3A_1373], %swap3A_1376 {add = true, strides = array<i32>} : memref<72x128xf32, #tpu.memory_space<vmem>>, vector<1x16xf32>,
        %add3A_1377 = arith.constant 128 : i32
        %add3A_1378 = arith.addi %add3A_1377, %add3A_1334 : i32
        %get3A_1379 = arith.index_cast %add3A_1378 : i32 to index
        %get3A_1380 = arith.constant 64 : index
        %get3A_1381 = tpu.vector_load %arg7[%get3A_1379, %get3A_1380] {strides = array<i32>} : memref<200x128xf32, #tpu.memory_space<vmem>>, vector<1x16xf32>,
        %get3A_1382 = vector.shape_cast %get3A_1381 : vector<1x16xf32> to vector<16xf32>
        %swap3A_1383 = arith.index_cast %add3A_1334 : i32 to index
        %swap3A_1384 = arith.constant 64 : index
        %swap3A_1385 = tpu.vector_load %arg11[%swap3A_1383, %swap3A_1384] {strides = array<i32>} : memref<72x128xf32, #tpu.memory_space<vmem>>, vector<1x16xf32>,
        %swap3A_1386 = vector.shape_cast %swap3A_1385 : vector<1x16xf32> to vector<16xf32>
        %swap3A_1387 = vector.shape_cast %get3A_1382 : vector<16xf32> to vector<1x16xf32>
        tpu.vector_store %arg11[%swap3A_1383, %swap3A_1384], %swap3A_1387 {add = true, strides = array<i32>} : memref<72x128xf32, #tpu.memory_space<vmem>>, vector<1x16xf32>,
        %add3A_1388 = arith.constant 128 : i32
        %add3A_1389 = arith.addi %add3A_1388, %add3A_1334 : i32
        %get3A_1390 = arith.index_cast %add3A_1389 : i32 to index
        %get3A_1391 = arith.constant 80 : index
        %get3A_1392 = tpu.vector_load %arg7[%get3A_1390, %get3A_1391] {strides = array<i32>} : memref<200x128xf32, #tpu.memory_space<vmem>>, vector<1x16xf32>,
        %get3A_1393 = vector.shape_cast %get3A_1392 : vector<1x16xf32> to vector<16xf32>
        %swap3A_1394 = arith.index_cast %add3A_1334 : i32 to index
        %swap3A_1395 = arith.constant 80 : index
        %swap3A_1396 = tpu.vector_load %arg11[%swap3A_1394, %swap3A_1395] {strides = array<i32>} : memref<72x128xf32, #tpu.memory_space<vmem>>, vector<1x16xf32>,
        %swap3A_1397 = vector.shape_cast %swap3A_1396 : vector<1x16xf32> to vector<16xf32>
        %swap3A_1398 = vector.shape_cast %get3A_1393 : vector<16xf32> to vector<1x16xf32>
        tpu.vector_store %arg11[%swap3A_1394, %swap3A_1395], %swap3A_1398 {add = true, strides = array<i32>} : memref<72x128xf32, #tpu.memory_space<vmem>>, vector<1x16xf32>,
        %add3A_1399 = arith.constant 128 : i32
        %add3A_1400 = arith.addi %add3A_1399, %add3A_1334 : i32
        %get3A_1401 = arith.index_cast %add3A_1400 : i32 to index
        %get3A_1402 = arith.constant 96 : index
        %get3A_1403 = tpu.vector_load %arg7[%get3A_1401, %get3A_1402] {strides = array<i32>} : memref<200x128xf32, #tpu.memory_space<vmem>>, vector<1x16xf32>,
        %get3A_1404 = vector.shape_cast %get3A_1403 : vector<1x16xf32> to vector<16xf32>
        %swap3A_1405 = arith.index_cast %add3A_1334 : i32 to index
        %swap3A_1406 = arith.constant 96 : index
        %swap3A_1407 = tpu.vector_load %arg11[%swap3A_1405, %swap3A_1406] {strides = array<i32>} : memref<72x128xf32, #tpu.memory_space<vmem>>, vector<1x16xf32>,
        %swap3A_1408 = vector.shape_cast %swap3A_1407 : vector<1x16xf32> to vector<16xf32>
        %swap3A_1409 = vector.shape_cast %get3A_1404 : vector<16xf32> to vector<1x16xf32>
        tpu.vector_store %arg11[%swap3A_1405, %swap3A_1406], %swap3A_1409 {add = true, strides = array<i32>} : memref<72x128xf32, #tpu.memory_space<vmem>>, vector<1x16xf32>,
        %add3A_1410 = arith.constant 128 : i32
        %add3A_1411 = arith.addi %add3A_1410, %add3A_1334 : i32
        %get3A_1412 = arith.index_cast %add3A_1411 : i32 to index
        %get3A_1413 = arith.constant 112 : index
        %get3A_1414 = tpu.vector_load %arg7[%get3A_1412, %get3A_1413] {strides = array<i32>} : memref<200x128xf32, #tpu.memory_space<vmem>>, vector<1x16xf32>,
        %get3A_1415 = vector.shape_cast %get3A_1414 : vector<1x16xf32> to vector<16xf32>
        %swap3A_1416 = arith.index_cast %add3A_1334 : i32 to index
        %swap3A_1417 = arith.constant 112 : index
        %swap3A_1418 = tpu.vector_load %arg11[%swap3A_1416, %swap3A_1417] {strides = array<i32>} : memref<72x128xf32, #tpu.memory_space<vmem>>, vector<1x16xf32>,
        %swap3A_1419 = vector.shape_cast %swap3A_1418 : vector<1x16xf32> to vector<16xf32>
        %swap3A_1420 = vector.shape_cast %get3A_1415 : vector<16xf32> to vector<1x16xf32>
        tpu.vector_store %arg11[%swap3A_1416, %swap3A_1417], %swap3A_1420 {add = true, strides = array<i32>} : memref<72x128xf32, #tpu.memory_space<vmem>>, vector<1x16xf32>,
      }
      %scan3A_1010 = arith.constant 72 : i32
      %jit3A_1011 = arith.constant 2 : i32
      %div3A_1012 = arith.divsi %add3A_898, %jit3A_1011 : i32
      %sign3A_1013 = arith.constant 0 : i32
      %sign3A_1014 = arith.cmpi sgt, %add3A_898, %sign3A_1013 : i32
      %sign3A_1015 = arith.extui %sign3A_1014 : i1 to i32
      %sign3A_1016 = arith.constant 0 : i32
      %sign3A_1017 = arith.cmpi slt, %add3A_898, %sign3A_1016 : i32
      %sign3A_1018 = arith.extui %sign3A_1017 : i1 to i32
      %sign3A_1019 = arith.subi %sign3A_1015, %sign3A_1018 : i32
      %sign3A_1020 = arith.constant 0 : i32
      %sign3A_1021 = arith.cmpi sgt, %jit3A_1011, %sign3A_1020 : i32
      %sign3A_1022 = arith.extui %sign3A_1021 : i1 to i32
      %sign3A_1023 = arith.constant 0 : i32
      %sign3A_1024 = arith.cmpi slt, %jit3A_1011, %sign3A_1023 : i32
      %sign3A_1025 = arith.extui %sign3A_1024 : i1 to i32
      %sign3A_1026 = arith.subi %sign3A_1022, %sign3A_1025 : i32
      %ne3A_1027 = arith.cmpi ne, %sign3A_1019, %sign3A_1026 : i32
      %rem3A_1028 = arith.remsi %add3A_898, %jit3A_1011 : i32
      %ne3A_1029 = arith.constant 0 : i32
      %ne3A_1030 = arith.cmpi ne, %rem3A_1028, %ne3A_1029 : i32
      %and3A_1031 = arith.andi %ne3A_1027, %ne3A_1030 : i1
      %sub3A_1032 = arith.constant 1 : i32
      %sub3A_1033 = arith.subi %div3A_1012, %sub3A_1032 : i32
      %select_n3A_1034 = arith.select %and3A_1031, %sub3A_1033, %div3A_1012 : i32
      %add3A_1035 = arith.addi %mul3A_2, %select_n3A_1034 : i32
      %mul3A_1036 = arith.constant 200 : i32
      %mul3A_1037 = arith.muli %add3A_1035, %mul3A_1036 : i32
      %add3A_1038 = arith.constant 128 : i32
      %add3A_1039 = arith.addi %mul3A_1037, %add3A_1038 : i32
      %dma_start3A_1040 = arith.constant 0 : i32
      %dma_start3A_1041 = tpu.memref_slice %arg5[%add3A_1039, %dma_start3A_1040] : memref<204800x128xf32, #tpu.memory_space<hbm>> -> memref<72x128xf32, #tpu.memory_space<hbm>>
      %dma_start3A_1042 = arith.constant 0 : i32
      %dma_start3A_1043 = tpu.memref_slice %arg5[%add3A_1039, %dma_start3A_1042] : memref<204800x128xf32, #tpu.memory_space<hbm>> -> memref<72x128xf32, #tpu.memory_space<hbm>>
      tpu.enqueue_dma source(%arg11 : memref<72x128xf32, #tpu.memory_space<vmem>>) target(%dma_start3A_1043 : memref<72x128xf32, #tpu.memory_space<hbm>>) target_semaphore(%arg23 : memref<!tpu.dma_semaphore, #tpu.memory_space<semaphore_mem>>)
      %add3A_1044 = arith.constant 4 : i32
      %add3A_1045 = arith.addi %add3A_479, %add3A_1044 : i32
      %sub3A_1046 = arith.constant 4 : i32
      %sub3A_1047 = arith.subi %add3A_1045, %sub3A_1046 : i32
      %jit3A_1048 = arith.constant 2 : i32
      %div3A_1049 = arith.divsi %sub3A_1047, %jit3A_1048 : i32
      %sign3A_1050 = arith.constant 0 : i32
      %sign3A_1051 = arith.cmpi sgt, %sub3A_1047, %sign3A_1050 : i32
      %sign3A_1052 = arith.extui %sign3A_1051 : i1 to i32
      %sign3A_1053 = arith.constant 0 : i32
      %sign3A_1054 = arith.cmpi slt, %sub3A_1047, %sign3A_1053 : i32
      %sign3A_1055 = arith.extui %sign3A_1054 : i1 to i32
      %sign3A_1056 = arith.subi %sign3A_1052, %sign3A_1055 : i32
      %sign3A_1057 = arith.constant 0 : i32
      %sign3A_1058 = arith.cmpi sgt, %jit3A_1048, %sign3A_1057 : i32
      %sign3A_1059 = arith.extui %sign3A_1058 : i1 to i32
      %sign3A_1060 = arith.constant 0 : i32
      %sign3A_1061 = arith.cmpi slt, %jit3A_1048, %sign3A_1060 : i32
      %sign3A_1062 = arith.extui %sign3A_1061 : i1 to i32
      %sign3A_1063 = arith.subi %sign3A_1059, %sign3A_1062 : i32
      %ne3A_1064 = arith.cmpi ne, %sign3A_1056, %sign3A_1063 : i32
      %rem3A_1065 = arith.remsi %sub3A_1047, %jit3A_1048 : i32
      %ne3A_1066 = arith.constant 0 : i32
      %ne3A_1067 = arith.cmpi ne, %rem3A_1065, %ne3A_1066 : i32
      %and3A_1068 = arith.andi %ne3A_1064, %ne3A_1067 : i1
      %sub3A_1069 = arith.constant 1 : i32
      %sub3A_1070 = arith.subi %div3A_1049, %sub3A_1069 : i32
      %select_n3A_1071 = arith.select %and3A_1068, %sub3A_1070, %div3A_1049 : i32
      %add3A_1072 = arith.addi %mul3A_2, %select_n3A_1071 : i32
      %mul3A_1073 = arith.constant 200 : i32
      %mul3A_1074 = arith.muli %add3A_1072, %mul3A_1073 : i32
      %dma_wait3A_1075 = arith.constant 0 : i32
      %dma_wait3A_1076 = tpu.memref_slice %arg5[%mul3A_1074, %dma_wait3A_1075] : memref<204800x128xf32, #tpu.memory_space<hbm>> -> memref<128x128xf32, #tpu.memory_space<hbm>>
      %dma_wait3A_1077 = arith.constant 0 : i32
      %dma_wait3A_1078 = tpu.memref_slice %arg5[%mul3A_1074, %dma_wait3A_1077] : memref<204800x128xf32, #tpu.memory_space<hbm>> -> memref<128x128xf32, #tpu.memory_space<hbm>>
      tpu.wait_dma2 semaphore(%arg22 : memref<!tpu.dma_semaphore, #tpu.memory_space<semaphore_mem>>) src(%arg10 : memref<128x128xf32, #tpu.memory_space<vmem>>) dst(%dma_wait3A_1078 : memref<128x128xf32, #tpu.memory_space<hbm>>)
      %add3A_1079 = arith.constant 2 : i32
      %add3A_1080 = arith.addi %add3A_1045, %add3A_1079 : i32
      %jit3A_1081 = arith.constant 2 : i32
      %div3A_1082 = arith.divsi %add3A_1080, %jit3A_1081 : i32
      %sign3A_1083 = arith.constant 0 : i32
      %sign3A_1084 = arith.cmpi sgt, %add3A_1080, %sign3A_1083 : i32
      %sign3A_1085 = arith.extui %sign3A_1084 : i1 to i32
      %sign3A_1086 = arith.constant 0 : i32
      %sign3A_1087 = arith.cmpi slt, %add3A_1080, %sign3A_1086 : i32
      %sign3A_1088 = arith.extui %sign3A_1087 : i1 to i32
      %sign3A_1089 = arith.subi %sign3A_1085, %sign3A_1088 : i32
      %sign3A_1090 = arith.constant 0 : i32
      %sign3A_1091 = arith.cmpi sgt, %jit3A_1081, %sign3A_1090 : i32
      %sign3A_1092 = arith.extui %sign3A_1091 : i1 to i32
      %sign3A_1093 = arith.constant 0 : i32
      %sign3A_1094 = arith.cmpi slt, %jit3A_1081, %sign3A_1093 : i32
      %sign3A_1095 = arith.extui %sign3A_1094 : i1 to i32
      %sign3A_1096 = arith.subi %sign3A_1092, %sign3A_1095 : i32
      %ne3A_1097 = arith.cmpi ne, %sign3A_1089, %sign3A_1096 : i32
      %rem3A_1098 = arith.remsi %add3A_1080, %jit3A_1081 : i32
      %ne3A_1099 = arith.constant 0 : i32
      %ne3A_1100 = arith.cmpi ne, %rem3A_1098, %ne3A_1099 : i32
      %and3A_1101 = arith.andi %ne3A_1097, %ne3A_1100 : i1
      %sub3A_1102 = arith.constant 1 : i32
      %sub3A_1103 = arith.subi %div3A_1082, %sub3A_1102 : i32
      %select_n3A_1104 = arith.select %and3A_1101, %sub3A_1103, %div3A_1082 : i32
      %add3A_1105 = arith.addi %mul3A_2, %select_n3A_1104 : i32
      %mul3A_1106 = arith.constant 200 : i32
      %mul3A_1107 = arith.muli %add3A_1105, %mul3A_1106 : i32
      %dma_start3A_1108 = arith.constant 0 : i32
      %dma_start3A_1109 = tpu.memref_slice %arg6[%select_n3A_1104, %dma_start3A_1108] : memref<32x200xi32, #tpu.memory_space<vmem>> -> memref<1x128xi32, #tpu.memory_space<vmem>>
      %dma_start3A_1110 = tpu.memref_squeeze %dma_start3A_1109 : memref<1x128xi32, #tpu.memory_space<vmem>> -> memref<128xi32, #tpu.memory_space<vmem>>
      %dma_start3A_1111 = arith.constant 0 : i32
      %dma_start3A_1112 = arith.constant 0 : i32
      %dma_start3A_1113 = tpu.memref_slice %arg2[%dma_start3A_1111, %dma_start3A_1112] : memref<100000x128xf32, #tpu.memory_space<hbm>> -> memref<100000x128xf32, #tpu.memory_space<hbm>>
      tpu.enqueue_indirect_dma source(%dma_start3A_1113 : memref<100000x128xf32, #tpu.memory_space<hbm>>) target(%arg10 : memref<128x128xf32, #tpu.memory_space<vmem>>) offsets(%dma_start3A_1110 : memref<128xi32, #tpu.memory_space<vmem>>) semaphore(%arg16 : memref<!tpu.dma_semaphore, #tpu.memory_space<semaphore_mem>>)
      %jit3A_1114 = arith.constant 2 : i32
      %div3A_1115 = arith.divsi %add3A_1045, %jit3A_1114 : i32
      %sign3A_1116 = arith.constant 0 : i32
      %sign3A_1117 = arith.cmpi sgt, %add3A_1045, %sign3A_1116 : i32
      %sign3A_1118 = arith.extui %sign3A_1117 : i1 to i32
      %sign3A_1119 = arith.constant 0 : i32
      %sign3A_1120 = arith.cmpi slt, %add3A_1045, %sign3A_1119 : i32
      %sign3A_1121 = arith.extui %sign3A_1120 : i1 to i32
      %sign3A_1122 = arith.subi %sign3A_1118, %sign3A_1121 : i32
      %sign3A_1123 = arith.constant 0 : i32
      %sign3A_1124 = arith.cmpi sgt, %jit3A_1114, %sign3A_1123 : i32
      %sign3A_1125 = arith.extui %sign3A_1124 : i1 to i32
      %sign3A_1126 = arith.constant 0 : i32
      %sign3A_1127 = arith.cmpi slt, %jit3A_1114, %sign3A_1126 : i32
      %sign3A_1128 = arith.extui %sign3A_1127 : i1 to i32
      %sign3A_1129 = arith.subi %sign3A_1125, %sign3A_1128 : i32
      %ne3A_1130 = arith.cmpi ne, %sign3A_1122, %sign3A_1129 : i32
      %rem3A_1131 = arith.remsi %add3A_1045, %jit3A_1114 : i32
      %ne3A_1132 = arith.constant 0 : i32
      %ne3A_1133 = arith.cmpi ne, %rem3A_1131, %ne3A_1132 : i32
      %and3A_1134 = arith.andi %ne3A_1130, %ne3A_1133 : i1
      %sub3A_1135 = arith.constant 1 : i32
      %sub3A_1136 = arith.subi %div3A_1115, %sub3A_1135 : i32
      %select_n3A_1137 = arith.select %and3A_1134, %sub3A_1136, %div3A_1115 : i32
      %add3A_1138 = arith.addi %mul3A_2, %select_n3A_1137 : i32
      %mul3A_1139 = arith.constant 200 : i32
      %mul3A_1140 = arith.muli %add3A_1138, %mul3A_1139 : i32
      %dma_wait3A_1141 = arith.constant 0 : i32
      %dma_wait3A_1142 = tpu.memref_slice %arg6[%select_n3A_1137, %dma_wait3A_1141] : memref<32x200xi32, #tpu.memory_space<vmem>> -> memref<1x128xi32, #tpu.memory_space<vmem>>
      %dma_wait3A_1143 = tpu.memref_squeeze %dma_wait3A_1142 : memref<1x128xi32, #tpu.memory_space<vmem>> -> memref<128xi32, #tpu.memory_space<vmem>>
      %dma_wait3A_1144 = arith.constant 0 : i32
      %dma_wait3A_1145 = arith.constant 0 : i32
      %dma_wait3A_1146 = tpu.memref_slice %arg2[%dma_wait3A_1144, %dma_wait3A_1145] : memref<100000x128xf32, #tpu.memory_space<hbm>> -> memref<100000x128xf32, #tpu.memory_space<hbm>>
      tpu.wait_indirect_dma semaphore(%arg15 : memref<!tpu.dma_semaphore, #tpu.memory_space<semaphore_mem>>) src(%dma_wait3A_1146 : memref<100000x128xf32, #tpu.memory_space<hbm>>) dst(%arg9 : memref<128x128xf32, #tpu.memory_space<vmem>>)
      %scan3A_1147 = arith.constant 0 : i32
      %scan3A_1148 = arith.constant 128 : i32
      %scan3A_1149 = arith.addi %scan3A_1147, %scan3A_1148 : i32
      %scan3A_1150 = arith.constant 1 : i32
      scf.for %scan3A_1330 = %scan3A_1147 to %scan3A_1149 step %scan3A_1150  : i32 {
        %mul3A_1331 = arith.constant 1 : i32
        %mul3A_1332 = arith.muli %scan3A_1330, %mul3A_1331 : i32
        %add3A_1333 = arith.constant 0 : i32
        %add3A_1334 = arith.addi %add3A_1333, %mul3A_1332 : i32
        %add3A_1335 = arith.constant 0 : i32
        %add3A_1336 = arith.addi %add3A_1335, %add3A_1334 : i32
        %get3A = arith.index_cast %add3A_1336 : i32 to index
        %get3A_1337 = arith.constant 0 : index
        %get3A_1338 = tpu.vector_load %arg7[%get3A, %get3A_1337] {strides = array<i32>} : memref<200x128xf32, #tpu.memory_space<vmem>>, vector<1x16xf32>,
        %get3A_1339 = vector.shape_cast %get3A_1338 : vector<1x16xf32> to vector<16xf32>
        %swap3A = arith.index_cast %add3A_1334 : i32 to index
        %swap3A_1340 = arith.constant 0 : index
        %swap3A_1341 = tpu.vector_load %arg9[%swap3A, %swap3A_1340] {strides = array<i32>} : memref<128x128xf32, #tpu.memory_space<vmem>>, vector<1x16xf32>,
        %swap3A_1342 = vector.shape_cast %swap3A_1341 : vector<1x16xf32> to vector<16xf32>
        %swap3A_1343 = vector.shape_cast %get3A_1339 : vector<16xf32> to vector<1x16xf32>
        tpu.vector_store %arg9[%swap3A, %swap3A_1340], %swap3A_1343 {add = true, strides = array<i32>} : memref<128x128xf32, #tpu.memory_space<vmem>>, vector<1x16xf32>,
        %add3A_1344 = arith.constant 0 : i32
        %add3A_1345 = arith.addi %add3A_1344, %add3A_1334 : i32
        %get3A_1346 = arith.index_cast %add3A_1345 : i32 to index
        %get3A_1347 = arith.constant 16 : index
        %get3A_1348 = tpu.vector_load %arg7[%get3A_1346, %get3A_1347] {strides = array<i32>} : memref<200x128xf32, #tpu.memory_space<vmem>>, vector<1x16xf32>,
        %get3A_1349 = vector.shape_cast %get3A_1348 : vector<1x16xf32> to vector<16xf32>
        %swap3A_1350 = arith.index_cast %add3A_1334 : i32 to index
        %swap3A_1351 = arith.constant 16 : index
        %swap3A_1352 = tpu.vector_load %arg9[%swap3A_1350, %swap3A_1351] {strides = array<i32>} : memref<128x128xf32, #tpu.memory_space<vmem>>, vector<1x16xf32>,
        %swap3A_1353 = vector.shape_cast %swap3A_1352 : vector<1x16xf32> to vector<16xf32>
        %swap3A_1354 = vector.shape_cast %get3A_1349 : vector<16xf32> to vector<1x16xf32>
        tpu.vector_store %arg9[%swap3A_1350, %swap3A_1351], %swap3A_1354 {add = true, strides = array<i32>} : memref<128x128xf32, #tpu.memory_space<vmem>>, vector<1x16xf32>,
        %add3A_1355 = arith.constant 0 : i32
        %add3A_1356 = arith.addi %add3A_1355, %add3A_1334 : i32
        %get3A_1357 = arith.index_cast %add3A_1356 : i32 to index
        %get3A_1358 = arith.constant 32 : index
        %get3A_1359 = tpu.vector_load %arg7[%get3A_1357, %get3A_1358] {strides = array<i32>} : memref<200x128xf32, #tpu.memory_space<vmem>>, vector<1x16xf32>,
        %get3A_1360 = vector.shape_cast %get3A_1359 : vector<1x16xf32> to vector<16xf32>
        %swap3A_1361 = arith.index_cast %add3A_1334 : i32 to index
        %swap3A_1362 = arith.constant 32 : index
        %swap3A_1363 = tpu.vector_load %arg9[%swap3A_1361, %swap3A_1362] {strides = array<i32>} : memref<128x128xf32, #tpu.memory_space<vmem>>, vector<1x16xf32>,
        %swap3A_1364 = vector.shape_cast %swap3A_1363 : vector<1x16xf32> to vector<16xf32>
        %swap3A_1365 = vector.shape_cast %get3A_1360 : vector<16xf32> to vector<1x16xf32>
        tpu.vector_store %arg9[%swap3A_1361, %swap3A_1362], %swap3A_1365 {add = true, strides = array<i32>} : memref<128x128xf32, #tpu.memory_space<vmem>>, vector<1x16xf32>,
        %add3A_1366 = arith.constant 0 : i32
        %add3A_1367 = arith.addi %add3A_1366, %add3A_1334 : i32
        %get3A_1368 = arith.index_cast %add3A_1367 : i32 to index
        %get3A_1369 = arith.constant 48 : index
        %get3A_1370 = tpu.vector_load %arg7[%get3A_1368, %get3A_1369] {strides = array<i32>} : memref<200x128xf32, #tpu.memory_space<vmem>>, vector<1x16xf32>,
        %get3A_1371 = vector.shape_cast %get3A_1370 : vector<1x16xf32> to vector<16xf32>
        %swap3A_1372 = arith.index_cast %add3A_1334 : i32 to index
        %swap3A_1373 = arith.constant 48 : index
        %swap3A_1374 = tpu.vector_load %arg9[%swap3A_1372, %swap3A_1373] {strides = array<i32>} : memref<128x128xf32, #tpu.memory_space<vmem>>, vector<1x16xf32>,
        %swap3A_1375 = vector.shape_cast %swap3A_1374 : vector<1x16xf32> to vector<16xf32>
        %swap3A_1376 = vector.shape_cast %get3A_1371 : vector<16xf32> to vector<1x16xf32>
        tpu.vector_store %arg9[%swap3A_1372, %swap3A_1373], %swap3A_1376 {add = true, strides = array<i32>} : memref<128x128xf32, #tpu.memory_space<vmem>>, vector<1x16xf32>,
        %add3A_1377 = arith.constant 0 : i32
        %add3A_1378 = arith.addi %add3A_1377, %add3A_1334 : i32
        %get3A_1379 = arith.index_cast %add3A_1378 : i32 to index
        %get3A_1380 = arith.constant 64 : index
        %get3A_1381 = tpu.vector_load %arg7[%get3A_1379, %get3A_1380] {strides = array<i32>} : memref<200x128xf32, #tpu.memory_space<vmem>>, vector<1x16xf32>,
        %get3A_1382 = vector.shape_cast %get3A_1381 : vector<1x16xf32> to vector<16xf32>
        %swap3A_1383 = arith.index_cast %add3A_1334 : i32 to index
        %swap3A_1384 = arith.constant 64 : index
        %swap3A_1385 = tpu.vector_load %arg9[%swap3A_1383, %swap3A_1384] {strides = array<i32>} : memref<128x128xf32, #tpu.memory_space<vmem>>, vector<1x16xf32>,
        %swap3A_1386 = vector.shape_cast %swap3A_1385 : vector<1x16xf32> to vector<16xf32>
        %swap3A_1387 = vector.shape_cast %get3A_1382 : vector<16xf32> to vector<1x16xf32>
        tpu.vector_store %arg9[%swap3A_1383, %swap3A_1384], %swap3A_1387 {add = true, strides = array<i32>} : memref<128x128xf32, #tpu.memory_space<vmem>>, vector<1x16xf32>,
        %add3A_1388 = arith.constant 0 : i32
        %add3A_1389 = arith.addi %add3A_1388, %add3A_1334 : i32
        %get3A_1390 = arith.index_cast %add3A_1389 : i32 to index
        %get3A_1391 = arith.constant 80 : index
        %get3A_1392 = tpu.vector_load %arg7[%get3A_1390, %get3A_1391] {strides = array<i32>} : memref<200x128xf32, #tpu.memory_space<vmem>>, vector<1x16xf32>,
        %get3A_1393 = vector.shape_cast %get3A_1392 : vector<1x16xf32> to vector<16xf32>
        %swap3A_1394 = arith.index_cast %add3A_1334 : i32 to index
        %swap3A_1395 = arith.constant 80 : index
        %swap3A_1396 = tpu.vector_load %arg9[%swap3A_1394, %swap3A_1395] {strides = array<i32>} : memref<128x128xf32, #tpu.memory_space<vmem>>, vector<1x16xf32>,
        %swap3A_1397 = vector.shape_cast %swap3A_1396 : vector<1x16xf32> to vector<16xf32>
        %swap3A_1398 = vector.shape_cast %get3A_1393 : vector<16xf32> to vector<1x16xf32>
        tpu.vector_store %arg9[%swap3A_1394, %swap3A_1395], %swap3A_1398 {add = true, strides = array<i32>} : memref<128x128xf32, #tpu.memory_space<vmem>>, vector<1x16xf32>,
        %add3A_1399 = arith.constant 0 : i32
        %add3A_1400 = arith.addi %add3A_1399, %add3A_1334 : i32
        %get3A_1401 = arith.index_cast %add3A_1400 : i32 to index
        %get3A_1402 = arith.constant 96 : index
        %get3A_1403 = tpu.vector_load %arg7[%get3A_1401, %get3A_1402] {strides = array<i32>} : memref<200x128xf32, #tpu.memory_space<vmem>>, vector<1x16xf32>,
        %get3A_1404 = vector.shape_cast %get3A_1403 : vector<1x16xf32> to vector<16xf32>
        %swap3A_1405 = arith.index_cast %add3A_1334 : i32 to index
        %swap3A_1406 = arith.constant 96 : index
        %swap3A_1407 = tpu.vector_load %arg9[%swap3A_1405, %swap3A_1406] {strides = array<i32>} : memref<128x128xf32, #tpu.memory_space<vmem>>, vector<1x16xf32>,
        %swap3A_1408 = vector.shape_cast %swap3A_1407 : vector<1x16xf32> to vector<16xf32>
        %swap3A_1409 = vector.shape_cast %get3A_1404 : vector<16xf32> to vector<1x16xf32>
        tpu.vector_store %arg9[%swap3A_1405, %swap3A_1406], %swap3A_1409 {add = true, strides = array<i32>} : memref<128x128xf32, #tpu.memory_space<vmem>>, vector<1x16xf32>,
        %add3A_1410 = arith.constant 0 : i32
        %add3A_1411 = arith.addi %add3A_1410, %add3A_1334 : i32
        %get3A_1412 = arith.index_cast %add3A_1411 : i32 to index
        %get3A_1413 = arith.constant 112 : index
        %get3A_1414 = tpu.vector_load %arg7[%get3A_1412, %get3A_1413] {strides = array<i32>} : memref<200x128xf32, #tpu.memory_space<vmem>>, vector<1x16xf32>,
        %get3A_1415 = vector.shape_cast %get3A_1414 : vector<1x16xf32> to vector<16xf32>
        %swap3A_1416 = arith.index_cast %add3A_1334 : i32 to index
        %swap3A_1417 = arith.constant 112 : index
        %swap3A_1418 = tpu.vector_load %arg9[%swap3A_1416, %swap3A_1417] {strides = array<i32>} : memref<128x128xf32, #tpu.memory_space<vmem>>, vector<1x16xf32>,
        %swap3A_1419 = vector.shape_cast %swap3A_1418 : vector<1x16xf32> to vector<16xf32>
        %swap3A_1420 = vector.shape_cast %get3A_1415 : vector<16xf32> to vector<1x16xf32>
        tpu.vector_store %arg9[%swap3A_1416, %swap3A_1417], %swap3A_1420 {add = true, strides = array<i32>} : memref<128x128xf32, #tpu.memory_space<vmem>>, vector<1x16xf32>,
      }
      %scan3A_1151 = arith.constant 128 : i32
      %jit3A_1152 = arith.constant 2 : i32
      %div3A_1153 = arith.divsi %add3A_1045, %jit3A_1152 : i32
      %sign3A_1154 = arith.constant 0 : i32
      %sign3A_1155 = arith.cmpi sgt, %add3A_1045, %sign3A_1154 : i32
      %sign3A_1156 = arith.extui %sign3A_1155 : i1 to i32
      %sign3A_1157 = arith.constant 0 : i32
      %sign3A_1158 = arith.cmpi slt, %add3A_1045, %sign3A_1157 : i32
      %sign3A_1159 = arith.extui %sign3A_1158 : i1 to i32
      %sign3A_1160 = arith.subi %sign3A_1156, %sign3A_1159 : i32
      %sign3A_1161 = arith.constant 0 : i32
      %sign3A_1162 = arith.cmpi sgt, %jit3A_1152, %sign3A_1161 : i32
      %sign3A_1163 = arith.extui %sign3A_1162 : i1 to i32
      %sign3A_1164 = arith.constant 0 : i32
      %sign3A_1165 = arith.cmpi slt, %jit3A_1152, %sign3A_1164 : i32
      %sign3A_1166 = arith.extui %sign3A_1165 : i1 to i32
      %sign3A_1167 = arith.subi %sign3A_1163, %sign3A_1166 : i32
      %ne3A_1168 = arith.cmpi ne, %sign3A_1160, %sign3A_1167 : i32
      %rem3A_1169 = arith.remsi %add3A_1045, %jit3A_1152 : i32
      %ne3A_1170 = arith.constant 0 : i32
      %ne3A_1171 = arith.cmpi ne, %rem3A_1169, %ne3A_1170 : i32
      %and3A_1172 = arith.andi %ne3A_1168, %ne3A_1171 : i1
      %sub3A_1173 = arith.constant 1 : i32
      %sub3A_1174 = arith.subi %div3A_1153, %sub3A_1173 : i32
      %select_n3A_1175 = arith.select %and3A_1172, %sub3A_1174, %div3A_1153 : i32
      %add3A_1176 = arith.addi %mul3A_2, %select_n3A_1175 : i32
      %mul3A_1177 = arith.constant 200 : i32
      %mul3A_1178 = arith.muli %add3A_1176, %mul3A_1177 : i32
      %dma_start3A_1179 = arith.constant 0 : i32
      %dma_start3A_1180 = tpu.memref_slice %arg5[%mul3A_1178, %dma_start3A_1179] : memref<204800x128xf32, #tpu.memory_space<hbm>> -> memref<128x128xf32, #tpu.memory_space<hbm>>
      %dma_start3A_1181 = arith.constant 0 : i32
      %dma_start3A_1182 = tpu.memref_slice %arg5[%mul3A_1178, %dma_start3A_1181] : memref<204800x128xf32, #tpu.memory_space<hbm>> -> memref<128x128xf32, #tpu.memory_space<hbm>>
      tpu.enqueue_dma source(%arg9 : memref<128x128xf32, #tpu.memory_space<vmem>>) target(%dma_start3A_1182 : memref<128x128xf32, #tpu.memory_space<hbm>>) target_semaphore(%arg21 : memref<!tpu.dma_semaphore, #tpu.memory_space<semaphore_mem>>)
      %add3A_1183 = arith.constant 5 : i32
      %add3A_1184 = arith.addi %add3A_479, %add3A_1183 : i32
      %sub3A_1185 = arith.constant 4 : i32
      %sub3A_1186 = arith.subi %add3A_1184, %sub3A_1185 : i32
      %jit3A_1187 = arith.constant 2 : i32
      %div3A_1188 = arith.divsi %sub3A_1186, %jit3A_1187 : i32
      %sign3A_1189 = arith.constant 0 : i32
      %sign3A_1190 = arith.cmpi sgt, %sub3A_1186, %sign3A_1189 : i32
      %sign3A_1191 = arith.extui %sign3A_1190 : i1 to i32
      %sign3A_1192 = arith.constant 0 : i32
      %sign3A_1193 = arith.cmpi slt, %sub3A_1186, %sign3A_1192 : i32
      %sign3A_1194 = arith.extui %sign3A_1193 : i1 to i32
      %sign3A_1195 = arith.subi %sign3A_1191, %sign3A_1194 : i32
      %sign3A_1196 = arith.constant 0 : i32
      %sign3A_1197 = arith.cmpi sgt, %jit3A_1187, %sign3A_1196 : i32
      %sign3A_1198 = arith.extui %sign3A_1197 : i1 to i32
      %sign3A_1199 = arith.constant 0 : i32
      %sign3A_1200 = arith.cmpi slt, %jit3A_1187, %sign3A_1199 : i32
      %sign3A_1201 = arith.extui %sign3A_1200 : i1 to i32
      %sign3A_1202 = arith.subi %sign3A_1198, %sign3A_1201 : i32
      %ne3A_1203 = arith.cmpi ne, %sign3A_1195, %sign3A_1202 : i32
      %rem3A_1204 = arith.remsi %sub3A_1186, %jit3A_1187 : i32
      %ne3A_1205 = arith.constant 0 : i32
      %ne3A_1206 = arith.cmpi ne, %rem3A_1204, %ne3A_1205 : i32
      %and3A_1207 = arith.andi %ne3A_1203, %ne3A_1206 : i1
      %sub3A_1208 = arith.constant 1 : i32
      %sub3A_1209 = arith.subi %div3A_1188, %sub3A_1208 : i32
      %select_n3A_1210 = arith.select %and3A_1207, %sub3A_1209, %div3A_1188 : i32
      %add3A_1211 = arith.addi %mul3A_2, %select_n3A_1210 : i32
      %mul3A_1212 = arith.constant 200 : i32
      %mul3A_1213 = arith.muli %add3A_1211, %mul3A_1212 : i32
      %add3A_1214 = arith.constant 128 : i32
      %add3A_1215 = arith.addi %mul3A_1213, %add3A_1214 : i32
      %dma_wait3A_1216 = arith.constant 0 : i32
      %dma_wait3A_1217 = tpu.memref_slice %arg5[%add3A_1215, %dma_wait3A_1216] : memref<204800x128xf32, #tpu.memory_space<hbm>> -> memref<72x128xf32, #tpu.memory_space<hbm>>
      %dma_wait3A_1218 = arith.constant 0 : i32
      %dma_wait3A_1219 = tpu.memref_slice %arg5[%add3A_1215, %dma_wait3A_1218] : memref<204800x128xf32, #tpu.memory_space<hbm>> -> memref<72x128xf32, #tpu.memory_space<hbm>>
      tpu.wait_dma2 semaphore(%arg25 : memref<!tpu.dma_semaphore, #tpu.memory_space<semaphore_mem>>) src(%arg13 : memref<72x128xf32, #tpu.memory_space<vmem>>) dst(%dma_wait3A_1219 : memref<72x128xf32, #tpu.memory_space<hbm>>)
      %add3A_1220 = arith.constant 2 : i32
      %add3A_1221 = arith.addi %add3A_1184, %add3A_1220 : i32
      %jit3A_1222 = arith.constant 2 : i32
      %div3A_1223 = arith.divsi %add3A_1221, %jit3A_1222 : i32
      %sign3A_1224 = arith.constant 0 : i32
      %sign3A_1225 = arith.cmpi sgt, %add3A_1221, %sign3A_1224 : i32
      %sign3A_1226 = arith.extui %sign3A_1225 : i1 to i32
      %sign3A_1227 = arith.constant 0 : i32
      %sign3A_1228 = arith.cmpi slt, %add3A_1221, %sign3A_1227 : i32
      %sign3A_1229 = arith.extui %sign3A_1228 : i1 to i32
      %sign3A_1230 = arith.subi %sign3A_1226, %sign3A_1229 : i32
      %sign3A_1231 = arith.constant 0 : i32
      %sign3A_1232 = arith.cmpi sgt, %jit3A_1222, %sign3A_1231 : i32
      %sign3A_1233 = arith.extui %sign3A_1232 : i1 to i32
      %sign3A_1234 = arith.constant 0 : i32
      %sign3A_1235 = arith.cmpi slt, %jit3A_1222, %sign3A_1234 : i32
      %sign3A_1236 = arith.extui %sign3A_1235 : i1 to i32
      %sign3A_1237 = arith.subi %sign3A_1233, %sign3A_1236 : i32
      %ne3A_1238 = arith.cmpi ne, %sign3A_1230, %sign3A_1237 : i32
      %rem3A_1239 = arith.remsi %add3A_1221, %jit3A_1222 : i32
      %ne3A_1240 = arith.constant 0 : i32
      %ne3A_1241 = arith.cmpi ne, %rem3A_1239, %ne3A_1240 : i32
      %and3A_1242 = arith.andi %ne3A_1238, %ne3A_1241 : i1
      %sub3A_1243 = arith.constant 1 : i32
      %sub3A_1244 = arith.subi %div3A_1223, %sub3A_1243 : i32
      %select_n3A_1245 = arith.select %and3A_1242, %sub3A_1244, %div3A_1223 : i32
      %add3A_1246 = arith.addi %mul3A_2, %select_n3A_1245 : i32
      %mul3A_1247 = arith.constant 200 : i32
      %mul3A_1248 = arith.muli %add3A_1246, %mul3A_1247 : i32
      %add3A_1249 = arith.constant 128 : i32
      %add3A_1250 = arith.addi %mul3A_1248, %add3A_1249 : i32
      %dma_start3A_1251 = arith.constant 128 : i32
      %dma_start3A_1252 = tpu.memref_slice %arg6[%select_n3A_1245, %dma_start3A_1251] : memref<32x200xi32, #tpu.memory_space<vmem>> -> memref<1x72xi32, #tpu.memory_space<vmem>>
      %dma_start3A_1253 = tpu.memref_squeeze %dma_start3A_1252 : memref<1x72xi32, #tpu.memory_space<vmem>> -> memref<72xi32, #tpu.memory_space<vmem>>
      %dma_start3A_1254 = arith.constant 0 : i32
      %dma_start3A_1255 = arith.constant 0 : i32
      %dma_start3A_1256 = tpu.memref_slice %arg2[%dma_start3A_1254, %dma_start3A_1255] : memref<100000x128xf32, #tpu.memory_space<hbm>> -> memref<100000x128xf32, #tpu.memory_space<hbm>>
      tpu.enqueue_indirect_dma source(%dma_start3A_1256 : memref<100000x128xf32, #tpu.memory_space<hbm>>) target(%arg13 : memref<72x128xf32, #tpu.memory_space<vmem>>) offsets(%dma_start3A_1253 : memref<72xi32, #tpu.memory_space<vmem>>) semaphore(%arg19 : memref<!tpu.dma_semaphore, #tpu.memory_space<semaphore_mem>>)
      %jit3A_1257 = arith.constant 2 : i32
      %div3A_1258 = arith.divsi %add3A_1184, %jit3A_1257 : i32
      %sign3A_1259 = arith.constant 0 : i32
      %sign3A_1260 = arith.cmpi sgt, %add3A_1184, %sign3A_1259 : i32
      %sign3A_1261 = arith.extui %sign3A_1260 : i1 to i32
      %sign3A_1262 = arith.constant 0 : i32
      %sign3A_1263 = arith.cmpi slt, %add3A_1184, %sign3A_1262 : i32
      %sign3A_1264 = arith.extui %sign3A_1263 : i1 to i32
      %sign3A_1265 = arith.subi %sign3A_1261, %sign3A_1264 : i32
      %sign3A_1266 = arith.constant 0 : i32
      %sign3A_1267 = arith.cmpi sgt, %jit3A_1257, %sign3A_1266 : i32
      %sign3A_1268 = arith.extui %sign3A_1267 : i1 to i32
      %sign3A_1269 = arith.constant 0 : i32
      %sign3A_1270 = arith.cmpi slt, %jit3A_1257, %sign3A_1269 : i32
      %sign3A_1271 = arith.extui %sign3A_1270 : i1 to i32
      %sign3A_1272 = arith.subi %sign3A_1268, %sign3A_1271 : i32
      %ne3A_1273 = arith.cmpi ne, %sign3A_1265, %sign3A_1272 : i32
      %rem3A_1274 = arith.remsi %add3A_1184, %jit3A_1257 : i32
      %ne3A_1275 = arith.constant 0 : i32
      %ne3A_1276 = arith.cmpi ne, %rem3A_1274, %ne3A_1275 : i32
      %and3A_1277 = arith.andi %ne3A_1273, %ne3A_1276 : i1
      %sub3A_1278 = arith.constant 1 : i32
      %sub3A_1279 = arith.subi %div3A_1258, %sub3A_1278 : i32
      %select_n3A_1280 = arith.select %and3A_1277, %sub3A_1279, %div3A_1258 : i32
      %add3A_1281 = arith.addi %mul3A_2, %select_n3A_1280 : i32
      %mul3A_1282 = arith.constant 200 : i32
      %mul3A_1283 = arith.muli %add3A_1281, %mul3A_1282 : i32
      %add3A_1284 = arith.constant 128 : i32
      %add3A_1285 = arith.addi %mul3A_1283, %add3A_1284 : i32
      %dma_wait3A_1286 = arith.constant 128 : i32
      %dma_wait3A_1287 = tpu.memref_slice %arg6[%select_n3A_1280, %dma_wait3A_1286] : memref<32x200xi32, #tpu.memory_space<vmem>> -> memref<1x72xi32, #tpu.memory_space<vmem>>
      %dma_wait3A_1288 = tpu.memref_squeeze %dma_wait3A_1287 : memref<1x72xi32, #tpu.memory_space<vmem>> -> memref<72xi32, #tpu.memory_space<vmem>>
      %dma_wait3A_1289 = arith.constant 0 : i32
      %dma_wait3A_1290 = arith.constant 0 : i32
      %dma_wait3A_1291 = tpu.memref_slice %arg2[%dma_wait3A_1289, %dma_wait3A_1290] : memref<100000x128xf32, #tpu.memory_space<hbm>> -> memref<100000x128xf32, #tpu.memory_space<hbm>>
      tpu.wait_indirect_dma semaphore(%arg18 : memref<!tpu.dma_semaphore, #tpu.memory_space<semaphore_mem>>) src(%dma_wait3A_1291 : memref<100000x128xf32, #tpu.memory_space<hbm>>) dst(%arg12 : memref<72x128xf32, #tpu.memory_space<vmem>>)
      %scan3A_1292 = arith.constant 0 : i32
      %scan3A_1293 = arith.constant 72 : i32
      %scan3A_1294 = arith.addi %scan3A_1292, %scan3A_1293 : i32
      %scan3A_1295 = arith.constant 1 : i32
      scf.for %scan3A_1330 = %scan3A_1292 to %scan3A_1294 step %scan3A_1295  : i32 {
        %mul3A_1331 = arith.constant 1 : i32
        %mul3A_1332 = arith.muli %scan3A_1330, %mul3A_1331 : i32
        %add3A_1333 = arith.constant 0 : i32
        %add3A_1334 = arith.addi %add3A_1333, %mul3A_1332 : i32
        %add3A_1335 = arith.constant 128 : i32
        %add3A_1336 = arith.addi %add3A_1335, %add3A_1334 : i32
        %get3A = arith.index_cast %add3A_1336 : i32 to index
        %get3A_1337 = arith.constant 0 : index
        %get3A_1338 = tpu.vector_load %arg7[%get3A, %get3A_1337] {strides = array<i32>} : memref<200x128xf32, #tpu.memory_space<vmem>>, vector<1x16xf32>,
        %get3A_1339 = vector.shape_cast %get3A_1338 : vector<1x16xf32> to vector<16xf32>
        %swap3A = arith.index_cast %add3A_1334 : i32 to index
        %swap3A_1340 = arith.constant 0 : index
        %swap3A_1341 = tpu.vector_load %arg12[%swap3A, %swap3A_1340] {strides = array<i32>} : memref<72x128xf32, #tpu.memory_space<vmem>>, vector<1x16xf32>,
        %swap3A_1342 = vector.shape_cast %swap3A_1341 : vector<1x16xf32> to vector<16xf32>
        %swap3A_1343 = vector.shape_cast %get3A_1339 : vector<16xf32> to vector<1x16xf32>
        tpu.vector_store %arg12[%swap3A, %swap3A_1340], %swap3A_1343 {add = true, strides = array<i32>} : memref<72x128xf32, #tpu.memory_space<vmem>>, vector<1x16xf32>,
        %add3A_1344 = arith.constant 128 : i32
        %add3A_1345 = arith.addi %add3A_1344, %add3A_1334 : i32
        %get3A_1346 = arith.index_cast %add3A_1345 : i32 to index
        %get3A_1347 = arith.constant 16 : index
        %get3A_1348 = tpu.vector_load %arg7[%get3A_1346, %get3A_1347] {strides = array<i32>} : memref<200x128xf32, #tpu.memory_space<vmem>>, vector<1x16xf32>,
        %get3A_1349 = vector.shape_cast %get3A_1348 : vector<1x16xf32> to vector<16xf32>
        %swap3A_1350 = arith.index_cast %add3A_1334 : i32 to index
        %swap3A_1351 = arith.constant 16 : index
        %swap3A_1352 = tpu.vector_load %arg12[%swap3A_1350, %swap3A_1351] {strides = array<i32>} : memref<72x128xf32, #tpu.memory_space<vmem>>, vector<1x16xf32>,
        %swap3A_1353 = vector.shape_cast %swap3A_1352 : vector<1x16xf32> to vector<16xf32>
        %swap3A_1354 = vector.shape_cast %get3A_1349 : vector<16xf32> to vector<1x16xf32>
        tpu.vector_store %arg12[%swap3A_1350, %swap3A_1351], %swap3A_1354 {add = true, strides = array<i32>} : memref<72x128xf32, #tpu.memory_space<vmem>>, vector<1x16xf32>,
        %add3A_1355 = arith.constant 128 : i32
        %add3A_1356 = arith.addi %add3A_1355, %add3A_1334 : i32
        %get3A_1357 = arith.index_cast %add3A_1356 : i32 to index
        %get3A_1358 = arith.constant 32 : index
        %get3A_1359 = tpu.vector_load %arg7[%get3A_1357, %get3A_1358] {strides = array<i32>} : memref<200x128xf32, #tpu.memory_space<vmem>>, vector<1x16xf32>,
        %get3A_1360 = vector.shape_cast %get3A_1359 : vector<1x16xf32> to vector<16xf32>
        %swap3A_1361 = arith.index_cast %add3A_1334 : i32 to index
        %swap3A_1362 = arith.constant 32 : index
        %swap3A_1363 = tpu.vector_load %arg12[%swap3A_1361, %swap3A_1362] {strides = array<i32>} : memref<72x128xf32, #tpu.memory_space<vmem>>, vector<1x16xf32>,
        %swap3A_1364 = vector.shape_cast %swap3A_1363 : vector<1x16xf32> to vector<16xf32>
        %swap3A_1365 = vector.shape_cast %get3A_1360 : vector<16xf32> to vector<1x16xf32>
        tpu.vector_store %arg12[%swap3A_1361, %swap3A_1362], %swap3A_1365 {add = true, strides = array<i32>} : memref<72x128xf32, #tpu.memory_space<vmem>>, vector<1x16xf32>,
        %add3A_1366 = arith.constant 128 : i32
        %add3A_1367 = arith.addi %add3A_1366, %add3A_1334 : i32
        %get3A_1368 = arith.index_cast %add3A_1367 : i32 to index
        %get3A_1369 = arith.constant 48 : index
        %get3A_1370 = tpu.vector_load %arg7[%get3A_1368, %get3A_1369] {strides = array<i32>} : memref<200x128xf32, #tpu.memory_space<vmem>>, vector<1x16xf32>,
        %get3A_1371 = vector.shape_cast %get3A_1370 : vector<1x16xf32> to vector<16xf32>
        %swap3A_1372 = arith.index_cast %add3A_1334 : i32 to index
        %swap3A_1373 = arith.constant 48 : index
        %swap3A_1374 = tpu.vector_load %arg12[%swap3A_1372, %swap3A_1373] {strides = array<i32>} : memref<72x128xf32, #tpu.memory_space<vmem>>, vector<1x16xf32>,
        %swap3A_1375 = vector.shape_cast %swap3A_1374 : vector<1x16xf32> to vector<16xf32>
        %swap3A_1376 = vector.shape_cast %get3A_1371 : vector<16xf32> to vector<1x16xf32>
        tpu.vector_store %arg12[%swap3A_1372, %swap3A_1373], %swap3A_1376 {add = true, strides = array<i32>} : memref<72x128xf32, #tpu.memory_space<vmem>>, vector<1x16xf32>,
        %add3A_1377 = arith.constant 128 : i32
        %add3A_1378 = arith.addi %add3A_1377, %add3A_1334 : i32
        %get3A_1379 = arith.index_cast %add3A_1378 : i32 to index
        %get3A_1380 = arith.constant 64 : index
        %get3A_1381 = tpu.vector_load %arg7[%get3A_1379, %get3A_1380] {strides = array<i32>} : memref<200x128xf32, #tpu.memory_space<vmem>>, vector<1x16xf32>,
        %get3A_1382 = vector.shape_cast %get3A_1381 : vector<1x16xf32> to vector<16xf32>
        %swap3A_1383 = arith.index_cast %add3A_1334 : i32 to index
        %swap3A_1384 = arith.constant 64 : index
        %swap3A_1385 = tpu.vector_load %arg12[%swap3A_1383, %swap3A_1384] {strides = array<i32>} : memref<72x128xf32, #tpu.memory_space<vmem>>, vector<1x16xf32>,
        %swap3A_1386 = vector.shape_cast %swap3A_1385 : vector<1x16xf32> to vector<16xf32>
        %swap3A_1387 = vector.shape_cast %get3A_1382 : vector<16xf32> to vector<1x16xf32>
        tpu.vector_store %arg12[%swap3A_1383, %swap3A_1384], %swap3A_1387 {add = true, strides = array<i32>} : memref<72x128xf32, #tpu.memory_space<vmem>>, vector<1x16xf32>,
        %add3A_1388 = arith.constant 128 : i32
        %add3A_1389 = arith.addi %add3A_1388, %add3A_1334 : i32
        %get3A_1390 = arith.index_cast %add3A_1389 : i32 to index
        %get3A_1391 = arith.constant 80 : index
        %get3A_1392 = tpu.vector_load %arg7[%get3A_1390, %get3A_1391] {strides = array<i32>} : memref<200x128xf32, #tpu.memory_space<vmem>>, vector<1x16xf32>,
        %get3A_1393 = vector.shape_cast %get3A_1392 : vector<1x16xf32> to vector<16xf32>
        %swap3A_1394 = arith.index_cast %add3A_1334 : i32 to index
        %swap3A_1395 = arith.constant 80 : index
        %swap3A_1396 = tpu.vector_load %arg12[%swap3A_1394, %swap3A_1395] {strides = array<i32>} : memref<72x128xf32, #tpu.memory_space<vmem>>, vector<1x16xf32>,
        %swap3A_1397 = vector.shape_cast %swap3A_1396 : vector<1x16xf32> to vector<16xf32>
        %swap3A_1398 = vector.shape_cast %get3A_1393 : vector<16xf32> to vector<1x16xf32>
        tpu.vector_store %arg12[%swap3A_1394, %swap3A_1395], %swap3A_1398 {add = true, strides = array<i32>} : memref<72x128xf32, #tpu.memory_space<vmem>>, vector<1x16xf32>,
        %add3A_1399 = arith.constant 128 : i32
        %add3A_1400 = arith.addi %add3A_1399, %add3A_1334 : i32
        %get3A_1401 = arith.index_cast %add3A_1400 : i32 to index
        %get3A_1402 = arith.constant 96 : index
        %get3A_1403 = tpu.vector_load %arg7[%get3A_1401, %get3A_1402] {strides = array<i32>} : memref<200x128xf32, #tpu.memory_space<vmem>>, vector<1x16xf32>,
        %get3A_1404 = vector.shape_cast %get3A_1403 : vector<1x16xf32> to vector<16xf32>
        %swap3A_1405 = arith.index_cast %add3A_1334 : i32 to index
        %swap3A_1406 = arith.constant 96 : index
        %swap3A_1407 = tpu.vector_load %arg12[%swap3A_1405, %swap3A_1406] {strides = array<i32>} : memref<72x128xf32, #tpu.memory_space<vmem>>, vector<1x16xf32>,
        %swap3A_1408 = vector.shape_cast %swap3A_1407 : vector<1x16xf32> to vector<16xf32>
        %swap3A_1409 = vector.shape_cast %get3A_1404 : vector<16xf32> to vector<1x16xf32>
        tpu.vector_store %arg12[%swap3A_1405, %swap3A_1406], %swap3A_1409 {add = true, strides = array<i32>} : memref<72x128xf32, #tpu.memory_space<vmem>>, vector<1x16xf32>,
        %add3A_1410 = arith.constant 128 : i32
        %add3A_1411 = arith.addi %add3A_1410, %add3A_1334 : i32
        %get3A_1412 = arith.index_cast %add3A_1411 : i32 to index
        %get3A_1413 = arith.constant 112 : index
        %get3A_1414 = tpu.vector_load %arg7[%get3A_1412, %get3A_1413] {strides = array<i32>} : memref<200x128xf32, #tpu.memory_space<vmem>>, vector<1x16xf32>,
        %get3A_1415 = vector.shape_cast %get3A_1414 : vector<1x16xf32> to vector<16xf32>
        %swap3A_1416 = arith.index_cast %add3A_1334 : i32 to index
        %swap3A_1417 = arith.constant 112 : index
        %swap3A_1418 = tpu.vector_load %arg12[%swap3A_1416, %swap3A_1417] {strides = array<i32>} : memref<72x128xf32, #tpu.memory_space<vmem>>, vector<1x16xf32>,
        %swap3A_1419 = vector.shape_cast %swap3A_1418 : vector<1x16xf32> to vector<16xf32>
        %swap3A_1420 = vector.shape_cast %get3A_1415 : vector<16xf32> to vector<1x16xf32>
        tpu.vector_store %arg12[%swap3A_1416, %swap3A_1417], %swap3A_1420 {add = true, strides = array<i32>} : memref<72x128xf32, #tpu.memory_space<vmem>>, vector<1x16xf32>,
      }
      %scan3A_1296 = arith.constant 72 : i32
      %jit3A_1297 = arith.constant 2 : i32
      %div3A_1298 = arith.divsi %add3A_1184, %jit3A_1297 : i32
      %sign3A_1299 = arith.constant 0 : i32
      %sign3A_1300 = arith.cmpi sgt, %add3A_1184, %sign3A_1299 : i32
      %sign3A_1301 = arith.extui %sign3A_1300 : i1 to i32
      %sign3A_1302 = arith.constant 0 : i32
      %sign3A_1303 = arith.cmpi slt, %add3A_1184, %sign3A_1302 : i32
      %sign3A_1304 = arith.extui %sign3A_1303 : i1 to i32
      %sign3A_1305 = arith.subi %sign3A_1301, %sign3A_1304 : i32
      %sign3A_1306 = arith.constant 0 : i32
      %sign3A_1307 = arith.cmpi sgt, %jit3A_1297, %sign3A_1306 : i32
      %sign3A_1308 = arith.extui %sign3A_1307 : i1 to i32
      %sign3A_1309 = arith.constant 0 : i32
      %sign3A_1310 = arith.cmpi slt, %jit3A_1297, %sign3A_1309 : i32
      %sign3A_1311 = arith.extui %sign3A_1310 : i1 to i32
      %sign3A_1312 = arith.subi %sign3A_1308, %sign3A_1311 : i32
      %ne3A_1313 = arith.cmpi ne, %sign3A_1305, %sign3A_1312 : i32
      %rem3A_1314 = arith.remsi %add3A_1184, %jit3A_1297 : i32
      %ne3A_1315 = arith.constant 0 : i32
      %ne3A_1316 = arith.cmpi ne, %rem3A_1314, %ne3A_1315 : i32
      %and3A_1317 = arith.andi %ne3A_1313, %ne3A_1316 : i1
      %sub3A_1318 = arith.constant 1 : i32
      %sub3A_1319 = arith.subi %div3A_1298, %sub3A_1318 : i32
      %select_n3A_1320 = arith.select %and3A_1317, %sub3A_1319, %div3A_1298 : i32
      %add3A_1321 = arith.addi %mul3A_2, %select_n3A_1320 : i32
      %mul3A_1322 = arith.constant 200 : i32
      %mul3A_1323 = arith.muli %add3A_1321, %mul3A_1322 : i32
      %add3A_1324 = arith.constant 128 : i32
      %add3A_1325 = arith.addi %mul3A_1323, %add3A_1324 : i32
      %dma_start3A_1326 = arith.constant 0 : i32
      %dma_start3A_1327 = tpu.memref_slice %arg5[%add3A_1325, %dma_start3A_1326] : memref<204800x128xf32, #tpu.memory_space<hbm>> -> memref<72x128xf32, #tpu.memory_space<hbm>>
      %dma_start3A_1328 = arith.constant 0 : i32
      %dma_start3A_1329 = tpu.memref_slice %arg5[%add3A_1325, %dma_start3A_1328] : memref<204800x128xf32, #tpu.memory_space<hbm>> -> memref<72x128xf32, #tpu.memory_space<hbm>>
      tpu.enqueue_dma source(%arg12 : memref<72x128xf32, #tpu.memory_space<vmem>>) target(%dma_start3A_1329 : memref<72x128xf32, #tpu.memory_space<hbm>>) target_semaphore(%arg24 : memref<!tpu.dma_semaphore, #tpu.memory_space<semaphore_mem>>)
    }
    %scan3A_180 = arith.constant 9 : i32
    %add3A_181 = arith.constant 27 : i32
    %add3A_182 = arith.addi %mul3A_2, %add3A_181 : i32
    %mul3A_183 = arith.constant 200 : i32
    %mul3A_184 = arith.muli %add3A_182, %mul3A_183 : i32
    %dma_wait3A_185 = arith.constant 0 : i32
    %dma_wait3A_186 = tpu.memref_slice %arg5[%mul3A_184, %dma_wait3A_185] : memref<204800x128xf32, #tpu.memory_space<hbm>> -> memref<128x128xf32, #tpu.memory_space<hbm>>
    %dma_wait3A_187 = arith.constant 0 : i32
    %dma_wait3A_188 = tpu.memref_slice %arg5[%mul3A_184, %dma_wait3A_187] : memref<204800x128xf32, #tpu.memory_space<hbm>> -> memref<128x128xf32, #tpu.memory_space<hbm>>
    tpu.wait_dma2 semaphore(%arg20 : memref<!tpu.dma_semaphore, #tpu.memory_space<semaphore_mem>>) src(%arg8 : memref<128x128xf32, #tpu.memory_space<vmem>>) dst(%dma_wait3A_188 : memref<128x128xf32, #tpu.memory_space<hbm>>)
    %add3A_189 = arith.constant 30 : i32
    %add3A_190 = arith.addi %mul3A_2, %add3A_189 : i32
    %mul3A_191 = arith.constant 200 : i32
    %mul3A_192 = arith.muli %add3A_190, %mul3A_191 : i32
    %dma_start3A_193 = arith.constant 30 : i32
    %dma_start3A_194 = arith.constant 0 : i32
    %dma_start3A_195 = tpu.memref_slice %arg6[%dma_start3A_193, %dma_start3A_194] : memref<32x200xi32, #tpu.memory_space<vmem>> -> memref<1x128xi32, #tpu.memory_space<vmem>>
    %dma_start3A_196 = tpu.memref_squeeze %dma_start3A_195 : memref<1x128xi32, #tpu.memory_space<vmem>> -> memref<128xi32, #tpu.memory_space<vmem>>
    %dma_start3A_197 = arith.constant 0 : i32
    %dma_start3A_198 = arith.constant 0 : i32
    %dma_start3A_199 = tpu.memref_slice %arg2[%dma_start3A_197, %dma_start3A_198] : memref<100000x128xf32, #tpu.memory_space<hbm>> -> memref<100000x128xf32, #tpu.memory_space<hbm>>
    tpu.enqueue_indirect_dma source(%dma_start3A_199 : memref<100000x128xf32, #tpu.memory_space<hbm>>) target(%arg8 : memref<128x128xf32, #tpu.memory_space<vmem>>) offsets(%dma_start3A_196 : memref<128xi32, #tpu.memory_space<vmem>>) semaphore(%arg14 : memref<!tpu.dma_semaphore, #tpu.memory_space<semaphore_mem>>)
    %add3A_200 = arith.constant 29 : i32
    %add3A_201 = arith.addi %mul3A_2, %add3A_200 : i32
    %mul3A_202 = arith.constant 200 : i32
    %mul3A_203 = arith.muli %add3A_201, %mul3A_202 : i32
    %dma_wait3A_204 = arith.constant 29 : i32
    %dma_wait3A_205 = arith.constant 0 : i32
    %dma_wait3A_206 = tpu.memref_slice %arg6[%dma_wait3A_204, %dma_wait3A_205] : memref<32x200xi32, #tpu.memory_space<vmem>> -> memref<1x128xi32, #tpu.memory_space<vmem>>
    %dma_wait3A_207 = tpu.memref_squeeze %dma_wait3A_206 : memref<1x128xi32, #tpu.memory_space<vmem>> -> memref<128xi32, #tpu.memory_space<vmem>>
    %dma_wait3A_208 = arith.constant 0 : i32
    %dma_wait3A_209 = arith.constant 0 : i32
    %dma_wait3A_210 = tpu.memref_slice %arg2[%dma_wait3A_208, %dma_wait3A_209] : memref<100000x128xf32, #tpu.memory_space<hbm>> -> memref<100000x128xf32, #tpu.memory_space<hbm>>
    tpu.wait_indirect_dma semaphore(%arg16 : memref<!tpu.dma_semaphore, #tpu.memory_space<semaphore_mem>>) src(%dma_wait3A_210 : memref<100000x128xf32, #tpu.memory_space<hbm>>) dst(%arg10 : memref<128x128xf32, #tpu.memory_space<vmem>>)
    %scan3A_211 = arith.constant 0 : i32
    %scan3A_212 = arith.constant 128 : i32
    %scan3A_213 = arith.addi %scan3A_211, %scan3A_212 : i32
    %scan3A_214 = arith.constant 1 : i32
    scf.for %scan3A_475 = %scan3A_211 to %scan3A_213 step %scan3A_214  : i32 {
      %mul3A_476 = arith.constant 1 : i32
      %mul3A_477 = arith.muli %scan3A_475, %mul3A_476 : i32
      %add3A_478 = arith.constant 0 : i32
      %add3A_479 = arith.addi %add3A_478, %mul3A_477 : i32
      %add3A_480 = arith.constant 0 : i32
      %add3A_481 = arith.addi %add3A_480, %add3A_479 : i32
      %get3A = arith.index_cast %add3A_481 : i32 to index
      %get3A_482 = arith.constant 0 : index
      %get3A_483 = tpu.vector_load %arg7[%get3A, %get3A_482] {strides = array<i32>} : memref<200x128xf32, #tpu.memory_space<vmem>>, vector<1x16xf32>,
      %get3A_484 = vector.shape_cast %get3A_483 : vector<1x16xf32> to vector<16xf32>
      %swap3A = arith.index_cast %add3A_479 : i32 to index
      %swap3A_485 = arith.constant 0 : index
      %swap3A_486 = tpu.vector_load %arg10[%swap3A, %swap3A_485] {strides = array<i32>} : memref<128x128xf32, #tpu.memory_space<vmem>>, vector<1x16xf32>,
      %swap3A_487 = vector.shape_cast %swap3A_486 : vector<1x16xf32> to vector<16xf32>
      %swap3A_488 = vector.shape_cast %get3A_484 : vector<16xf32> to vector<1x16xf32>
      tpu.vector_store %arg10[%swap3A, %swap3A_485], %swap3A_488 {add = true, strides = array<i32>} : memref<128x128xf32, #tpu.memory_space<vmem>>, vector<1x16xf32>,
      %add3A_489 = arith.constant 0 : i32
      %add3A_490 = arith.addi %add3A_489, %add3A_479 : i32
      %get3A_491 = arith.index_cast %add3A_490 : i32 to index
      %get3A_492 = arith.constant 16 : index
      %get3A_493 = tpu.vector_load %arg7[%get3A_491, %get3A_492] {strides = array<i32>} : memref<200x128xf32, #tpu.memory_space<vmem>>, vector<1x16xf32>,
      %get3A_494 = vector.shape_cast %get3A_493 : vector<1x16xf32> to vector<16xf32>
      %swap3A_495 = arith.index_cast %add3A_479 : i32 to index
      %swap3A_496 = arith.constant 16 : index
      %swap3A_497 = tpu.vector_load %arg10[%swap3A_495, %swap3A_496] {strides = array<i32>} : memref<128x128xf32, #tpu.memory_space<vmem>>, vector<1x16xf32>,
      %swap3A_498 = vector.shape_cast %swap3A_497 : vector<1x16xf32> to vector<16xf32>
      %swap3A_499 = vector.shape_cast %get3A_494 : vector<16xf32> to vector<1x16xf32>
      tpu.vector_store %arg10[%swap3A_495, %swap3A_496], %swap3A_499 {add = true, strides = array<i32>} : memref<128x128xf32, #tpu.memory_space<vmem>>, vector<1x16xf32>,
      %add3A_500 = arith.constant 0 : i32
      %add3A_501 = arith.addi %add3A_500, %add3A_479 : i32
      %get3A_502 = arith.index_cast %add3A_501 : i32 to index
      %get3A_503 = arith.constant 32 : index
      %get3A_504 = tpu.vector_load %arg7[%get3A_502, %get3A_503] {strides = array<i32>} : memref<200x128xf32, #tpu.memory_space<vmem>>, vector<1x16xf32>,
      %get3A_505 = vector.shape_cast %get3A_504 : vector<1x16xf32> to vector<16xf32>
      %swap3A_506 = arith.index_cast %add3A_479 : i32 to index
      %swap3A_507 = arith.constant 32 : index
      %swap3A_508 = tpu.vector_load %arg10[%swap3A_506, %swap3A_507] {strides = array<i32>} : memref<128x128xf32, #tpu.memory_space<vmem>>, vector<1x16xf32>,
      %swap3A_509 = vector.shape_cast %swap3A_508 : vector<1x16xf32> to vector<16xf32>
      %swap3A_510 = vector.shape_cast %get3A_505 : vector<16xf32> to vector<1x16xf32>
      tpu.vector_store %arg10[%swap3A_506, %swap3A_507], %swap3A_510 {add = true, strides = array<i32>} : memref<128x128xf32, #tpu.memory_space<vmem>>, vector<1x16xf32>,
      %add3A_511 = arith.constant 0 : i32
      %add3A_512 = arith.addi %add3A_511, %add3A_479 : i32
      %get3A_513 = arith.index_cast %add3A_512 : i32 to index
      %get3A_514 = arith.constant 48 : index
      %get3A_515 = tpu.vector_load %arg7[%get3A_513, %get3A_514] {strides = array<i32>} : memref<200x128xf32, #tpu.memory_space<vmem>>, vector<1x16xf32>,
      %get3A_516 = vector.shape_cast %get3A_515 : vector<1x16xf32> to vector<16xf32>
      %swap3A_517 = arith.index_cast %add3A_479 : i32 to index
      %swap3A_518 = arith.constant 48 : index
      %swap3A_519 = tpu.vector_load %arg10[%swap3A_517, %swap3A_518] {strides = array<i32>} : memref<128x128xf32, #tpu.memory_space<vmem>>, vector<1x16xf32>,
      %swap3A_520 = vector.shape_cast %swap3A_519 : vector<1x16xf32> to vector<16xf32>
      %swap3A_521 = vector.shape_cast %get3A_516 : vector<16xf32> to vector<1x16xf32>
      tpu.vector_store %arg10[%swap3A_517, %swap3A_518], %swap3A_521 {add = true, strides = array<i32>} : memref<128x128xf32, #tpu.memory_space<vmem>>, vector<1x16xf32>,
      %add3A_522 = arith.constant 0 : i32
      %add3A_523 = arith.addi %add3A_522, %add3A_479 : i32
      %get3A_524 = arith.index_cast %add3A_523 : i32 to index
      %get3A_525 = arith.constant 64 : index
      %get3A_526 = tpu.vector_load %arg7[%get3A_524, %get3A_525] {strides = array<i32>} : memref<200x128xf32, #tpu.memory_space<vmem>>, vector<1x16xf32>,
      %get3A_527 = vector.shape_cast %get3A_526 : vector<1x16xf32> to vector<16xf32>
      %swap3A_528 = arith.index_cast %add3A_479 : i32 to index
      %swap3A_529 = arith.constant 64 : index
      %swap3A_530 = tpu.vector_load %arg10[%swap3A_528, %swap3A_529] {strides = array<i32>} : memref<128x128xf32, #tpu.memory_space<vmem>>, vector<1x16xf32>,
      %swap3A_531 = vector.shape_cast %swap3A_530 : vector<1x16xf32> to vector<16xf32>
      %swap3A_532 = vector.shape_cast %get3A_527 : vector<16xf32> to vector<1x16xf32>
      tpu.vector_store %arg10[%swap3A_528, %swap3A_529], %swap3A_532 {add = true, strides = array<i32>} : memref<128x128xf32, #tpu.memory_space<vmem>>, vector<1x16xf32>,
      %add3A_533 = arith.constant 0 : i32
      %add3A_534 = arith.addi %add3A_533, %add3A_479 : i32
      %get3A_535 = arith.index_cast %add3A_534 : i32 to index
      %get3A_536 = arith.constant 80 : index
      %get3A_537 = tpu.vector_load %arg7[%get3A_535, %get3A_536] {strides = array<i32>} : memref<200x128xf32, #tpu.memory_space<vmem>>, vector<1x16xf32>,
      %get3A_538 = vector.shape_cast %get3A_537 : vector<1x16xf32> to vector<16xf32>
      %swap3A_539 = arith.index_cast %add3A_479 : i32 to index
      %swap3A_540 = arith.constant 80 : index
      %swap3A_541 = tpu.vector_load %arg10[%swap3A_539, %swap3A_540] {strides = array<i32>} : memref<128x128xf32, #tpu.memory_space<vmem>>, vector<1x16xf32>,
      %swap3A_542 = vector.shape_cast %swap3A_541 : vector<1x16xf32> to vector<16xf32>
      %swap3A_543 = vector.shape_cast %get3A_538 : vector<16xf32> to vector<1x16xf32>
      tpu.vector_store %arg10[%swap3A_539, %swap3A_540], %swap3A_543 {add = true, strides = array<i32>} : memref<128x128xf32, #tpu.memory_space<vmem>>, vector<1x16xf32>,
      %add3A_544 = arith.constant 0 : i32
      %add3A_545 = arith.addi %add3A_544, %add3A_479 : i32
      %get3A_546 = arith.index_cast %add3A_545 : i32 to index
      %get3A_547 = arith.constant 96 : index
      %get3A_548 = tpu.vector_load %arg7[%get3A_546, %get3A_547] {strides = array<i32>} : memref<200x128xf32, #tpu.memory_space<vmem>>, vector<1x16xf32>,
      %get3A_549 = vector.shape_cast %get3A_548 : vector<1x16xf32> to vector<16xf32>
      %swap3A_550 = arith.index_cast %add3A_479 : i32 to index
      %swap3A_551 = arith.constant 96 : index
      %swap3A_552 = tpu.vector_load %arg10[%swap3A_550, %swap3A_551] {strides = array<i32>} : memref<128x128xf32, #tpu.memory_space<vmem>>, vector<1x16xf32>,
      %swap3A_553 = vector.shape_cast %swap3A_552 : vector<1x16xf32> to vector<16xf32>
      %swap3A_554 = vector.shape_cast %get3A_549 : vector<16xf32> to vector<1x16xf32>
      tpu.vector_store %arg10[%swap3A_550, %swap3A_551], %swap3A_554 {add = true, strides = array<i32>} : memref<128x128xf32, #tpu.memory_space<vmem>>, vector<1x16xf32>,
      %add3A_555 = arith.constant 0 : i32
      %add3A_556 = arith.addi %add3A_555, %add3A_479 : i32
      %get3A_557 = arith.index_cast %add3A_556 : i32 to index
      %get3A_558 = arith.constant 112 : index
      %get3A_559 = tpu.vector_load %arg7[%get3A_557, %get3A_558] {strides = array<i32>} : memref<200x128xf32, #tpu.memory_space<vmem>>, vector<1x16xf32>,
      %get3A_560 = vector.shape_cast %get3A_559 : vector<1x16xf32> to vector<16xf32>
      %swap3A_561 = arith.index_cast %add3A_479 : i32 to index
      %swap3A_562 = arith.constant 112 : index
      %swap3A_563 = tpu.vector_load %arg10[%swap3A_561, %swap3A_562] {strides = array<i32>} : memref<128x128xf32, #tpu.memory_space<vmem>>, vector<1x16xf32>,
      %swap3A_564 = vector.shape_cast %swap3A_563 : vector<1x16xf32> to vector<16xf32>
      %swap3A_565 = vector.shape_cast %get3A_560 : vector<16xf32> to vector<1x16xf32>
      tpu.vector_store %arg10[%swap3A_561, %swap3A_562], %swap3A_565 {add = true, strides = array<i32>} : memref<128x128xf32, #tpu.memory_space<vmem>>, vector<1x16xf32>,
    }
    %scan3A_215 = arith.constant 128 : i32
    %add3A_216 = arith.constant 29 : i32
    %add3A_217 = arith.addi %mul3A_2, %add3A_216 : i32
    %mul3A_218 = arith.constant 200 : i32
    %mul3A_219 = arith.muli %add3A_217, %mul3A_218 : i32
    %dma_start3A_220 = arith.constant 0 : i32
    %dma_start3A_221 = tpu.memref_slice %arg5[%mul3A_219, %dma_start3A_220] : memref<204800x128xf32, #tpu.memory_space<hbm>> -> memref<128x128xf32, #tpu.memory_space<hbm>>
    %dma_start3A_222 = arith.constant 0 : i32
    %dma_start3A_223 = tpu.memref_slice %arg5[%mul3A_219, %dma_start3A_222] : memref<204800x128xf32, #tpu.memory_space<hbm>> -> memref<128x128xf32, #tpu.memory_space<hbm>>
    tpu.enqueue_dma source(%arg10 : memref<128x128xf32, #tpu.memory_space<vmem>>) target(%dma_start3A_223 : memref<128x128xf32, #tpu.memory_space<hbm>>) target_semaphore(%arg22 : memref<!tpu.dma_semaphore, #tpu.memory_space<semaphore_mem>>)
    %add3A_224 = arith.constant 27 : i32
    %add3A_225 = arith.addi %mul3A_2, %add3A_224 : i32
    %mul3A_226 = arith.constant 200 : i32
    %mul3A_227 = arith.muli %add3A_225, %mul3A_226 : i32
    %add3A_228 = arith.constant 128 : i32
    %add3A_229 = arith.addi %mul3A_227, %add3A_228 : i32
    %dma_wait3A_230 = arith.constant 0 : i32
    %dma_wait3A_231 = tpu.memref_slice %arg5[%add3A_229, %dma_wait3A_230] : memref<204800x128xf32, #tpu.memory_space<hbm>> -> memref<72x128xf32, #tpu.memory_space<hbm>>
    %dma_wait3A_232 = arith.constant 0 : i32
    %dma_wait3A_233 = tpu.memref_slice %arg5[%add3A_229, %dma_wait3A_232] : memref<204800x128xf32, #tpu.memory_space<hbm>> -> memref<72x128xf32, #tpu.memory_space<hbm>>
    tpu.wait_dma2 semaphore(%arg23 : memref<!tpu.dma_semaphore, #tpu.memory_space<semaphore_mem>>) src(%arg11 : memref<72x128xf32, #tpu.memory_space<vmem>>) dst(%dma_wait3A_233 : memref<72x128xf32, #tpu.memory_space<hbm>>)
    %add3A_234 = arith.constant 30 : i32
    %add3A_235 = arith.addi %mul3A_2, %add3A_234 : i32
    %mul3A_236 = arith.constant 200 : i32
    %mul3A_237 = arith.muli %add3A_235, %mul3A_236 : i32
    %add3A_238 = arith.constant 128 : i32
    %add3A_239 = arith.addi %mul3A_237, %add3A_238 : i32
    %dma_start3A_240 = arith.constant 30 : i32
    %dma_start3A_241 = arith.constant 128 : i32
    %dma_start3A_242 = tpu.memref_slice %arg6[%dma_start3A_240, %dma_start3A_241] : memref<32x200xi32, #tpu.memory_space<vmem>> -> memref<1x72xi32, #tpu.memory_space<vmem>>
    %dma_start3A_243 = tpu.memref_squeeze %dma_start3A_242 : memref<1x72xi32, #tpu.memory_space<vmem>> -> memref<72xi32, #tpu.memory_space<vmem>>
    %dma_start3A_244 = arith.constant 0 : i32
    %dma_start3A_245 = arith.constant 0 : i32
    %dma_start3A_246 = tpu.memref_slice %arg2[%dma_start3A_244, %dma_start3A_245] : memref<100000x128xf32, #tpu.memory_space<hbm>> -> memref<100000x128xf32, #tpu.memory_space<hbm>>
    tpu.enqueue_indirect_dma source(%dma_start3A_246 : memref<100000x128xf32, #tpu.memory_space<hbm>>) target(%arg11 : memref<72x128xf32, #tpu.memory_space<vmem>>) offsets(%dma_start3A_243 : memref<72xi32, #tpu.memory_space<vmem>>) semaphore(%arg17 : memref<!tpu.dma_semaphore, #tpu.memory_space<semaphore_mem>>)
    %add3A_247 = arith.constant 29 : i32
    %add3A_248 = arith.addi %mul3A_2, %add3A_247 : i32
    %mul3A_249 = arith.constant 200 : i32
    %mul3A_250 = arith.muli %add3A_248, %mul3A_249 : i32
    %add3A_251 = arith.constant 128 : i32
    %add3A_252 = arith.addi %mul3A_250, %add3A_251 : i32
    %dma_wait3A_253 = arith.constant 29 : i32
    %dma_wait3A_254 = arith.constant 128 : i32
    %dma_wait3A_255 = tpu.memref_slice %arg6[%dma_wait3A_253, %dma_wait3A_254] : memref<32x200xi32, #tpu.memory_space<vmem>> -> memref<1x72xi32, #tpu.memory_space<vmem>>
    %dma_wait3A_256 = tpu.memref_squeeze %dma_wait3A_255 : memref<1x72xi32, #tpu.memory_space<vmem>> -> memref<72xi32, #tpu.memory_space<vmem>>
    %dma_wait3A_257 = arith.constant 0 : i32
    %dma_wait3A_258 = arith.constant 0 : i32
    %dma_wait3A_259 = tpu.memref_slice %arg2[%dma_wait3A_257, %dma_wait3A_258] : memref<100000x128xf32, #tpu.memory_space<hbm>> -> memref<100000x128xf32, #tpu.memory_space<hbm>>
    tpu.wait_indirect_dma semaphore(%arg19 : memref<!tpu.dma_semaphore, #tpu.memory_space<semaphore_mem>>) src(%dma_wait3A_259 : memref<100000x128xf32, #tpu.memory_space<hbm>>) dst(%arg13 : memref<72x128xf32, #tpu.memory_space<vmem>>)
    %scan3A_260 = arith.constant 0 : i32
    %scan3A_261 = arith.constant 72 : i32
    %scan3A_262 = arith.addi %scan3A_260, %scan3A_261 : i32
    %scan3A_263 = arith.constant 1 : i32
    scf.for %scan3A_475 = %scan3A_260 to %scan3A_262 step %scan3A_263  : i32 {
      %mul3A_476 = arith.constant 1 : i32
      %mul3A_477 = arith.muli %scan3A_475, %mul3A_476 : i32
      %add3A_478 = arith.constant 0 : i32
      %add3A_479 = arith.addi %add3A_478, %mul3A_477 : i32
      %add3A_480 = arith.constant 128 : i32
      %add3A_481 = arith.addi %add3A_480, %add3A_479 : i32
      %get3A = arith.index_cast %add3A_481 : i32 to index
      %get3A_482 = arith.constant 0 : index
      %get3A_483 = tpu.vector_load %arg7[%get3A, %get3A_482] {strides = array<i32>} : memref<200x128xf32, #tpu.memory_space<vmem>>, vector<1x16xf32>,
      %get3A_484 = vector.shape_cast %get3A_483 : vector<1x16xf32> to vector<16xf32>
      %swap3A = arith.index_cast %add3A_479 : i32 to index
      %swap3A_485 = arith.constant 0 : index
      %swap3A_486 = tpu.vector_load %arg13[%swap3A, %swap3A_485] {strides = array<i32>} : memref<72x128xf32, #tpu.memory_space<vmem>>, vector<1x16xf32>,
      %swap3A_487 = vector.shape_cast %swap3A_486 : vector<1x16xf32> to vector<16xf32>
      %swap3A_488 = vector.shape_cast %get3A_484 : vector<16xf32> to vector<1x16xf32>
      tpu.vector_store %arg13[%swap3A, %swap3A_485], %swap3A_488 {add = true, strides = array<i32>} : memref<72x128xf32, #tpu.memory_space<vmem>>, vector<1x16xf32>,
      %add3A_489 = arith.constant 128 : i32
      %add3A_490 = arith.addi %add3A_489, %add3A_479 : i32
      %get3A_491 = arith.index_cast %add3A_490 : i32 to index
      %get3A_492 = arith.constant 16 : index
      %get3A_493 = tpu.vector_load %arg7[%get3A_491, %get3A_492] {strides = array<i32>} : memref<200x128xf32, #tpu.memory_space<vmem>>, vector<1x16xf32>,
      %get3A_494 = vector.shape_cast %get3A_493 : vector<1x16xf32> to vector<16xf32>
      %swap3A_495 = arith.index_cast %add3A_479 : i32 to index
      %swap3A_496 = arith.constant 16 : index
      %swap3A_497 = tpu.vector_load %arg13[%swap3A_495, %swap3A_496] {strides = array<i32>} : memref<72x128xf32, #tpu.memory_space<vmem>>, vector<1x16xf32>,
      %swap3A_498 = vector.shape_cast %swap3A_497 : vector<1x16xf32> to vector<16xf32>
      %swap3A_499 = vector.shape_cast %get3A_494 : vector<16xf32> to vector<1x16xf32>
      tpu.vector_store %arg13[%swap3A_495, %swap3A_496], %swap3A_499 {add = true, strides = array<i32>} : memref<72x128xf32, #tpu.memory_space<vmem>>, vector<1x16xf32>,
      %add3A_500 = arith.constant 128 : i32
      %add3A_501 = arith.addi %add3A_500, %add3A_479 : i32
      %get3A_502 = arith.index_cast %add3A_501 : i32 to index
      %get3A_503 = arith.constant 32 : index
      %get3A_504 = tpu.vector_load %arg7[%get3A_502, %get3A_503] {strides = array<i32>} : memref<200x128xf32, #tpu.memory_space<vmem>>, vector<1x16xf32>,
      %get3A_505 = vector.shape_cast %get3A_504 : vector<1x16xf32> to vector<16xf32>
      %swap3A_506 = arith.index_cast %add3A_479 : i32 to index
      %swap3A_507 = arith.constant 32 : index
      %swap3A_508 = tpu.vector_load %arg13[%swap3A_506, %swap3A_507] {strides = array<i32>} : memref<72x128xf32, #tpu.memory_space<vmem>>, vector<1x16xf32>,
      %swap3A_509 = vector.shape_cast %swap3A_508 : vector<1x16xf32> to vector<16xf32>
      %swap3A_510 = vector.shape_cast %get3A_505 : vector<16xf32> to vector<1x16xf32>
      tpu.vector_store %arg13[%swap3A_506, %swap3A_507], %swap3A_510 {add = true, strides = array<i32>} : memref<72x128xf32, #tpu.memory_space<vmem>>, vector<1x16xf32>,
      %add3A_511 = arith.constant 128 : i32
      %add3A_512 = arith.addi %add3A_511, %add3A_479 : i32
      %get3A_513 = arith.index_cast %add3A_512 : i32 to index
      %get3A_514 = arith.constant 48 : index
      %get3A_515 = tpu.vector_load %arg7[%get3A_513, %get3A_514] {strides = array<i32>} : memref<200x128xf32, #tpu.memory_space<vmem>>, vector<1x16xf32>,
      %get3A_516 = vector.shape_cast %get3A_515 : vector<1x16xf32> to vector<16xf32>
      %swap3A_517 = arith.index_cast %add3A_479 : i32 to index
      %swap3A_518 = arith.constant 48 : index
      %swap3A_519 = tpu.vector_load %arg13[%swap3A_517, %swap3A_518] {strides = array<i32>} : memref<72x128xf32, #tpu.memory_space<vmem>>, vector<1x16xf32>,
      %swap3A_520 = vector.shape_cast %swap3A_519 : vector<1x16xf32> to vector<16xf32>
      %swap3A_521 = vector.shape_cast %get3A_516 : vector<16xf32> to vector<1x16xf32>
      tpu.vector_store %arg13[%swap3A_517, %swap3A_518], %swap3A_521 {add = true, strides = array<i32>} : memref<72x128xf32, #tpu.memory_space<vmem>>, vector<1x16xf32>,
      %add3A_522 = arith.constant 128 : i32
      %add3A_523 = arith.addi %add3A_522, %add3A_479 : i32
      %get3A_524 = arith.index_cast %add3A_523 : i32 to index
      %get3A_525 = arith.constant 64 : index
      %get3A_526 = tpu.vector_load %arg7[%get3A_524, %get3A_525] {strides = array<i32>} : memref<200x128xf32, #tpu.memory_space<vmem>>, vector<1x16xf32>,
      %get3A_527 = vector.shape_cast %get3A_526 : vector<1x16xf32> to vector<16xf32>
      %swap3A_528 = arith.index_cast %add3A_479 : i32 to index
      %swap3A_529 = arith.constant 64 : index
      %swap3A_530 = tpu.vector_load %arg13[%swap3A_528, %swap3A_529] {strides = array<i32>} : memref<72x128xf32, #tpu.memory_space<vmem>>, vector<1x16xf32>,
      %swap3A_531 = vector.shape_cast %swap3A_530 : vector<1x16xf32> to vector<16xf32>
      %swap3A_532 = vector.shape_cast %get3A_527 : vector<16xf32> to vector<1x16xf32>
      tpu.vector_store %arg13[%swap3A_528, %swap3A_529], %swap3A_532 {add = true, strides = array<i32>} : memref<72x128xf32, #tpu.memory_space<vmem>>, vector<1x16xf32>,
      %add3A_533 = arith.constant 128 : i32
      %add3A_534 = arith.addi %add3A_533, %add3A_479 : i32
      %get3A_535 = arith.index_cast %add3A_534 : i32 to index
      %get3A_536 = arith.constant 80 : index
      %get3A_537 = tpu.vector_load %arg7[%get3A_535, %get3A_536] {strides = array<i32>} : memref<200x128xf32, #tpu.memory_space<vmem>>, vector<1x16xf32>,
      %get3A_538 = vector.shape_cast %get3A_537 : vector<1x16xf32> to vector<16xf32>
      %swap3A_539 = arith.index_cast %add3A_479 : i32 to index
      %swap3A_540 = arith.constant 80 : index
      %swap3A_541 = tpu.vector_load %arg13[%swap3A_539, %swap3A_540] {strides = array<i32>} : memref<72x128xf32, #tpu.memory_space<vmem>>, vector<1x16xf32>,
      %swap3A_542 = vector.shape_cast %swap3A_541 : vector<1x16xf32> to vector<16xf32>
      %swap3A_543 = vector.shape_cast %get3A_538 : vector<16xf32> to vector<1x16xf32>
      tpu.vector_store %arg13[%swap3A_539, %swap3A_540], %swap3A_543 {add = true, strides = array<i32>} : memref<72x128xf32, #tpu.memory_space<vmem>>, vector<1x16xf32>,
      %add3A_544 = arith.constant 128 : i32
      %add3A_545 = arith.addi %add3A_544, %add3A_479 : i32
      %get3A_546 = arith.index_cast %add3A_545 : i32 to index
      %get3A_547 = arith.constant 96 : index
      %get3A_548 = tpu.vector_load %arg7[%get3A_546, %get3A_547] {strides = array<i32>} : memref<200x128xf32, #tpu.memory_space<vmem>>, vector<1x16xf32>,
      %get3A_549 = vector.shape_cast %get3A_548 : vector<1x16xf32> to vector<16xf32>
      %swap3A_550 = arith.index_cast %add3A_479 : i32 to index
      %swap3A_551 = arith.constant 96 : index
      %swap3A_552 = tpu.vector_load %arg13[%swap3A_550, %swap3A_551] {strides = array<i32>} : memref<72x128xf32, #tpu.memory_space<vmem>>, vector<1x16xf32>,
      %swap3A_553 = vector.shape_cast %swap3A_552 : vector<1x16xf32> to vector<16xf32>
      %swap3A_554 = vector.shape_cast %get3A_549 : vector<16xf32> to vector<1x16xf32>
      tpu.vector_store %arg13[%swap3A_550, %swap3A_551], %swap3A_554 {add = true, strides = array<i32>} : memref<72x128xf32, #tpu.memory_space<vmem>>, vector<1x16xf32>,
      %add3A_555 = arith.constant 128 : i32
      %add3A_556 = arith.addi %add3A_555, %add3A_479 : i32
      %get3A_557 = arith.index_cast %add3A_556 : i32 to index
      %get3A_558 = arith.constant 112 : index
      %get3A_559 = tpu.vector_load %arg7[%get3A_557, %get3A_558] {strides = array<i32>} : memref<200x128xf32, #tpu.memory_space<vmem>>, vector<1x16xf32>,
      %get3A_560 = vector.shape_cast %get3A_559 : vector<1x16xf32> to vector<16xf32>
      %swap3A_561 = arith.index_cast %add3A_479 : i32 to index
      %swap3A_562 = arith.constant 112 : index
      %swap3A_563 = tpu.vector_load %arg13[%swap3A_561, %swap3A_562] {strides = array<i32>} : memref<72x128xf32, #tpu.memory_space<vmem>>, vector<1x16xf32>,
      %swap3A_564 = vector.shape_cast %swap3A_563 : vector<1x16xf32> to vector<16xf32>
      %swap3A_565 = vector.shape_cast %get3A_560 : vector<16xf32> to vector<1x16xf32>
      tpu.vector_store %arg13[%swap3A_561, %swap3A_562], %swap3A_565 {add = true, strides = array<i32>} : memref<72x128xf32, #tpu.memory_space<vmem>>, vector<1x16xf32>,
    }
    %scan3A_264 = arith.constant 72 : i32
    %add3A_265 = arith.constant 29 : i32
    %add3A_266 = arith.addi %mul3A_2, %add3A_265 : i32
    %mul3A_267 = arith.constant 200 : i32
    %mul3A_268 = arith.muli %add3A_266, %mul3A_267 : i32
    %add3A_269 = arith.constant 128 : i32
    %add3A_270 = arith.addi %mul3A_268, %add3A_269 : i32
    %dma_start3A_271 = arith.constant 0 : i32
    %dma_start3A_272 = tpu.memref_slice %arg5[%add3A_270, %dma_start3A_271] : memref<204800x128xf32, #tpu.memory_space<hbm>> -> memref<72x128xf32, #tpu.memory_space<hbm>>
    %dma_start3A_273 = arith.constant 0 : i32
    %dma_start3A_274 = tpu.memref_slice %arg5[%add3A_270, %dma_start3A_273] : memref<204800x128xf32, #tpu.memory_space<hbm>> -> memref<72x128xf32, #tpu.memory_space<hbm>>
    tpu.enqueue_dma source(%arg13 : memref<72x128xf32, #tpu.memory_space<vmem>>) target(%dma_start3A_274 : memref<72x128xf32, #tpu.memory_space<hbm>>) target_semaphore(%arg25 : memref<!tpu.dma_semaphore, #tpu.memory_space<semaphore_mem>>)
    %add3A_275 = arith.constant 28 : i32
    %add3A_276 = arith.addi %mul3A_2, %add3A_275 : i32
    %mul3A_277 = arith.constant 200 : i32
    %mul3A_278 = arith.muli %add3A_276, %mul3A_277 : i32
    %dma_wait3A_279 = arith.constant 0 : i32
    %dma_wait3A_280 = tpu.memref_slice %arg5[%mul3A_278, %dma_wait3A_279] : memref<204800x128xf32, #tpu.memory_space<hbm>> -> memref<128x128xf32, #tpu.memory_space<hbm>>
    %dma_wait3A_281 = arith.constant 0 : i32
    %dma_wait3A_282 = tpu.memref_slice %arg5[%mul3A_278, %dma_wait3A_281] : memref<204800x128xf32, #tpu.memory_space<hbm>> -> memref<128x128xf32, #tpu.memory_space<hbm>>
    tpu.wait_dma2 semaphore(%arg21 : memref<!tpu.dma_semaphore, #tpu.memory_space<semaphore_mem>>) src(%arg9 : memref<128x128xf32, #tpu.memory_space<vmem>>) dst(%dma_wait3A_282 : memref<128x128xf32, #tpu.memory_space<hbm>>)
    %add3A_283 = arith.constant 31 : i32
    %add3A_284 = arith.addi %mul3A_2, %add3A_283 : i32
    %mul3A_285 = arith.constant 200 : i32
    %mul3A_286 = arith.muli %add3A_284, %mul3A_285 : i32
    %dma_start3A_287 = arith.constant 31 : i32
    %dma_start3A_288 = arith.constant 0 : i32
    %dma_start3A_289 = tpu.memref_slice %arg6[%dma_start3A_287, %dma_start3A_288] : memref<32x200xi32, #tpu.memory_space<vmem>> -> memref<1x128xi32, #tpu.memory_space<vmem>>
    %dma_start3A_290 = tpu.memref_squeeze %dma_start3A_289 : memref<1x128xi32, #tpu.memory_space<vmem>> -> memref<128xi32, #tpu.memory_space<vmem>>
    %dma_start3A_291 = arith.constant 0 : i32
    %dma_start3A_292 = arith.constant 0 : i32
    %dma_start3A_293 = tpu.memref_slice %arg2[%dma_start3A_291, %dma_start3A_292] : memref<100000x128xf32, #tpu.memory_space<hbm>> -> memref<100000x128xf32, #tpu.memory_space<hbm>>
    tpu.enqueue_indirect_dma source(%dma_start3A_293 : memref<100000x128xf32, #tpu.memory_space<hbm>>) target(%arg9 : memref<128x128xf32, #tpu.memory_space<vmem>>) offsets(%dma_start3A_290 : memref<128xi32, #tpu.memory_space<vmem>>) semaphore(%arg15 : memref<!tpu.dma_semaphore, #tpu.memory_space<semaphore_mem>>)
    %add3A_294 = arith.constant 30 : i32
    %add3A_295 = arith.addi %mul3A_2, %add3A_294 : i32
    %mul3A_296 = arith.constant 200 : i32
    %mul3A_297 = arith.muli %add3A_295, %mul3A_296 : i32
    %dma_wait3A_298 = arith.constant 30 : i32
    %dma_wait3A_299 = arith.constant 0 : i32
    %dma_wait3A_300 = tpu.memref_slice %arg6[%dma_wait3A_298, %dma_wait3A_299] : memref<32x200xi32, #tpu.memory_space<vmem>> -> memref<1x128xi32, #tpu.memory_space<vmem>>
    %dma_wait3A_301 = tpu.memref_squeeze %dma_wait3A_300 : memref<1x128xi32, #tpu.memory_space<vmem>> -> memref<128xi32, #tpu.memory_space<vmem>>
    %dma_wait3A_302 = arith.constant 0 : i32
    %dma_wait3A_303 = arith.constant 0 : i32
    %dma_wait3A_304 = tpu.memref_slice %arg2[%dma_wait3A_302, %dma_wait3A_303] : memref<100000x128xf32, #tpu.memory_space<hbm>> -> memref<100000x128xf32, #tpu.memory_space<hbm>>
    tpu.wait_indirect_dma semaphore(%arg14 : memref<!tpu.dma_semaphore, #tpu.memory_space<semaphore_mem>>) src(%dma_wait3A_304 : memref<100000x128xf32, #tpu.memory_space<hbm>>) dst(%arg8 : memref<128x128xf32, #tpu.memory_space<vmem>>)
    %scan3A_305 = arith.constant 0 : i32
    %scan3A_306 = arith.constant 128 : i32
    %scan3A_307 = arith.addi %scan3A_305, %scan3A_306 : i32
    %scan3A_308 = arith.constant 1 : i32
    scf.for %scan3A_475 = %scan3A_305 to %scan3A_307 step %scan3A_308  : i32 {
      %mul3A_476 = arith.constant 1 : i32
      %mul3A_477 = arith.muli %scan3A_475, %mul3A_476 : i32
      %add3A_478 = arith.constant 0 : i32
      %add3A_479 = arith.addi %add3A_478, %mul3A_477 : i32
      %add3A_480 = arith.constant 0 : i32
      %add3A_481 = arith.addi %add3A_480, %add3A_479 : i32
      %get3A = arith.index_cast %add3A_481 : i32 to index
      %get3A_482 = arith.constant 0 : index
      %get3A_483 = tpu.vector_load %arg7[%get3A, %get3A_482] {strides = array<i32>} : memref<200x128xf32, #tpu.memory_space<vmem>>, vector<1x16xf32>,
      %get3A_484 = vector.shape_cast %get3A_483 : vector<1x16xf32> to vector<16xf32>
      %swap3A = arith.index_cast %add3A_479 : i32 to index
      %swap3A_485 = arith.constant 0 : index
      %swap3A_486 = tpu.vector_load %arg8[%swap3A, %swap3A_485] {strides = array<i32>} : memref<128x128xf32, #tpu.memory_space<vmem>>, vector<1x16xf32>,
      %swap3A_487 = vector.shape_cast %swap3A_486 : vector<1x16xf32> to vector<16xf32>
      %swap3A_488 = vector.shape_cast %get3A_484 : vector<16xf32> to vector<1x16xf32>
      tpu.vector_store %arg8[%swap3A, %swap3A_485], %swap3A_488 {add = true, strides = array<i32>} : memref<128x128xf32, #tpu.memory_space<vmem>>, vector<1x16xf32>,
      %add3A_489 = arith.constant 0 : i32
      %add3A_490 = arith.addi %add3A_489, %add3A_479 : i32
      %get3A_491 = arith.index_cast %add3A_490 : i32 to index
      %get3A_492 = arith.constant 16 : index
      %get3A_493 = tpu.vector_load %arg7[%get3A_491, %get3A_492] {strides = array<i32>} : memref<200x128xf32, #tpu.memory_space<vmem>>, vector<1x16xf32>,
      %get3A_494 = vector.shape_cast %get3A_493 : vector<1x16xf32> to vector<16xf32>
      %swap3A_495 = arith.index_cast %add3A_479 : i32 to index
      %swap3A_496 = arith.constant 16 : index
      %swap3A_497 = tpu.vector_load %arg8[%swap3A_495, %swap3A_496] {strides = array<i32>} : memref<128x128xf32, #tpu.memory_space<vmem>>, vector<1x16xf32>,
      %swap3A_498 = vector.shape_cast %swap3A_497 : vector<1x16xf32> to vector<16xf32>
      %swap3A_499 = vector.shape_cast %get3A_494 : vector<16xf32> to vector<1x16xf32>
      tpu.vector_store %arg8[%swap3A_495, %swap3A_496], %swap3A_499 {add = true, strides = array<i32>} : memref<128x128xf32, #tpu.memory_space<vmem>>, vector<1x16xf32>,
      %add3A_500 = arith.constant 0 : i32
      %add3A_501 = arith.addi %add3A_500, %add3A_479 : i32
      %get3A_502 = arith.index_cast %add3A_501 : i32 to index
      %get3A_503 = arith.constant 32 : index
      %get3A_504 = tpu.vector_load %arg7[%get3A_502, %get3A_503] {strides = array<i32>} : memref<200x128xf32, #tpu.memory_space<vmem>>, vector<1x16xf32>,
      %get3A_505 = vector.shape_cast %get3A_504 : vector<1x16xf32> to vector<16xf32>
      %swap3A_506 = arith.index_cast %add3A_479 : i32 to index
      %swap3A_507 = arith.constant 32 : index
      %swap3A_508 = tpu.vector_load %arg8[%swap3A_506, %swap3A_507] {strides = array<i32>} : memref<128x128xf32, #tpu.memory_space<vmem>>, vector<1x16xf32>,
      %swap3A_509 = vector.shape_cast %swap3A_508 : vector<1x16xf32> to vector<16xf32>
      %swap3A_510 = vector.shape_cast %get3A_505 : vector<16xf32> to vector<1x16xf32>
      tpu.vector_store %arg8[%swap3A_506, %swap3A_507], %swap3A_510 {add = true, strides = array<i32>} : memref<128x128xf32, #tpu.memory_space<vmem>>, vector<1x16xf32>,
      %add3A_511 = arith.constant 0 : i32
      %add3A_512 = arith.addi %add3A_511, %add3A_479 : i32
      %get3A_513 = arith.index_cast %add3A_512 : i32 to index
      %get3A_514 = arith.constant 48 : index
      %get3A_515 = tpu.vector_load %arg7[%get3A_513, %get3A_514] {strides = array<i32>} : memref<200x128xf32, #tpu.memory_space<vmem>>, vector<1x16xf32>,
      %get3A_516 = vector.shape_cast %get3A_515 : vector<1x16xf32> to vector<16xf32>
      %swap3A_517 = arith.index_cast %add3A_479 : i32 to index
      %swap3A_518 = arith.constant 48 : index
      %swap3A_519 = tpu.vector_load %arg8[%swap3A_517, %swap3A_518] {strides = array<i32>} : memref<128x128xf32, #tpu.memory_space<vmem>>, vector<1x16xf32>,
      %swap3A_520 = vector.shape_cast %swap3A_519 : vector<1x16xf32> to vector<16xf32>
      %swap3A_521 = vector.shape_cast %get3A_516 : vector<16xf32> to vector<1x16xf32>
      tpu.vector_store %arg8[%swap3A_517, %swap3A_518], %swap3A_521 {add = true, strides = array<i32>} : memref<128x128xf32, #tpu.memory_space<vmem>>, vector<1x16xf32>,
      %add3A_522 = arith.constant 0 : i32
      %add3A_523 = arith.addi %add3A_522, %add3A_479 : i32
      %get3A_524 = arith.index_cast %add3A_523 : i32 to index
      %get3A_525 = arith.constant 64 : index
      %get3A_526 = tpu.vector_load %arg7[%get3A_524, %get3A_525] {strides = array<i32>} : memref<200x128xf32, #tpu.memory_space<vmem>>, vector<1x16xf32>,
      %get3A_527 = vector.shape_cast %get3A_526 : vector<1x16xf32> to vector<16xf32>
      %swap3A_528 = arith.index_cast %add3A_479 : i32 to index
      %swap3A_529 = arith.constant 64 : index
      %swap3A_530 = tpu.vector_load %arg8[%swap3A_528, %swap3A_529] {strides = array<i32>} : memref<128x128xf32, #tpu.memory_space<vmem>>, vector<1x16xf32>,
      %swap3A_531 = vector.shape_cast %swap3A_530 : vector<1x16xf32> to vector<16xf32>
      %swap3A_532 = vector.shape_cast %get3A_527 : vector<16xf32> to vector<1x16xf32>
      tpu.vector_store %arg8[%swap3A_528, %swap3A_529], %swap3A_532 {add = true, strides = array<i32>} : memref<128x128xf32, #tpu.memory_space<vmem>>, vector<1x16xf32>,
      %add3A_533 = arith.constant 0 : i32
      %add3A_534 = arith.addi %add3A_533, %add3A_479 : i32
      %get3A_535 = arith.index_cast %add3A_534 : i32 to index
      %get3A_536 = arith.constant 80 : index
      %get3A_537 = tpu.vector_load %arg7[%get3A_535, %get3A_536] {strides = array<i32>} : memref<200x128xf32, #tpu.memory_space<vmem>>, vector<1x16xf32>,
      %get3A_538 = vector.shape_cast %get3A_537 : vector<1x16xf32> to vector<16xf32>
      %swap3A_539 = arith.index_cast %add3A_479 : i32 to index
      %swap3A_540 = arith.constant 80 : index
      %swap3A_541 = tpu.vector_load %arg8[%swap3A_539, %swap3A_540] {strides = array<i32>} : memref<128x128xf32, #tpu.memory_space<vmem>>, vector<1x16xf32>,
      %swap3A_542 = vector.shape_cast %swap3A_541 : vector<1x16xf32> to vector<16xf32>
      %swap3A_543 = vector.shape_cast %get3A_538 : vector<16xf32> to vector<1x16xf32>
      tpu.vector_store %arg8[%swap3A_539, %swap3A_540], %swap3A_543 {add = true, strides = array<i32>} : memref<128x128xf32, #tpu.memory_space<vmem>>, vector<1x16xf32>,
      %add3A_544 = arith.constant 0 : i32
      %add3A_545 = arith.addi %add3A_544, %add3A_479 : i32
      %get3A_546 = arith.index_cast %add3A_545 : i32 to index
      %get3A_547 = arith.constant 96 : index
      %get3A_548 = tpu.vector_load %arg7[%get3A_546, %get3A_547] {strides = array<i32>} : memref<200x128xf32, #tpu.memory_space<vmem>>, vector<1x16xf32>,
      %get3A_549 = vector.shape_cast %get3A_548 : vector<1x16xf32> to vector<16xf32>
      %swap3A_550 = arith.index_cast %add3A_479 : i32 to index
      %swap3A_551 = arith.constant 96 : index
      %swap3A_552 = tpu.vector_load %arg8[%swap3A_550, %swap3A_551] {strides = array<i32>} : memref<128x128xf32, #tpu.memory_space<vmem>>, vector<1x16xf32>,
      %swap3A_553 = vector.shape_cast %swap3A_552 : vector<1x16xf32> to vector<16xf32>
      %swap3A_554 = vector.shape_cast %get3A_549 : vector<16xf32> to vector<1x16xf32>
      tpu.vector_store %arg8[%swap3A_550, %swap3A_551], %swap3A_554 {add = true, strides = array<i32>} : memref<128x128xf32, #tpu.memory_space<vmem>>, vector<1x16xf32>,
      %add3A_555 = arith.constant 0 : i32
      %add3A_556 = arith.addi %add3A_555, %add3A_479 : i32
      %get3A_557 = arith.index_cast %add3A_556 : i32 to index
      %get3A_558 = arith.constant 112 : index
      %get3A_559 = tpu.vector_load %arg7[%get3A_557, %get3A_558] {strides = array<i32>} : memref<200x128xf32, #tpu.memory_space<vmem>>, vector<1x16xf32>,
      %get3A_560 = vector.shape_cast %get3A_559 : vector<1x16xf32> to vector<16xf32>
      %swap3A_561 = arith.index_cast %add3A_479 : i32 to index
      %swap3A_562 = arith.constant 112 : index
      %swap3A_563 = tpu.vector_load %arg8[%swap3A_561, %swap3A_562] {strides = array<i32>} : memref<128x128xf32, #tpu.memory_space<vmem>>, vector<1x16xf32>,
      %swap3A_564 = vector.shape_cast %swap3A_563 : vector<1x16xf32> to vector<16xf32>
      %swap3A_565 = vector.shape_cast %get3A_560 : vector<16xf32> to vector<1x16xf32>
      tpu.vector_store %arg8[%swap3A_561, %swap3A_562], %swap3A_565 {add = true, strides = array<i32>} : memref<128x128xf32, #tpu.memory_space<vmem>>, vector<1x16xf32>,
    }
    %scan3A_309 = arith.constant 128 : i32
    %add3A_310 = arith.constant 30 : i32
    %add3A_311 = arith.addi %mul3A_2, %add3A_310 : i32
    %mul3A_312 = arith.constant 200 : i32
    %mul3A_313 = arith.muli %add3A_311, %mul3A_312 : i32
    %dma_start3A_314 = arith.constant 0 : i32
    %dma_start3A_315 = tpu.memref_slice %arg5[%mul3A_313, %dma_start3A_314] : memref<204800x128xf32, #tpu.memory_space<hbm>> -> memref<128x128xf32, #tpu.memory_space<hbm>>
    %dma_start3A_316 = arith.constant 0 : i32
    %dma_start3A_317 = tpu.memref_slice %arg5[%mul3A_313, %dma_start3A_316] : memref<204800x128xf32, #tpu.memory_space<hbm>> -> memref<128x128xf32, #tpu.memory_space<hbm>>
    tpu.enqueue_dma source(%arg8 : memref<128x128xf32, #tpu.memory_space<vmem>>) target(%dma_start3A_317 : memref<128x128xf32, #tpu.memory_space<hbm>>) target_semaphore(%arg20 : memref<!tpu.dma_semaphore, #tpu.memory_space<semaphore_mem>>)
    %add3A_318 = arith.constant 28 : i32
    %add3A_319 = arith.addi %mul3A_2, %add3A_318 : i32
    %mul3A_320 = arith.constant 200 : i32
    %mul3A_321 = arith.muli %add3A_319, %mul3A_320 : i32
    %add3A_322 = arith.constant 128 : i32
    %add3A_323 = arith.addi %mul3A_321, %add3A_322 : i32
    %dma_wait3A_324 = arith.constant 0 : i32
    %dma_wait3A_325 = tpu.memref_slice %arg5[%add3A_323, %dma_wait3A_324] : memref<204800x128xf32, #tpu.memory_space<hbm>> -> memref<72x128xf32, #tpu.memory_space<hbm>>
    %dma_wait3A_326 = arith.constant 0 : i32
    %dma_wait3A_327 = tpu.memref_slice %arg5[%add3A_323, %dma_wait3A_326] : memref<204800x128xf32, #tpu.memory_space<hbm>> -> memref<72x128xf32, #tpu.memory_space<hbm>>
    tpu.wait_dma2 semaphore(%arg24 : memref<!tpu.dma_semaphore, #tpu.memory_space<semaphore_mem>>) src(%arg12 : memref<72x128xf32, #tpu.memory_space<vmem>>) dst(%dma_wait3A_327 : memref<72x128xf32, #tpu.memory_space<hbm>>)
    %add3A_328 = arith.constant 31 : i32
    %add3A_329 = arith.addi %mul3A_2, %add3A_328 : i32
    %mul3A_330 = arith.constant 200 : i32
    %mul3A_331 = arith.muli %add3A_329, %mul3A_330 : i32
    %add3A_332 = arith.constant 128 : i32
    %add3A_333 = arith.addi %mul3A_331, %add3A_332 : i32
    %dma_start3A_334 = arith.constant 31 : i32
    %dma_start3A_335 = arith.constant 128 : i32
    %dma_start3A_336 = tpu.memref_slice %arg6[%dma_start3A_334, %dma_start3A_335] : memref<32x200xi32, #tpu.memory_space<vmem>> -> memref<1x72xi32, #tpu.memory_space<vmem>>
    %dma_start3A_337 = tpu.memref_squeeze %dma_start3A_336 : memref<1x72xi32, #tpu.memory_space<vmem>> -> memref<72xi32, #tpu.memory_space<vmem>>
    %dma_start3A_338 = arith.constant 0 : i32
    %dma_start3A_339 = arith.constant 0 : i32
    %dma_start3A_340 = tpu.memref_slice %arg2[%dma_start3A_338, %dma_start3A_339] : memref<100000x128xf32, #tpu.memory_space<hbm>> -> memref<100000x128xf32, #tpu.memory_space<hbm>>
    tpu.enqueue_indirect_dma source(%dma_start3A_340 : memref<100000x128xf32, #tpu.memory_space<hbm>>) target(%arg12 : memref<72x128xf32, #tpu.memory_space<vmem>>) offsets(%dma_start3A_337 : memref<72xi32, #tpu.memory_space<vmem>>) semaphore(%arg18 : memref<!tpu.dma_semaphore, #tpu.memory_space<semaphore_mem>>)
    %add3A_341 = arith.constant 30 : i32
    %add3A_342 = arith.addi %mul3A_2, %add3A_341 : i32
    %mul3A_343 = arith.constant 200 : i32
    %mul3A_344 = arith.muli %add3A_342, %mul3A_343 : i32
    %add3A_345 = arith.constant 128 : i32
    %add3A_346 = arith.addi %mul3A_344, %add3A_345 : i32
    %dma_wait3A_347 = arith.constant 30 : i32
    %dma_wait3A_348 = arith.constant 128 : i32
    %dma_wait3A_349 = tpu.memref_slice %arg6[%dma_wait3A_347, %dma_wait3A_348] : memref<32x200xi32, #tpu.memory_space<vmem>> -> memref<1x72xi32, #tpu.memory_space<vmem>>
    %dma_wait3A_350 = tpu.memref_squeeze %dma_wait3A_349 : memref<1x72xi32, #tpu.memory_space<vmem>> -> memref<72xi32, #tpu.memory_space<vmem>>
    %dma_wait3A_351 = arith.constant 0 : i32
    %dma_wait3A_352 = arith.constant 0 : i32
    %dma_wait3A_353 = tpu.memref_slice %arg2[%dma_wait3A_351, %dma_wait3A_352] : memref<100000x128xf32, #tpu.memory_space<hbm>> -> memref<100000x128xf32, #tpu.memory_space<hbm>>
    tpu.wait_indirect_dma semaphore(%arg17 : memref<!tpu.dma_semaphore, #tpu.memory_space<semaphore_mem>>) src(%dma_wait3A_353 : memref<100000x128xf32, #tpu.memory_space<hbm>>) dst(%arg11 : memref<72x128xf32, #tpu.memory_space<vmem>>)
    %scan3A_354 = arith.constant 0 : i32
    %scan3A_355 = arith.constant 72 : i32
    %scan3A_356 = arith.addi %scan3A_354, %scan3A_355 : i32
    %scan3A_357 = arith.constant 1 : i32
    scf.for %scan3A_475 = %scan3A_354 to %scan3A_356 step %scan3A_357  : i32 {
      %mul3A_476 = arith.constant 1 : i32
      %mul3A_477 = arith.muli %scan3A_475, %mul3A_476 : i32
      %add3A_478 = arith.constant 0 : i32
      %add3A_479 = arith.addi %add3A_478, %mul3A_477 : i32
      %add3A_480 = arith.constant 128 : i32
      %add3A_481 = arith.addi %add3A_480, %add3A_479 : i32
      %get3A = arith.index_cast %add3A_481 : i32 to index
      %get3A_482 = arith.constant 0 : index
      %get3A_483 = tpu.vector_load %arg7[%get3A, %get3A_482] {strides = array<i32>} : memref<200x128xf32, #tpu.memory_space<vmem>>, vector<1x16xf32>,
      %get3A_484 = vector.shape_cast %get3A_483 : vector<1x16xf32> to vector<16xf32>
      %swap3A = arith.index_cast %add3A_479 : i32 to index
      %swap3A_485 = arith.constant 0 : index
      %swap3A_486 = tpu.vector_load %arg11[%swap3A, %swap3A_485] {strides = array<i32>} : memref<72x128xf32, #tpu.memory_space<vmem>>, vector<1x16xf32>,
      %swap3A_487 = vector.shape_cast %swap3A_486 : vector<1x16xf32> to vector<16xf32>
      %swap3A_488 = vector.shape_cast %get3A_484 : vector<16xf32> to vector<1x16xf32>
      tpu.vector_store %arg11[%swap3A, %swap3A_485], %swap3A_488 {add = true, strides = array<i32>} : memref<72x128xf32, #tpu.memory_space<vmem>>, vector<1x16xf32>,
      %add3A_489 = arith.constant 128 : i32
      %add3A_490 = arith.addi %add3A_489, %add3A_479 : i32
      %get3A_491 = arith.index_cast %add3A_490 : i32 to index
      %get3A_492 = arith.constant 16 : index
      %get3A_493 = tpu.vector_load %arg7[%get3A_491, %get3A_492] {strides = array<i32>} : memref<200x128xf32, #tpu.memory_space<vmem>>, vector<1x16xf32>,
      %get3A_494 = vector.shape_cast %get3A_493 : vector<1x16xf32> to vector<16xf32>
      %swap3A_495 = arith.index_cast %add3A_479 : i32 to index
      %swap3A_496 = arith.constant 16 : index
      %swap3A_497 = tpu.vector_load %arg11[%swap3A_495, %swap3A_496] {strides = array<i32>} : memref<72x128xf32, #tpu.memory_space<vmem>>, vector<1x16xf32>,
      %swap3A_498 = vector.shape_cast %swap3A_497 : vector<1x16xf32> to vector<16xf32>
      %swap3A_499 = vector.shape_cast %get3A_494 : vector<16xf32> to vector<1x16xf32>
      tpu.vector_store %arg11[%swap3A_495, %swap3A_496], %swap3A_499 {add = true, strides = array<i32>} : memref<72x128xf32, #tpu.memory_space<vmem>>, vector<1x16xf32>,
      %add3A_500 = arith.constant 128 : i32
      %add3A_501 = arith.addi %add3A_500, %add3A_479 : i32
      %get3A_502 = arith.index_cast %add3A_501 : i32 to index
      %get3A_503 = arith.constant 32 : index
      %get3A_504 = tpu.vector_load %arg7[%get3A_502, %get3A_503] {strides = array<i32>} : memref<200x128xf32, #tpu.memory_space<vmem>>, vector<1x16xf32>,
      %get3A_505 = vector.shape_cast %get3A_504 : vector<1x16xf32> to vector<16xf32>
      %swap3A_506 = arith.index_cast %add3A_479 : i32 to index
      %swap3A_507 = arith.constant 32 : index
      %swap3A_508 = tpu.vector_load %arg11[%swap3A_506, %swap3A_507] {strides = array<i32>} : memref<72x128xf32, #tpu.memory_space<vmem>>, vector<1x16xf32>,
      %swap3A_509 = vector.shape_cast %swap3A_508 : vector<1x16xf32> to vector<16xf32>
      %swap3A_510 = vector.shape_cast %get3A_505 : vector<16xf32> to vector<1x16xf32>
      tpu.vector_store %arg11[%swap3A_506, %swap3A_507], %swap3A_510 {add = true, strides = array<i32>} : memref<72x128xf32, #tpu.memory_space<vmem>>, vector<1x16xf32>,
      %add3A_511 = arith.constant 128 : i32
      %add3A_512 = arith.addi %add3A_511, %add3A_479 : i32
      %get3A_513 = arith.index_cast %add3A_512 : i32 to index
      %get3A_514 = arith.constant 48 : index
      %get3A_515 = tpu.vector_load %arg7[%get3A_513, %get3A_514] {strides = array<i32>} : memref<200x128xf32, #tpu.memory_space<vmem>>, vector<1x16xf32>,
      %get3A_516 = vector.shape_cast %get3A_515 : vector<1x16xf32> to vector<16xf32>
      %swap3A_517 = arith.index_cast %add3A_479 : i32 to index
      %swap3A_518 = arith.constant 48 : index
      %swap3A_519 = tpu.vector_load %arg11[%swap3A_517, %swap3A_518] {strides = array<i32>} : memref<72x128xf32, #tpu.memory_space<vmem>>, vector<1x16xf32>,
      %swap3A_520 = vector.shape_cast %swap3A_519 : vector<1x16xf32> to vector<16xf32>
      %swap3A_521 = vector.shape_cast %get3A_516 : vector<16xf32> to vector<1x16xf32>
      tpu.vector_store %arg11[%swap3A_517, %swap3A_518], %swap3A_521 {add = true, strides = array<i32>} : memref<72x128xf32, #tpu.memory_space<vmem>>, vector<1x16xf32>,
      %add3A_522 = arith.constant 128 : i32
      %add3A_523 = arith.addi %add3A_522, %add3A_479 : i32
      %get3A_524 = arith.index_cast %add3A_523 : i32 to index
      %get3A_525 = arith.constant 64 : index
      %get3A_526 = tpu.vector_load %arg7[%get3A_524, %get3A_525] {strides = array<i32>} : memref<200x128xf32, #tpu.memory_space<vmem>>, vector<1x16xf32>,
      %get3A_527 = vector.shape_cast %get3A_526 : vector<1x16xf32> to vector<16xf32>
      %swap3A_528 = arith.index_cast %add3A_479 : i32 to index
      %swap3A_529 = arith.constant 64 : index
      %swap3A_530 = tpu.vector_load %arg11[%swap3A_528, %swap3A_529] {strides = array<i32>} : memref<72x128xf32, #tpu.memory_space<vmem>>, vector<1x16xf32>,
      %swap3A_531 = vector.shape_cast %swap3A_530 : vector<1x16xf32> to vector<16xf32>
      %swap3A_532 = vector.shape_cast %get3A_527 : vector<16xf32> to vector<1x16xf32>
      tpu.vector_store %arg11[%swap3A_528, %swap3A_529], %swap3A_532 {add = true, strides = array<i32>} : memref<72x128xf32, #tpu.memory_space<vmem>>, vector<1x16xf32>,
      %add3A_533 = arith.constant 128 : i32
      %add3A_534 = arith.addi %add3A_533, %add3A_479 : i32
      %get3A_535 = arith.index_cast %add3A_534 : i32 to index
      %get3A_536 = arith.constant 80 : index
      %get3A_537 = tpu.vector_load %arg7[%get3A_535, %get3A_536] {strides = array<i32>} : memref<200x128xf32, #tpu.memory_space<vmem>>, vector<1x16xf32>,
      %get3A_538 = vector.shape_cast %get3A_537 : vector<1x16xf32> to vector<16xf32>
      %swap3A_539 = arith.index_cast %add3A_479 : i32 to index
      %swap3A_540 = arith.constant 80 : index
      %swap3A_541 = tpu.vector_load %arg11[%swap3A_539, %swap3A_540] {strides = array<i32>} : memref<72x128xf32, #tpu.memory_space<vmem>>, vector<1x16xf32>,
      %swap3A_542 = vector.shape_cast %swap3A_541 : vector<1x16xf32> to vector<16xf32>
      %swap3A_543 = vector.shape_cast %get3A_538 : vector<16xf32> to vector<1x16xf32>
      tpu.vector_store %arg11[%swap3A_539, %swap3A_540], %swap3A_543 {add = true, strides = array<i32>} : memref<72x128xf32, #tpu.memory_space<vmem>>, vector<1x16xf32>,
      %add3A_544 = arith.constant 128 : i32
      %add3A_545 = arith.addi %add3A_544, %add3A_479 : i32
      %get3A_546 = arith.index_cast %add3A_545 : i32 to index
      %get3A_547 = arith.constant 96 : index
      %get3A_548 = tpu.vector_load %arg7[%get3A_546, %get3A_547] {strides = array<i32>} : memref<200x128xf32, #tpu.memory_space<vmem>>, vector<1x16xf32>,
      %get3A_549 = vector.shape_cast %get3A_548 : vector<1x16xf32> to vector<16xf32>
      %swap3A_550 = arith.index_cast %add3A_479 : i32 to index
      %swap3A_551 = arith.constant 96 : index
      %swap3A_552 = tpu.vector_load %arg11[%swap3A_550, %swap3A_551] {strides = array<i32>} : memref<72x128xf32, #tpu.memory_space<vmem>>, vector<1x16xf32>,
      %swap3A_553 = vector.shape_cast %swap3A_552 : vector<1x16xf32> to vector<16xf32>
      %swap3A_554 = vector.shape_cast %get3A_549 : vector<16xf32> to vector<1x16xf32>
      tpu.vector_store %arg11[%swap3A_550, %swap3A_551], %swap3A_554 {add = true, strides = array<i32>} : memref<72x128xf32, #tpu.memory_space<vmem>>, vector<1x16xf32>,
      %add3A_555 = arith.constant 128 : i32
      %add3A_556 = arith.addi %add3A_555, %add3A_479 : i32
      %get3A_557 = arith.index_cast %add3A_556 : i32 to index
      %get3A_558 = arith.constant 112 : index
      %get3A_559 = tpu.vector_load %arg7[%get3A_557, %get3A_558] {strides = array<i32>} : memref<200x128xf32, #tpu.memory_space<vmem>>, vector<1x16xf32>,
      %get3A_560 = vector.shape_cast %get3A_559 : vector<1x16xf32> to vector<16xf32>
      %swap3A_561 = arith.index_cast %add3A_479 : i32 to index
      %swap3A_562 = arith.constant 112 : index
      %swap3A_563 = tpu.vector_load %arg11[%swap3A_561, %swap3A_562] {strides = array<i32>} : memref<72x128xf32, #tpu.memory_space<vmem>>, vector<1x16xf32>,
      %swap3A_564 = vector.shape_cast %swap3A_563 : vector<1x16xf32> to vector<16xf32>
      %swap3A_565 = vector.shape_cast %get3A_560 : vector<16xf32> to vector<1x16xf32>
      tpu.vector_store %arg11[%swap3A_561, %swap3A_562], %swap3A_565 {add = true, strides = array<i32>} : memref<72x128xf32, #tpu.memory_space<vmem>>, vector<1x16xf32>,
    }
    %scan3A_358 = arith.constant 72 : i32
    %add3A_359 = arith.constant 30 : i32
    %add3A_360 = arith.addi %mul3A_2, %add3A_359 : i32
    %mul3A_361 = arith.constant 200 : i32
    %mul3A_362 = arith.muli %add3A_360, %mul3A_361 : i32
    %add3A_363 = arith.constant 128 : i32
    %add3A_364 = arith.addi %mul3A_362, %add3A_363 : i32
    %dma_start3A_365 = arith.constant 0 : i32
    %dma_start3A_366 = tpu.memref_slice %arg5[%add3A_364, %dma_start3A_365] : memref<204800x128xf32, #tpu.memory_space<hbm>> -> memref<72x128xf32, #tpu.memory_space<hbm>>
    %dma_start3A_367 = arith.constant 0 : i32
    %dma_start3A_368 = tpu.memref_slice %arg5[%add3A_364, %dma_start3A_367] : memref<204800x128xf32, #tpu.memory_space<hbm>> -> memref<72x128xf32, #tpu.memory_space<hbm>>
    tpu.enqueue_dma source(%arg11 : memref<72x128xf32, #tpu.memory_space<vmem>>) target(%dma_start3A_368 : memref<72x128xf32, #tpu.memory_space<hbm>>) target_semaphore(%arg23 : memref<!tpu.dma_semaphore, #tpu.memory_space<semaphore_mem>>)
    %add3A_369 = arith.constant 29 : i32
    %add3A_370 = arith.addi %mul3A_2, %add3A_369 : i32
    %mul3A_371 = arith.constant 200 : i32
    %mul3A_372 = arith.muli %add3A_370, %mul3A_371 : i32
    %dma_wait3A_373 = arith.constant 0 : i32
    %dma_wait3A_374 = tpu.memref_slice %arg5[%mul3A_372, %dma_wait3A_373] : memref<204800x128xf32, #tpu.memory_space<hbm>> -> memref<128x128xf32, #tpu.memory_space<hbm>>
    %dma_wait3A_375 = arith.constant 0 : i32
    %dma_wait3A_376 = tpu.memref_slice %arg5[%mul3A_372, %dma_wait3A_375] : memref<204800x128xf32, #tpu.memory_space<hbm>> -> memref<128x128xf32, #tpu.memory_space<hbm>>
    tpu.wait_dma2 semaphore(%arg22 : memref<!tpu.dma_semaphore, #tpu.memory_space<semaphore_mem>>) src(%arg10 : memref<128x128xf32, #tpu.memory_space<vmem>>) dst(%dma_wait3A_376 : memref<128x128xf32, #tpu.memory_space<hbm>>)
    %add3A_377 = arith.constant 31 : i32
    %add3A_378 = arith.addi %mul3A_2, %add3A_377 : i32
    %mul3A_379 = arith.constant 200 : i32
    %mul3A_380 = arith.muli %add3A_378, %mul3A_379 : i32
    %dma_wait3A_381 = arith.constant 31 : i32
    %dma_wait3A_382 = arith.constant 0 : i32
    %dma_wait3A_383 = tpu.memref_slice %arg6[%dma_wait3A_381, %dma_wait3A_382] : memref<32x200xi32, #tpu.memory_space<vmem>> -> memref<1x128xi32, #tpu.memory_space<vmem>>
    %dma_wait3A_384 = tpu.memref_squeeze %dma_wait3A_383 : memref<1x128xi32, #tpu.memory_space<vmem>> -> memref<128xi32, #tpu.memory_space<vmem>>
    %dma_wait3A_385 = arith.constant 0 : i32
    %dma_wait3A_386 = arith.constant 0 : i32
    %dma_wait3A_387 = tpu.memref_slice %arg2[%dma_wait3A_385, %dma_wait3A_386] : memref<100000x128xf32, #tpu.memory_space<hbm>> -> memref<100000x128xf32, #tpu.memory_space<hbm>>
    tpu.wait_indirect_dma semaphore(%arg15 : memref<!tpu.dma_semaphore, #tpu.memory_space<semaphore_mem>>) src(%dma_wait3A_387 : memref<100000x128xf32, #tpu.memory_space<hbm>>) dst(%arg9 : memref<128x128xf32, #tpu.memory_space<vmem>>)
    %scan3A_388 = arith.constant 0 : i32
    %scan3A_389 = arith.constant 128 : i32
    %scan3A_390 = arith.addi %scan3A_388, %scan3A_389 : i32
    %scan3A_391 = arith.constant 1 : i32
    scf.for %scan3A_475 = %scan3A_388 to %scan3A_390 step %scan3A_391  : i32 {
      %mul3A_476 = arith.constant 1 : i32
      %mul3A_477 = arith.muli %scan3A_475, %mul3A_476 : i32
      %add3A_478 = arith.constant 0 : i32
      %add3A_479 = arith.addi %add3A_478, %mul3A_477 : i32
      %add3A_480 = arith.constant 0 : i32
      %add3A_481 = arith.addi %add3A_480, %add3A_479 : i32
      %get3A = arith.index_cast %add3A_481 : i32 to index
      %get3A_482 = arith.constant 0 : index
      %get3A_483 = tpu.vector_load %arg7[%get3A, %get3A_482] {strides = array<i32>} : memref<200x128xf32, #tpu.memory_space<vmem>>, vector<1x16xf32>,
      %get3A_484 = vector.shape_cast %get3A_483 : vector<1x16xf32> to vector<16xf32>
      %swap3A = arith.index_cast %add3A_479 : i32 to index
      %swap3A_485 = arith.constant 0 : index
      %swap3A_486 = tpu.vector_load %arg9[%swap3A, %swap3A_485] {strides = array<i32>} : memref<128x128xf32, #tpu.memory_space<vmem>>, vector<1x16xf32>,
      %swap3A_487 = vector.shape_cast %swap3A_486 : vector<1x16xf32> to vector<16xf32>
      %swap3A_488 = vector.shape_cast %get3A_484 : vector<16xf32> to vector<1x16xf32>
      tpu.vector_store %arg9[%swap3A, %swap3A_485], %swap3A_488 {add = true, strides = array<i32>} : memref<128x128xf32, #tpu.memory_space<vmem>>, vector<1x16xf32>,
      %add3A_489 = arith.constant 0 : i32
      %add3A_490 = arith.addi %add3A_489, %add3A_479 : i32
      %get3A_491 = arith.index_cast %add3A_490 : i32 to index
      %get3A_492 = arith.constant 16 : index
      %get3A_493 = tpu.vector_load %arg7[%get3A_491, %get3A_492] {strides = array<i32>} : memref<200x128xf32, #tpu.memory_space<vmem>>, vector<1x16xf32>,
      %get3A_494 = vector.shape_cast %get3A_493 : vector<1x16xf32> to vector<16xf32>
      %swap3A_495 = arith.index_cast %add3A_479 : i32 to index
      %swap3A_496 = arith.constant 16 : index
      %swap3A_497 = tpu.vector_load %arg9[%swap3A_495, %swap3A_496] {strides = array<i32>} : memref<128x128xf32, #tpu.memory_space<vmem>>, vector<1x16xf32>,
      %swap3A_498 = vector.shape_cast %swap3A_497 : vector<1x16xf32> to vector<16xf32>
      %swap3A_499 = vector.shape_cast %get3A_494 : vector<16xf32> to vector<1x16xf32>
      tpu.vector_store %arg9[%swap3A_495, %swap3A_496], %swap3A_499 {add = true, strides = array<i32>} : memref<128x128xf32, #tpu.memory_space<vmem>>, vector<1x16xf32>,
      %add3A_500 = arith.constant 0 : i32
      %add3A_501 = arith.addi %add3A_500, %add3A_479 : i32
      %get3A_502 = arith.index_cast %add3A_501 : i32 to index
      %get3A_503 = arith.constant 32 : index
      %get3A_504 = tpu.vector_load %arg7[%get3A_502, %get3A_503] {strides = array<i32>} : memref<200x128xf32, #tpu.memory_space<vmem>>, vector<1x16xf32>,
      %get3A_505 = vector.shape_cast %get3A_504 : vector<1x16xf32> to vector<16xf32>
      %swap3A_506 = arith.index_cast %add3A_479 : i32 to index
      %swap3A_507 = arith.constant 32 : index
      %swap3A_508 = tpu.vector_load %arg9[%swap3A_506, %swap3A_507] {strides = array<i32>} : memref<128x128xf32, #tpu.memory_space<vmem>>, vector<1x16xf32>,
      %swap3A_509 = vector.shape_cast %swap3A_508 : vector<1x16xf32> to vector<16xf32>
      %swap3A_510 = vector.shape_cast %get3A_505 : vector<16xf32> to vector<1x16xf32>
      tpu.vector_store %arg9[%swap3A_506, %swap3A_507], %swap3A_510 {add = true, strides = array<i32>} : memref<128x128xf32, #tpu.memory_space<vmem>>, vector<1x16xf32>,
      %add3A_511 = arith.constant 0 : i32
      %add3A_512 = arith.addi %add3A_511, %add3A_479 : i32
      %get3A_513 = arith.index_cast %add3A_512 : i32 to index
      %get3A_514 = arith.constant 48 : index
      %get3A_515 = tpu.vector_load %arg7[%get3A_513, %get3A_514] {strides = array<i32>} : memref<200x128xf32, #tpu.memory_space<vmem>>, vector<1x16xf32>,
      %get3A_516 = vector.shape_cast %get3A_515 : vector<1x16xf32> to vector<16xf32>
      %swap3A_517 = arith.index_cast %add3A_479 : i32 to index
      %swap3A_518 = arith.constant 48 : index
      %swap3A_519 = tpu.vector_load %arg9[%swap3A_517, %swap3A_518] {strides = array<i32>} : memref<128x128xf32, #tpu.memory_space<vmem>>, vector<1x16xf32>,
      %swap3A_520 = vector.shape_cast %swap3A_519 : vector<1x16xf32> to vector<16xf32>
      %swap3A_521 = vector.shape_cast %get3A_516 : vector<16xf32> to vector<1x16xf32>
      tpu.vector_store %arg9[%swap3A_517, %swap3A_518], %swap3A_521 {add = true, strides = array<i32>} : memref<128x128xf32, #tpu.memory_space<vmem>>, vector<1x16xf32>,
      %add3A_522 = arith.constant 0 : i32
      %add3A_523 = arith.addi %add3A_522, %add3A_479 : i32
      %get3A_524 = arith.index_cast %add3A_523 : i32 to index
      %get3A_525 = arith.constant 64 : index
      %get3A_526 = tpu.vector_load %arg7[%get3A_524, %get3A_525] {strides = array<i32>} : memref<200x128xf32, #tpu.memory_space<vmem>>, vector<1x16xf32>,
      %get3A_527 = vector.shape_cast %get3A_526 : vector<1x16xf32> to vector<16xf32>
      %swap3A_528 = arith.index_cast %add3A_479 : i32 to index
      %swap3A_529 = arith.constant 64 : index
      %swap3A_530 = tpu.vector_load %arg9[%swap3A_528, %swap3A_529] {strides = array<i32>} : memref<128x128xf32, #tpu.memory_space<vmem>>, vector<1x16xf32>,
      %swap3A_531 = vector.shape_cast %swap3A_530 : vector<1x16xf32> to vector<16xf32>
      %swap3A_532 = vector.shape_cast %get3A_527 : vector<16xf32> to vector<1x16xf32>
      tpu.vector_store %arg9[%swap3A_528, %swap3A_529], %swap3A_532 {add = true, strides = array<i32>} : memref<128x128xf32, #tpu.memory_space<vmem>>, vector<1x16xf32>,
      %add3A_533 = arith.constant 0 : i32
      %add3A_534 = arith.addi %add3A_533, %add3A_479 : i32
      %get3A_535 = arith.index_cast %add3A_534 : i32 to index
      %get3A_536 = arith.constant 80 : index
      %get3A_537 = tpu.vector_load %arg7[%get3A_535, %get3A_536] {strides = array<i32>} : memref<200x128xf32, #tpu.memory_space<vmem>>, vector<1x16xf32>,
      %get3A_538 = vector.shape_cast %get3A_537 : vector<1x16xf32> to vector<16xf32>
      %swap3A_539 = arith.index_cast %add3A_479 : i32 to index
      %swap3A_540 = arith.constant 80 : index
      %swap3A_541 = tpu.vector_load %arg9[%swap3A_539, %swap3A_540] {strides = array<i32>} : memref<128x128xf32, #tpu.memory_space<vmem>>, vector<1x16xf32>,
      %swap3A_542 = vector.shape_cast %swap3A_541 : vector<1x16xf32> to vector<16xf32>
      %swap3A_543 = vector.shape_cast %get3A_538 : vector<16xf32> to vector<1x16xf32>
      tpu.vector_store %arg9[%swap3A_539, %swap3A_540], %swap3A_543 {add = true, strides = array<i32>} : memref<128x128xf32, #tpu.memory_space<vmem>>, vector<1x16xf32>,
      %add3A_544 = arith.constant 0 : i32
      %add3A_545 = arith.addi %add3A_544, %add3A_479 : i32
      %get3A_546 = arith.index_cast %add3A_545 : i32 to index
      %get3A_547 = arith.constant 96 : index
      %get3A_548 = tpu.vector_load %arg7[%get3A_546, %get3A_547] {strides = array<i32>} : memref<200x128xf32, #tpu.memory_space<vmem>>, vector<1x16xf32>,
      %get3A_549 = vector.shape_cast %get3A_548 : vector<1x16xf32> to vector<16xf32>
      %swap3A_550 = arith.index_cast %add3A_479 : i32 to index
      %swap3A_551 = arith.constant 96 : index
      %swap3A_552 = tpu.vector_load %arg9[%swap3A_550, %swap3A_551] {strides = array<i32>} : memref<128x128xf32, #tpu.memory_space<vmem>>, vector<1x16xf32>,
      %swap3A_553 = vector.shape_cast %swap3A_552 : vector<1x16xf32> to vector<16xf32>
      %swap3A_554 = vector.shape_cast %get3A_549 : vector<16xf32> to vector<1x16xf32>
      tpu.vector_store %arg9[%swap3A_550, %swap3A_551], %swap3A_554 {add = true, strides = array<i32>} : memref<128x128xf32, #tpu.memory_space<vmem>>, vector<1x16xf32>,
      %add3A_555 = arith.constant 0 : i32
      %add3A_556 = arith.addi %add3A_555, %add3A_479 : i32
      %get3A_557 = arith.index_cast %add3A_556 : i32 to index
      %get3A_558 = arith.constant 112 : index
      %get3A_559 = tpu.vector_load %arg7[%get3A_557, %get3A_558] {strides = array<i32>} : memref<200x128xf32, #tpu.memory_space<vmem>>, vector<1x16xf32>,
      %get3A_560 = vector.shape_cast %get3A_559 : vector<1x16xf32> to vector<16xf32>
      %swap3A_561 = arith.index_cast %add3A_479 : i32 to index
      %swap3A_562 = arith.constant 112 : index
      %swap3A_563 = tpu.vector_load %arg9[%swap3A_561, %swap3A_562] {strides = array<i32>} : memref<128x128xf32, #tpu.memory_space<vmem>>, vector<1x16xf32>,
      %swap3A_564 = vector.shape_cast %swap3A_563 : vector<1x16xf32> to vector<16xf32>
      %swap3A_565 = vector.shape_cast %get3A_560 : vector<16xf32> to vector<1x16xf32>
      tpu.vector_store %arg9[%swap3A_561, %swap3A_562], %swap3A_565 {add = true, strides = array<i32>} : memref<128x128xf32, #tpu.memory_space<vmem>>, vector<1x16xf32>,
    }
    %scan3A_392 = arith.constant 128 : i32
    %add3A_393 = arith.constant 31 : i32
    %add3A_394 = arith.addi %mul3A_2, %add3A_393 : i32
    %mul3A_395 = arith.constant 200 : i32
    %mul3A_396 = arith.muli %add3A_394, %mul3A_395 : i32
    %dma_start3A_397 = arith.constant 0 : i32
    %dma_start3A_398 = tpu.memref_slice %arg5[%mul3A_396, %dma_start3A_397] : memref<204800x128xf32, #tpu.memory_space<hbm>> -> memref<128x128xf32, #tpu.memory_space<hbm>>
    %dma_start3A_399 = arith.constant 0 : i32
    %dma_start3A_400 = tpu.memref_slice %arg5[%mul3A_396, %dma_start3A_399] : memref<204800x128xf32, #tpu.memory_space<hbm>> -> memref<128x128xf32, #tpu.memory_space<hbm>>
    tpu.enqueue_dma source(%arg9 : memref<128x128xf32, #tpu.memory_space<vmem>>) target(%dma_start3A_400 : memref<128x128xf32, #tpu.memory_space<hbm>>) target_semaphore(%arg21 : memref<!tpu.dma_semaphore, #tpu.memory_space<semaphore_mem>>)
    %add3A_401 = arith.constant 29 : i32
    %add3A_402 = arith.addi %mul3A_2, %add3A_401 : i32
    %mul3A_403 = arith.constant 200 : i32
    %mul3A_404 = arith.muli %add3A_402, %mul3A_403 : i32
    %add3A_405 = arith.constant 128 : i32
    %add3A_406 = arith.addi %mul3A_404, %add3A_405 : i32
    %dma_wait3A_407 = arith.constant 0 : i32
    %dma_wait3A_408 = tpu.memref_slice %arg5[%add3A_406, %dma_wait3A_407] : memref<204800x128xf32, #tpu.memory_space<hbm>> -> memref<72x128xf32, #tpu.memory_space<hbm>>
    %dma_wait3A_409 = arith.constant 0 : i32
    %dma_wait3A_410 = tpu.memref_slice %arg5[%add3A_406, %dma_wait3A_409] : memref<204800x128xf32, #tpu.memory_space<hbm>> -> memref<72x128xf32, #tpu.memory_space<hbm>>
    tpu.wait_dma2 semaphore(%arg25 : memref<!tpu.dma_semaphore, #tpu.memory_space<semaphore_mem>>) src(%arg13 : memref<72x128xf32, #tpu.memory_space<vmem>>) dst(%dma_wait3A_410 : memref<72x128xf32, #tpu.memory_space<hbm>>)
    %add3A_411 = arith.constant 31 : i32
    %add3A_412 = arith.addi %mul3A_2, %add3A_411 : i32
    %mul3A_413 = arith.constant 200 : i32
    %mul3A_414 = arith.muli %add3A_412, %mul3A_413 : i32
    %add3A_415 = arith.constant 128 : i32
    %add3A_416 = arith.addi %mul3A_414, %add3A_415 : i32
    %dma_wait3A_417 = arith.constant 31 : i32
    %dma_wait3A_418 = arith.constant 128 : i32
    %dma_wait3A_419 = tpu.memref_slice %arg6[%dma_wait3A_417, %dma_wait3A_418] : memref<32x200xi32, #tpu.memory_space<vmem>> -> memref<1x72xi32, #tpu.memory_space<vmem>>
    %dma_wait3A_420 = tpu.memref_squeeze %dma_wait3A_419 : memref<1x72xi32, #tpu.memory_space<vmem>> -> memref<72xi32, #tpu.memory_space<vmem>>
    %dma_wait3A_421 = arith.constant 0 : i32
    %dma_wait3A_422 = arith.constant 0 : i32
    %dma_wait3A_423 = tpu.memref_slice %arg2[%dma_wait3A_421, %dma_wait3A_422] : memref<100000x128xf32, #tpu.memory_space<hbm>> -> memref<100000x128xf32, #tpu.memory_space<hbm>>
    tpu.wait_indirect_dma semaphore(%arg18 : memref<!tpu.dma_semaphore, #tpu.memory_space<semaphore_mem>>) src(%dma_wait3A_423 : memref<100000x128xf32, #tpu.memory_space<hbm>>) dst(%arg12 : memref<72x128xf32, #tpu.memory_space<vmem>>)
    %scan3A_424 = arith.constant 0 : i32
    %scan3A_425 = arith.constant 72 : i32
    %scan3A_426 = arith.addi %scan3A_424, %scan3A_425 : i32
    %scan3A_427 = arith.constant 1 : i32
    scf.for %scan3A_475 = %scan3A_424 to %scan3A_426 step %scan3A_427  : i32 {
      %mul3A_476 = arith.constant 1 : i32
      %mul3A_477 = arith.muli %scan3A_475, %mul3A_476 : i32
      %add3A_478 = arith.constant 0 : i32
      %add3A_479 = arith.addi %add3A_478, %mul3A_477 : i32
      %add3A_480 = arith.constant 128 : i32
      %add3A_481 = arith.addi %add3A_480, %add3A_479 : i32
      %get3A = arith.index_cast %add3A_481 : i32 to index
      %get3A_482 = arith.constant 0 : index
      %get3A_483 = tpu.vector_load %arg7[%get3A, %get3A_482] {strides = array<i32>} : memref<200x128xf32, #tpu.memory_space<vmem>>, vector<1x16xf32>,
      %get3A_484 = vector.shape_cast %get3A_483 : vector<1x16xf32> to vector<16xf32>
      %swap3A = arith.index_cast %add3A_479 : i32 to index
      %swap3A_485 = arith.constant 0 : index
      %swap3A_486 = tpu.vector_load %arg12[%swap3A, %swap3A_485] {strides = array<i32>} : memref<72x128xf32, #tpu.memory_space<vmem>>, vector<1x16xf32>,
      %swap3A_487 = vector.shape_cast %swap3A_486 : vector<1x16xf32> to vector<16xf32>
      %swap3A_488 = vector.shape_cast %get3A_484 : vector<16xf32> to vector<1x16xf32>
      tpu.vector_store %arg12[%swap3A, %swap3A_485], %swap3A_488 {add = true, strides = array<i32>} : memref<72x128xf32, #tpu.memory_space<vmem>>, vector<1x16xf32>,
      %add3A_489 = arith.constant 128 : i32
      %add3A_490 = arith.addi %add3A_489, %add3A_479 : i32
      %get3A_491 = arith.index_cast %add3A_490 : i32 to index
      %get3A_492 = arith.constant 16 : index
      %get3A_493 = tpu.vector_load %arg7[%get3A_491, %get3A_492] {strides = array<i32>} : memref<200x128xf32, #tpu.memory_space<vmem>>, vector<1x16xf32>,
      %get3A_494 = vector.shape_cast %get3A_493 : vector<1x16xf32> to vector<16xf32>
      %swap3A_495 = arith.index_cast %add3A_479 : i32 to index
      %swap3A_496 = arith.constant 16 : index
      %swap3A_497 = tpu.vector_load %arg12[%swap3A_495, %swap3A_496] {strides = array<i32>} : memref<72x128xf32, #tpu.memory_space<vmem>>, vector<1x16xf32>,
      %swap3A_498 = vector.shape_cast %swap3A_497 : vector<1x16xf32> to vector<16xf32>
      %swap3A_499 = vector.shape_cast %get3A_494 : vector<16xf32> to vector<1x16xf32>
      tpu.vector_store %arg12[%swap3A_495, %swap3A_496], %swap3A_499 {add = true, strides = array<i32>} : memref<72x128xf32, #tpu.memory_space<vmem>>, vector<1x16xf32>,
      %add3A_500 = arith.constant 128 : i32
      %add3A_501 = arith.addi %add3A_500, %add3A_479 : i32
      %get3A_502 = arith.index_cast %add3A_501 : i32 to index
      %get3A_503 = arith.constant 32 : index
      %get3A_504 = tpu.vector_load %arg7[%get3A_502, %get3A_503] {strides = array<i32>} : memref<200x128xf32, #tpu.memory_space<vmem>>, vector<1x16xf32>,
      %get3A_505 = vector.shape_cast %get3A_504 : vector<1x16xf32> to vector<16xf32>
      %swap3A_506 = arith.index_cast %add3A_479 : i32 to index
      %swap3A_507 = arith.constant 32 : index
      %swap3A_508 = tpu.vector_load %arg12[%swap3A_506, %swap3A_507] {strides = array<i32>} : memref<72x128xf32, #tpu.memory_space<vmem>>, vector<1x16xf32>,
      %swap3A_509 = vector.shape_cast %swap3A_508 : vector<1x16xf32> to vector<16xf32>
      %swap3A_510 = vector.shape_cast %get3A_505 : vector<16xf32> to vector<1x16xf32>
      tpu.vector_store %arg12[%swap3A_506, %swap3A_507], %swap3A_510 {add = true, strides = array<i32>} : memref<72x128xf32, #tpu.memory_space<vmem>>, vector<1x16xf32>,
      %add3A_511 = arith.constant 128 : i32
      %add3A_512 = arith.addi %add3A_511, %add3A_479 : i32
      %get3A_513 = arith.index_cast %add3A_512 : i32 to index
      %get3A_514 = arith.constant 48 : index
      %get3A_515 = tpu.vector_load %arg7[%get3A_513, %get3A_514] {strides = array<i32>} : memref<200x128xf32, #tpu.memory_space<vmem>>, vector<1x16xf32>,
      %get3A_516 = vector.shape_cast %get3A_515 : vector<1x16xf32> to vector<16xf32>
      %swap3A_517 = arith.index_cast %add3A_479 : i32 to index
      %swap3A_518 = arith.constant 48 : index
      %swap3A_519 = tpu.vector_load %arg12[%swap3A_517, %swap3A_518] {strides = array<i32>} : memref<72x128xf32, #tpu.memory_space<vmem>>, vector<1x16xf32>,
      %swap3A_520 = vector.shape_cast %swap3A_519 : vector<1x16xf32> to vector<16xf32>
      %swap3A_521 = vector.shape_cast %get3A_516 : vector<16xf32> to vector<1x16xf32>
      tpu.vector_store %arg12[%swap3A_517, %swap3A_518], %swap3A_521 {add = true, strides = array<i32>} : memref<72x128xf32, #tpu.memory_space<vmem>>, vector<1x16xf32>,
      %add3A_522 = arith.constant 128 : i32
      %add3A_523 = arith.addi %add3A_522, %add3A_479 : i32
      %get3A_524 = arith.index_cast %add3A_523 : i32 to index
      %get3A_525 = arith.constant 64 : index
      %get3A_526 = tpu.vector_load %arg7[%get3A_524, %get3A_525] {strides = array<i32>} : memref<200x128xf32, #tpu.memory_space<vmem>>, vector<1x16xf32>,
      %get3A_527 = vector.shape_cast %get3A_526 : vector<1x16xf32> to vector<16xf32>
      %swap3A_528 = arith.index_cast %add3A_479 : i32 to index
      %swap3A_529 = arith.constant 64 : index
      %swap3A_530 = tpu.vector_load %arg12[%swap3A_528, %swap3A_529] {strides = array<i32>} : memref<72x128xf32, #tpu.memory_space<vmem>>, vector<1x16xf32>,
      %swap3A_531 = vector.shape_cast %swap3A_530 : vector<1x16xf32> to vector<16xf32>
      %swap3A_532 = vector.shape_cast %get3A_527 : vector<16xf32> to vector<1x16xf32>
      tpu.vector_store %arg12[%swap3A_528, %swap3A_529], %swap3A_532 {add = true, strides = array<i32>} : memref<72x128xf32, #tpu.memory_space<vmem>>, vector<1x16xf32>,
      %add3A_533 = arith.constant 128 : i32
      %add3A_534 = arith.addi %add3A_533, %add3A_479 : i32
      %get3A_535 = arith.index_cast %add3A_534 : i32 to index
      %get3A_536 = arith.constant 80 : index
      %get3A_537 = tpu.vector_load %arg7[%get3A_535, %get3A_536] {strides = array<i32>} : memref<200x128xf32, #tpu.memory_space<vmem>>, vector<1x16xf32>,
      %get3A_538 = vector.shape_cast %get3A_537 : vector<1x16xf32> to vector<16xf32>
      %swap3A_539 = arith.index_cast %add3A_479 : i32 to index
      %swap3A_540 = arith.constant 80 : index
      %swap3A_541 = tpu.vector_load %arg12[%swap3A_539, %swap3A_540] {strides = array<i32>} : memref<72x128xf32, #tpu.memory_space<vmem>>, vector<1x16xf32>,
      %swap3A_542 = vector.shape_cast %swap3A_541 : vector<1x16xf32> to vector<16xf32>
      %swap3A_543 = vector.shape_cast %get3A_538 : vector<16xf32> to vector<1x16xf32>
      tpu.vector_store %arg12[%swap3A_539, %swap3A_540], %swap3A_543 {add = true, strides = array<i32>} : memref<72x128xf32, #tpu.memory_space<vmem>>, vector<1x16xf32>,
      %add3A_544 = arith.constant 128 : i32
      %add3A_545 = arith.addi %add3A_544, %add3A_479 : i32
      %get3A_546 = arith.index_cast %add3A_545 : i32 to index
      %get3A_547 = arith.constant 96 : index
      %get3A_548 = tpu.vector_load %arg7[%get3A_546, %get3A_547] {strides = array<i32>} : memref<200x128xf32, #tpu.memory_space<vmem>>, vector<1x16xf32>,
      %get3A_549 = vector.shape_cast %get3A_548 : vector<1x16xf32> to vector<16xf32>
      %swap3A_550 = arith.index_cast %add3A_479 : i32 to index
      %swap3A_551 = arith.constant 96 : index
      %swap3A_552 = tpu.vector_load %arg12[%swap3A_550, %swap3A_551] {strides = array<i32>} : memref<72x128xf32, #tpu.memory_space<vmem>>, vector<1x16xf32>,
      %swap3A_553 = vector.shape_cast %swap3A_552 : vector<1x16xf32> to vector<16xf32>
      %swap3A_554 = vector.shape_cast %get3A_549 : vector<16xf32> to vector<1x16xf32>
      tpu.vector_store %arg12[%swap3A_550, %swap3A_551], %swap3A_554 {add = true, strides = array<i32>} : memref<72x128xf32, #tpu.memory_space<vmem>>, vector<1x16xf32>,
      %add3A_555 = arith.constant 128 : i32
      %add3A_556 = arith.addi %add3A_555, %add3A_479 : i32
      %get3A_557 = arith.index_cast %add3A_556 : i32 to index
      %get3A_558 = arith.constant 112 : index
      %get3A_559 = tpu.vector_load %arg7[%get3A_557, %get3A_558] {strides = array<i32>} : memref<200x128xf32, #tpu.memory_space<vmem>>, vector<1x16xf32>,
      %get3A_560 = vector.shape_cast %get3A_559 : vector<1x16xf32> to vector<16xf32>
      %swap3A_561 = arith.index_cast %add3A_479 : i32 to index
      %swap3A_562 = arith.constant 112 : index
      %swap3A_563 = tpu.vector_load %arg12[%swap3A_561, %swap3A_562] {strides = array<i32>} : memref<72x128xf32, #tpu.memory_space<vmem>>, vector<1x16xf32>,
      %swap3A_564 = vector.shape_cast %swap3A_563 : vector<1x16xf32> to vector<16xf32>
      %swap3A_565 = vector.shape_cast %get3A_560 : vector<16xf32> to vector<1x16xf32>
      tpu.vector_store %arg12[%swap3A_561, %swap3A_562], %swap3A_565 {add = true, strides = array<i32>} : memref<72x128xf32, #tpu.memory_space<vmem>>, vector<1x16xf32>,
    }
    %scan3A_428 = arith.constant 72 : i32
    %add3A_429 = arith.constant 31 : i32
    %add3A_430 = arith.addi %mul3A_2, %add3A_429 : i32
    %mul3A_431 = arith.constant 200 : i32
    %mul3A_432 = arith.muli %add3A_430, %mul3A_431 : i32
    %add3A_433 = arith.constant 128 : i32
    %add3A_434 = arith.addi %mul3A_432, %add3A_433 : i32
    %dma_start3A_435 = arith.constant 0 : i32
    %dma_start3A_436 = tpu.memref_slice %arg5[%add3A_434, %dma_start3A_435] : memref<204800x128xf32, #tpu.memory_space<hbm>> -> memref<72x128xf32, #tpu.memory_space<hbm>>
    %dma_start3A_437 = arith.constant 0 : i32
    %dma_start3A_438 = tpu.memref_slice %arg5[%add3A_434, %dma_start3A_437] : memref<204800x128xf32, #tpu.memory_space<hbm>> -> memref<72x128xf32, #tpu.memory_space<hbm>>
    tpu.enqueue_dma source(%arg12 : memref<72x128xf32, #tpu.memory_space<vmem>>) target(%dma_start3A_438 : memref<72x128xf32, #tpu.memory_space<hbm>>) target_semaphore(%arg24 : memref<!tpu.dma_semaphore, #tpu.memory_space<semaphore_mem>>)
    %add3A_439 = arith.constant 30 : i32
    %add3A_440 = arith.addi %mul3A_2, %add3A_439 : i32
    %mul3A_441 = arith.constant 200 : i32
    %mul3A_442 = arith.muli %add3A_440, %mul3A_441 : i32
    %dma_wait3A_443 = arith.constant 0 : i32
    %dma_wait3A_444 = tpu.memref_slice %arg5[%mul3A_442, %dma_wait3A_443] : memref<204800x128xf32, #tpu.memory_space<hbm>> -> memref<128x128xf32, #tpu.memory_space<hbm>>
    %dma_wait3A_445 = arith.constant 0 : i32
    %dma_wait3A_446 = tpu.memref_slice %arg5[%mul3A_442, %dma_wait3A_445] : memref<204800x128xf32, #tpu.memory_space<hbm>> -> memref<128x128xf32, #tpu.memory_space<hbm>>
    tpu.wait_dma2 semaphore(%arg20 : memref<!tpu.dma_semaphore, #tpu.memory_space<semaphore_mem>>) src(%arg8 : memref<128x128xf32, #tpu.memory_space<vmem>>) dst(%dma_wait3A_446 : memref<128x128xf32, #tpu.memory_space<hbm>>)
    %add3A_447 = arith.constant 30 : i32
    %add3A_448 = arith.addi %mul3A_2, %add3A_447 : i32
    %mul3A_449 = arith.constant 200 : i32
    %mul3A_450 = arith.muli %add3A_448, %mul3A_449 : i32
    %add3A_451 = arith.constant 128 : i32
    %add3A_452 = arith.addi %mul3A_450, %add3A_451 : i32
    %dma_wait3A_453 = arith.constant 0 : i32
    %dma_wait3A_454 = tpu.memref_slice %arg5[%add3A_452, %dma_wait3A_453] : memref<204800x128xf32, #tpu.memory_space<hbm>> -> memref<72x128xf32, #tpu.memory_space<hbm>>
    %dma_wait3A_455 = arith.constant 0 : i32
    %dma_wait3A_456 = tpu.memref_slice %arg5[%add3A_452, %dma_wait3A_455] : memref<204800x128xf32, #tpu.memory_space<hbm>> -> memref<72x128xf32, #tpu.memory_space<hbm>>
    tpu.wait_dma2 semaphore(%arg23 : memref<!tpu.dma_semaphore, #tpu.memory_space<semaphore_mem>>) src(%arg11 : memref<72x128xf32, #tpu.memory_space<vmem>>) dst(%dma_wait3A_456 : memref<72x128xf32, #tpu.memory_space<hbm>>)
    %add3A_457 = arith.constant 31 : i32
    %add3A_458 = arith.addi %mul3A_2, %add3A_457 : i32
    %mul3A_459 = arith.constant 200 : i32
    %mul3A_460 = arith.muli %add3A_458, %mul3A_459 : i32
    %dma_wait3A_461 = arith.constant 0 : i32
    %dma_wait3A_462 = tpu.memref_slice %arg5[%mul3A_460, %dma_wait3A_461] : memref<204800x128xf32, #tpu.memory_space<hbm>> -> memref<128x128xf32, #tpu.memory_space<hbm>>
    %dma_wait3A_463 = arith.constant 0 : i32
    %dma_wait3A_464 = tpu.memref_slice %arg5[%mul3A_460, %dma_wait3A_463] : memref<204800x128xf32, #tpu.memory_space<hbm>> -> memref<128x128xf32, #tpu.memory_space<hbm>>
    tpu.wait_dma2 semaphore(%arg21 : memref<!tpu.dma_semaphore, #tpu.memory_space<semaphore_mem>>) src(%arg9 : memref<128x128xf32, #tpu.memory_space<vmem>>) dst(%dma_wait3A_464 : memref<128x128xf32, #tpu.memory_space<hbm>>)
    %add3A_465 = arith.constant 31 : i32
    %add3A_466 = arith.addi %mul3A_2, %add3A_465 : i32
    %mul3A_467 = arith.constant 200 : i32
    %mul3A_468 = arith.muli %add3A_466, %mul3A_467 : i32
    %add3A_469 = arith.constant 128 : i32
    %add3A_470 = arith.addi %mul3A_468, %add3A_469 : i32
    %dma_wait3A_471 = arith.constant 0 : i32
    %dma_wait3A_472 = tpu.memref_slice %arg5[%add3A_470, %dma_wait3A_471] : memref<204800x128xf32, #tpu.memory_space<hbm>> -> memref<72x128xf32, #tpu.memory_space<hbm>>
    %dma_wait3A_473 = arith.constant 0 : i32
    %dma_wait3A_474 = tpu.memref_slice %arg5[%add3A_470, %dma_wait3A_473] : memref<204800x128xf32, #tpu.memory_space<hbm>> -> memref<72x128xf32, #tpu.memory_space<hbm>>
    tpu.wait_dma2 semaphore(%arg24 : memref<!tpu.dma_semaphore, #tpu.memory_space<semaphore_mem>>) src(%arg12 : memref<72x128xf32, #tpu.memory_space<vmem>>) dst(%dma_wait3A_474 : memref<72x128xf32, #tpu.memory_space<hbm>>)
    return
  }
}

</mosaic_0001>

<sc_bundles>
// kernel: kernel.3.cloned.1.call-start
scs
__scs_entry_jumppad:
0x0: {  	(pc) =	sbr.rel $0x88, $3  }
0x1: {  	(tag) =	ssettag $0x0;
	lr =	simm.s32 $0x1  }
0x2: {  	[smem:$0x3F9F] =	sst lr;
	_ =	strace $0xD0000000  }
0x3: {  	_ = 	snop  }
0x4: {  	_ = 	snop  }
0x5: {  	_ = 	snop  }
0x6: {  	_ = 	snop  }
0x7: {  	_ = 	snop  }
__scs_overlays_trampoline_lowered:
0x8: {  	[smem:$0x3FAE] =	sst s0  }
0x9: {  	[smem:$0x3FAF] =	sst s1  }
0xa: {  	[smem:$0x3FB0] =	sst s2  }
0xb: {  	[smem:$0x3FB1] =	sst s3  }
0xc: {  	[smem:$0x3FB2] =	sst s4  }
0xd: {  	[smem:$0x3FB3] =	sst s5  }
0xe: {  	[smem:$0x3FB4] =	sst s6  }
0xf: {  	[smem:$0x3FB5] =	sst s7  }
0x10: {  	[smem:$0x3FB6] =	sst s8  }
0x11: {  	[smem:$0x3FB7] =	sst s9;
	s0 =	simm.s32 @!p0 $0x0  }
0x12: {  	s1 =	sld [smem:$0x3F9D];
	s0 =	simm.s32 @p0 $0x1  }
0x13: {  	[smem:$0x3FB8] =	sst s0;
	s0 =	simm.s32 @!p1 $0x0  }
0x14: {  	s2 =	sld [smem:$0x3F9C];
	s0 =	simm.s32 @p1 $0x1  }
0x15: {  	[smem:$0x3FB9] =	sst s0;
	s0 =	simm.s32 @!p2 $0x0  }
0x16: {  	s3 =	sld [smem:$0x3FDB];
	s0 =	simm.s32 @p2 $0x1  }
0x17: {  	s4 =	simm.s32 $0x1BF5;
	[smem:$0x3FBB] =	sst s0  }
0x18: {  	s0 =	sld [smem:$0x3F9E];
	_ =	swait.ge [sflag:s4], $0x0  }
0x19: {  	s7 =	sld [smem:$0x3F9F]  }
0x1a: {  	s8 =	sadd.s32 $0xFFFFE003, lr  }
0x1b: {  	s9 =	sadd.s32 $0xFFFFFEF7, lr;
	s5 =	simm.s32 $0xFFFFFFFF;
	p2 =	slt.u32 s8, $0xFFFFF086  }
0x1c: {  	p1 =	slt.u32 s9, $0xF7A;
	s5 =	simm.s32 @!p2 $0x0  }
0x1d: {  	s5 =	simm.s32 @p1 $0x1;
	p0 =	seq.s32 s7, s2  }
0x1e: {  	s7 =	smul.u32 @!p0 $0xF7A, s2;
	p2 =	seq.s32 @!p0 s5, $0x0  }
0x1f: {  	s9 =	smul.u32 $0xF7A, s1;
	s8 =	simm.s32 @!p0 $0x1BF5;
	p2 =	por !p2, p0  }
0x20: {  	[sflag:s8] =	ssyncset.s32 @!p0 $0xFFFFF086;
	s6 =	sadd.s32 @!p0 s3, s7;
	s7 =	simm.s32 @!p0 $0x108  }
0x21: {  	s3 =	sadd.s32 s3, s9;
	s6 =	sadd.s32 @!p0 $0x88, s6;
	s7 =	simm.s32 @p2 $0x1082  }
0x22: {  	[simem:s7], [sflag:s8] =	dma.local @!p0 [hbm:s6], $0xF7A  }
0x23: {  	s9 =	sor.u32 $0xD0000000, s2;
	s6 =	simm.s32 $0x108;
	_ =	swait.ge @!p0 [sflag:s8], $0x0  }
0x24: {  	s3 =	sadd.s32 $0x88, s3;
	s6 =	simm.s32 @!p1 $0x1082;
	[sflag:s4] =	ssyncset.s32 $0xFFFFF086  }
0x25: {  	[simem:s6], [sflag:s4] =	dma.local [hbm:s3], $0xF7A  }
0x26: {  	[smem:$0x3F9F] =	sst s1;
	(tag) =	ssettag s2;
	_ =	strace s9  }
0x27: {  	s1 =	sld [smem:$0x3FAF]  }
0x28: {  	s2 =	sld [smem:$0x3FB0]  }
0x29: {  	s4 =	sld [smem:$0x3FB2]  }
0x2a: {  	p0 =	seq.s32 s5, $0x0;
	s5 =	sld [smem:$0x3FB3]  }
0x2b: {  	s6 =	sld [smem:$0x3FB4]  }
0x2c: {  	s7 =	sld [smem:$0x3FB5]  }
0x2d: {  	s3 =	simm.s32 $0x108;
	s8 =	sld [smem:$0x3FB6]  }
0x2e: {  	s3 =	simm.s32 @!p0 $0x1082;
	s9 =	sld [smem:$0x3FB7]  }
0x2f: {  	lr =	sadd.s32 s0, s3;
	s0 =	sld [smem:$0x3FAE]  }
0x30: {  	s3 =	sld [smem:$0x3FB1]  }
0x31: {  	[smem:$0x3FBA] =	sst s10  }
0x32: {  	s10 =	sld [smem:$0x3FB8];
	_ =	sdelay $0x3  }
0x33: {  	p0 =	seq.s32 s10, $0x1;
	s10 =	sld [smem:$0x3FBA];
	_ =	sdelay $0x3  }
0x34: {  	[smem:$0x3FBA] =	sst s10  }
0x35: {  	s10 =	sld [smem:$0x3FB9];
	_ =	sdelay $0x3  }
0x36: {  	p1 =	seq.s32 s10, $0x1;
	s10 =	sld [smem:$0x3FBA];
	_ =	sdelay $0x3  }
0x37: {  	[smem:$0x3FBA] =	sst s10  }
0x38: {  	s10 =	sld [smem:$0x3FBB]  }
0x39: {  	_ = 	snop;
	(pc) =	sbr.ind lr, $3  }
0x3a: {  	_ = 	snop  }
0x3b: {  	_ = 	snop  }
0x3c: {  	p2 =	seq.s32 s10, $0x1;
	s10 =	sld [smem:$0x3FBA]  }
0x3d: {  	_ =	shalt  }
0x3e: {  	_ =	shalt  }
0x3f: {  	_ =	shalt  }
0x40: {  	_ =	shalt  }
0x41: {  	_ =	shalt  }
0x42: {  	_ =	shalt  }
0x43: {  	_ =	shalt  }
0x44: {  	_ =	shalt  }
0x45: {  	_ =	shalt  }
0x46: {  	_ =	shalt  }
0x47: {  	_ =	shalt  }
0x48: {  	_ =	shalt  }
0x49: {  	_ =	shalt  }
0x4a: {  	_ =	shalt  }
0x4b: {  	_ =	shalt  }
0x4c: {  	_ =	shalt  }
0x4d: {  	_ =	shalt  }
0x4e: {  	_ =	shalt  }
0x4f: {  	_ =	shalt  }
0x50: {  	_ =	shalt  }
0x51: {  	_ =	shalt  }
0x52: {  	_ =	shalt  }
0x53: {  	_ =	shalt  }
0x54: {  	_ =	shalt  }
0x55: {  	_ =	shalt  }
0x56: {  	_ =	shalt  }
0x57: {  	_ =	shalt  }
0x58: {  	_ =	shalt  }
0x59: {  	_ =	shalt  }
0x5a: {  	_ =	shalt  }
0x5b: {  	_ =	shalt  }
0x5c: {  	_ =	shalt  }
0x5d: {  	_ =	shalt  }
0x5e: {  	_ =	shalt  }
0x5f: {  	_ =	shalt  }
0x60: {  	_ =	shalt  }
0x61: {  	_ =	shalt  }
0x62: {  	_ =	shalt  }
0x63: {  	_ =	shalt  }
0x64: {  	_ =	shalt  }
0x65: {  	_ =	shalt  }
0x66: {  	_ =	shalt  }
0x67: {  	_ =	shalt  }
0x68: {  	_ =	shalt  }
0x69: {  	_ =	shalt  }
0x6a: {  	_ =	shalt  }
0x6b: {  	_ =	shalt  }
0x6c: {  	_ =	shalt  }
0x6d: {  	_ =	shalt  }
0x6e: {  	_ =	shalt  }
0x6f: {  	_ =	shalt  }
0x70: {  	_ =	shalt  }
0x71: {  	_ =	shalt  }
0x72: {  	_ =	shalt  }
0x73: {  	_ =	shalt  }
0x74: {  	_ =	shalt  }
0x75: {  	_ =	shalt  }
0x76: {  	_ =	shalt  }
0x77: {  	_ =	shalt  }
0x78: {  	_ =	shalt  }
0x79: {  	_ =	shalt  }
0x7a: {  	_ =	shalt  }
0x7b: {  	_ =	shalt  }
0x7c: {  	_ =	shalt  }
0x7d: {  	_ =	shalt  }
0x7e: {  	_ =	shalt  }
0x7f: {  	_ =	shalt  }
0x80: {  	_ =	shalt  }
0x81: {  	_ =	shalt  }
0x82: {  	_ =	shalt  }
0x83: {  	_ =	shalt  }
0x84: {  	_ =	shalt  }
0x85: {  	_ =	shalt  }
0x86: {  	_ =	shalt  }
0x87: {  	_ =	shalt  }
.Lfunc_end0:
.L_simem_size_0:
called_computation_lowered:
.L_overlay_start_0:
0x88: {  	s2 =	sld [smem:$0x3FD9]  }
0x89: {  	s3 =	sld [smem:$0x3FFE];
	_ =	sdelay $0x1  }
0x8a: {  	s1 =	srdreg.scid  }
0x8b: {  	s0 =	sand.u32 $0x1, s1  }
0x8c: {  	s17 =	sshll.u32 s0, $0xA;
	s2 =	sadd.s32 s3, s2  }
0x8d: {  	s2 =	sadd.s32 s2, s17  }
0x8e: {  	[smem:$0x3FC6] =	sst s2  }
0x8f: {  	_ = 	snop  }
0x90: {  	s2 =	sld [smem:$0x3FC8]  }
0x91: {  	s18 =	sld [smem:$0x3FD0];
	(tm) =	ssettm $0x1  }
0x92: {  	s4 =	sld [smem:$0x3FFB];
	_ =	sdelay $0x3  }
0x93: {  	_ =	strace s4  }
0x94: {  	s4 =	sld [smem:$0x3FFC];
	_ =	sdelay $0x3  }
0x95: {  	_ =	strace s4  }
0x96: {  	s4 =	sld [smem:$0x3FFD];
	_ =	sdelay $0x3  }
0x97: {  	_ =	strace s4  }
0x98: {  	_ =	strace $0x8FFFFFFF  }
0x99: {  	s19 =	sld [smem:$0x3FDB];
	_ =	sdelay $0x1  }
0x9a: {  	s5 =	simm.s32 $_scs_section_size  }
0x9b: {  	s6 =	simm.s32 $_size__tile_overlayer_lowered;
	s7 =	simm.s32 $_tile_overlayer_lowered  }
0x9c: {  	s22 =	simm.s32 $0x1BFF;
	s21 =	sshll.u32 s7, $0x1;
	s4 =	sadd.s32 s5, s19  }
0x9d: {  	s8 =	simm.s32 $0x0;
	s20 =	sshll.u32 s6, $0x1;
	s6 =	sadd.s32 s21, s4  }
0x9e: {  	[timem:s8], [sflag:s22] =	dma.local [hbm:s6], s20  }
0x9f: {  	_ =	swait.ge [sflag:s22], s20  }
0xa0: {  	s5 =	ssub.s32 $0x0, s20;
	[sflag:s22] =	ssyncset.done $0x0  }
0xa1: {  	[sflag:s22] =	ssyncadd.s32 s5;
	_ =	sdelay $0x1  }
0xa2: {  	s23 =	simm.s32 $0x1B8B  }
0xa3: {  	_ =	swait.ge [sflag:s23], $0x1  }
0xa4: {  	[sflag:s23] =	ssyncset.done $0x0  }
0xa5: {  	s25 =	simm.s32 $0x1B8E;
	s24 =	sld [smem:$0x3FFE];
	[sflag:s23] =	ssyncadd.s32 $0xFFFFFFFF  }
0xa6: {  	s26 =	simm.s32 $execute0_lowered;
	[smem:$0x3FD2] =	sst s25  }
0xa7: {  	s6 =	sshll.u32 s26, $0x1;
	_ =	strace $0x80000046;
	[dreg:$0x1] =	wrdreg $0xFFFFFFFF  }
0xa8: {  	s28 =	simm.s32 $_size_execute0_lowered;
	s4 =	sadd.s32 s4, s6;
	[dreg:$0x0] =	wrdreg $0x0  }
0xa9: {  	s6 =	sshll.u32 s28, $0x1;
	[dreg:$0x2] =	wrdreg s4  }
0xaa: {  	[dreg:$0x3] =	wrdreg s6  }
0xab: {  	[dreg:$0x4] =	wrdreg $0xC0  }
0xac: {  	_ =	task [dreg:s8], $0x5FFFF  }
0xad: {  	[dreg:$0x1] =	wrdreg $0xFFFFFFFF  }
0xae: {  	[dreg:$0x0] =	wrdreg $0x60  }
0xaf: {  	[dreg:$0x2] =	wrdreg s2  }
0xb0: {  	[dreg:$0x3] =	wrdreg s24  }
0xb1: {  	[dreg:$0x4] =	wrdreg s18  }
0xb2: {  	[dreg:$0x5] =	wrdreg $0x9  }
0xb3: {  	_ =	task.clear_ibuf [dreg:s8], $0x6FFFF;
	_ =	strace $0x90000046  }
0xb4: {  	s29 =	simm.s32 $0x9;
	_ =	strace $0x80000048  }
0xb5: {  	_ =	swait.ge [sflag:s29], $0x1  }
0xb6: {  	[sflag:s29] =	ssyncadd.s32 $0xFFFFFFFF  }
0xb7: {  	_ =	strace $0x90000048  }
0xb8: {  	_ =	sfence  }
0xb9: {  	s30 =	sld [smem:$0x0];
	_ =	sdelay $0x2  }
0xba: {  	s31 =	sshll.u32 s1, $0xD;
	s1 =	sshrl.u32 s1, $0x2  }
0xbb: {  	s3 =	sand.u32 $0x4000, s31;
	s1 =	sadd.s32 s1, s30  }
0xbc: {  	s0 =	sor.u32 s3, s0;
	s1 =	sshll.u32 s1, $0x11  }
0xbd: {  	s0 =	sor.u32 s1, s0  }
0xbe: {  	s0 =	sadd.s32 $0x8F2B, s0  }
0xbf: {  	[sflag:s0] =	ssyncadd.remote.s32 $0x1  }
0xc0: {  	_ =	sfence.sel $0xFFFF  }
0xc1: {  	[dreg:$0x0] =	wrdreg $0xFFFFFFFF;
	(pc) =	sbr.abs _section_cstart, $3  }
0xc2: {  	[dreg:$0x1] =	wrdreg $0xFFFFFFFF  }
0xc3: {  	_ =	task.clear_ibuf [dreg:s8], $0x2FFFF;
	_ =	strace $0x9FFFFFFF  }
0xc4: {  	(tm) =	ssettm $0x7FFFFFFF  }
0xc5: {  	_ =	shalt  }
tec
execute0_lowered:
.L_overlay_start_1:
0x0: {  	(tag) =	ssettag $0x1  }
0x1: {  	s1 =	rddreg [dreg:$0x0]  }
0x2: {  	s0 =	rddreg [dreg:$0x1]  }
0x3: {  	s3 =	rddreg [dreg:$0x2]  }
0x4: {  	s2 =	srdreg.scid;
	s5 =	stileid.u32  }
0x5: {  	s4 =	simm.s32 $0x0;
	s28 =	simm.s32 $0xC400;
	s29 =	simm.s32 $0x1  }
0x6: {  	s31 =	simm.s32 $0x16800;
	s30 =	simm.s32 $0x5;
	s10 =	simm.s32 $0x6  }
0x7: {  	s11 =	simm.s32 $0x8;
	s12 =	simm.s32 $0xB;
	s13 =	simm.s32 $0x9  }
0x8: {  	s14 =	simm.s32 $0xC;
	s2 =	sand.u32 $0x1, s2;
	s5 =	sshll.u32 s5, $0x1  }
0x9: {  	s15 =	simm.s32 $0x0;
	[smem:$0x7FF] =	sst s4;
	s5 =	sor.u32 s2, s5  }
0xa: {  	_ =	strace $0x80000047;
	s2 =	ssub.s32 $0x2, s2;
	s6 =	sshll.u32 s5, $0xA  }
0xb: {  	s9 =	smul.u32 $0x19000, s5;
	s7 =	sadd.s32 s6, s0;
	s0 =	sadd.s32 $0x8400, s0  }
0xc: {  	s8 =	smul.u32 $0xC8000, s5;
	[dreg:$0x4] =	wrdreg s0;
	s18 =	sadd.s32 $0x400, s7  }
0xd: {  	s16 =	sshrl.u32 s2, $0x1;
	s19 =	sadd.s32 s3, s9;
	[dreg:$0x5] =	wrdreg s18  }
0xe: {  	s6 =	sshll.u32 s5, $0x5;
	s20 =	sadd.s32 $0x800, s19;
	[dreg:$0x6] =	wrdreg s19  }
0xf: {  	s0 =	ssub.s32 s2, s16;
	s21 =	sadd.s32 $0xC80, s19;
	[dreg:$0x7] =	wrdreg s20  }
0x10: {  	s17 =	sshrl.u32 s8, $0x3;
	s23 =	sadd.s32 $0x16A80, s19;
	[dreg:$0x8] =	wrdreg s21  }
0x11: {  	s7 =	simm.s32 $0x3;
	s25 =	sadd.s32 $0x17700, s19;
	[dreg:$0xa] =	wrdreg s23  }
0x12: {  	s9 =	simm.s32 $0xA;
	s5 =	sadd.s32 $0x18380, s19;
	[dreg:$0xc] =	wrdreg s25  }
0x13: {  	s2 =	sadd.s32 s3, s17;
	s0 =	smax.u32 s0, $0x1;
	[dreg:$0xe] =	wrdreg s5  }
0x14: {  	s22 =	sadd.s32 $0x1480, s2;
	s24 =	sadd.s32 $0x17280, s2;
	[dreg:$0x10] =	wrdreg s0  }
0x15: {  	s26 =	sadd.s32 $0x17F00, s2;
	s2 =	sadd.s32 $0x18B80, s2;
	[dreg:$0x9] =	wrdreg s22  }
0x16: {  	s21 =	simm.s32 $0x80;
	s23 =	simm.s32 $0x48;
	[dreg:$0xb] =	wrdreg s24  }
0x17: {  	s25 =	simm.s32 $0x14400;
	s0 =	simm.s32 $0x4;
	[dreg:$0xd] =	wrdreg s26  }
0x18: {  	s20 =	simm.s32 $0x10400;
	s5 =	simm.s32 $0x7;
	[dreg:$0xf] =	wrdreg s2  }
0x19: {  	s22 =	simm.s32 $0x8400;
	s24 =	simm.s32 $0x2;
	s2 =	simm.s32 $0x18C00  }
.LBB2_1:
0x1a: {  	[dreg:$0x11] =	wrdreg s15  }
0x1b: {  	s8 =	rddreg [dreg:$0x5];
	s16 =	simm.s32 $0xE  }
0x1c: {  	[tilespmem:s4], [sflag:$0xE] =	stream.linear.gather [hbm4b:s8+s4], $0x2000, $0x38;
	[tilespmem:$0x1B000] =	vst v63  }
0x1d: {  	_ =	swait.ge [sflag:s16], $0x2000  }
0x1e: {  	[sflag:s16] =	ssyncset.done $0x0  }
0x1f: {  	s18 =	simm.s32 $0x2000;
	s17 =	rddreg [dreg:$0x4];
	[sflag:s16] =	ssyncadd.s32 $0xFFFFE000  }
0x20: {  	[tilespmem:s18], [sflag:$0xD] =	stream.linear.gather [hbm4b:s17+s4], $0x6400, $0x38;
	[tilespmem:$0x1B000] =	vst v63  }
0x21: {  	_ = 	snop  }
0x22: {  	[tilespmem:s22], [sflag:$0x1] =	stream.indirect.gather [hbm4b:s1+s21], $0x80, s4, s21, $0xb8;
	[tilespmem:$0x1B000] =	vst v63  }
0x23: {  	s19 =	simm.s32 $0x400;
	s26 =	simm.s32 $0xD  }
0x24: {  	[tilespmem:s25], [sflag:$0x4] =	stream.indirect.gather [hbm4b:s1+s23], $0x80, s19, s23, $0xb8;
	[tilespmem:$0x1B000] =	vst v63  }
0x25: {  	_ =	swait.ge [sflag:s26], $0x6400  }
0x26: {  	[sflag:s26] =	ssyncset.done $0x0  }
0x27: {  	[sflag:s26] =	ssyncadd.s32 $0xFFFF9C00  }
0x28: {  	[tilespmem:s28], [sflag:$0x2] =	stream.indirect.gather [hbm4b:s1+s21], $0x80, s21, s21, $0xb8;
	[tilespmem:$0x1B000] =	vst v63  }
0x29: {  	_ =	swait.ge [sflag:s29], $0x4000  }
0x2a: {  	[sflag:s29] =	ssyncset.done $0x0  }
0x2b: {  	s8 =	simm.s32 $0x0;
	s16 =	simm.s32 $0x200;
	[sflag:s29] =	ssyncadd.s32 $0xFFFFC000  }
.LBB2_2:
0x2c: {  	p0 =	sne.s32 s16, $0xFE00;
	v0 =	vld [tilespmem:s8+$0x2070]  }
0x2d: {  	v1 =	vld [tilespmem:s8+$0x2000]  }
0x2e: {  	v2 =	vld [tilespmem:s8+$0x2010]  }
0x2f: {  	v3 =	vld [tilespmem:s8+$0x2020]  }
0x30: {  	v4 =	vld [tilespmem:s8+$0x2030]  }
0x31: {  	[tilespmem:s8+$0x8470] =	vst.add.f32.msk $0xffff, v0  }
0x32: {  	v0 =	vld [tilespmem:s8+$0x2040]  }
0x33: {  	v5 =	vld [tilespmem:s8+$0x2050]  }
0x34: {  	v6 =	vld [tilespmem:s8+$0x2060]  }
0x35: {  	[tilespmem:s8+$0x8400] =	vst.add.f32.msk $0xffff, v1  }
0x36: {  	[tilespmem:s8+$0x8410] =	vst.add.f32.msk $0xffff, v2  }
.Ltmp0:
0x37: {  	[tilespmem:s8+$0x8420] =	vst.add.f32.msk $0xffff, v3;
	(pc) =	sbr.rel @p0 .LBB2_2-.Ltmp0, $4  }
0x38: {  	[tilespmem:s8+$0x8430] =	vst.add.f32.msk $0xffff, v4  }
0x39: {  	[tilespmem:s8+$0x8440] =	vst.add.f32.msk $0xffff, v0  }
0x3a: {  	[tilespmem:s8+$0x8450] =	vst.add.f32.msk $0xffff, v5  }
0x3b: {  	[tilespmem:s8+$0x8460] =	vst.add.f32.msk $0xffff, v6;
	s8 =	sshra.s32 s16, $0x2;
	s16 =	sadd.s32 $0x200, s16  }
0x3c: {  	v0 =	vld [tilespmem:s8+$0x2070]  }
0x3d: {  	v1 =	vld [tilespmem:s8+$0x2000]  }
0x3e: {  	v2 =	vld [tilespmem:s8+$0x2010]  }
0x3f: {  	v3 =	vld [tilespmem:s8+$0x2020]  }
0x40: {  	v4 =	vld [tilespmem:s8+$0x2030]  }
0x41: {  	v63 =	vld [tilespmem:s8+$0x2040]  }
0x42: {  	v5 =	vld [tilespmem:s8+$0x2050]  }
0x43: {  	v6 =	vld [tilespmem:s8+$0x2060]  }
0x44: {  	[tilespmem:s8+$0x8470] =	vst.add.f32.msk $0xffff, v0  }
0x45: {  	[tilespmem:s8+$0x8400] =	vst.add.f32.msk $0xffff, v1  }
0x46: {  	[tilespmem:s8+$0x8410] =	vst.add.f32.msk $0xffff, v2  }
0x47: {  	[tilespmem:s8+$0x8420] =	vst.add.f32.msk $0xffff, v3  }
0x48: {  	[tilespmem:s8+$0x8430] =	vst.add.f32.msk $0xffff, v4  }
0x49: {  	[tilespmem:s8+$0x8440] =	vst.add.f32.msk $0xffff, v63  }
0x4a: {  	[tilespmem:s8+$0x8450] =	vst.add.f32.msk $0xffff, v5  }
0x4b: {  	s19 =	simm.s32 $0x0;
	s15 =	rddreg [dreg:$0x6];
	[tilespmem:s8+$0x8460] =	vst.add.f32.msk $0xffff, v6  }
0x4c: {  	[hbm4b:s15+s19] =	stream.linear.scatter [tilespmem:s22], [sflag:$0x7], $0x4000, $0x38;
	[tilespmem:$0x1B000] =	vst v63  }
0x4d: {  	s26 =	simm.s32 $0x480  }
0x4e: {  	[tilespmem:s31], [sflag:$0x5] =	stream.indirect.gather [hbm4b:s1+s23], $0x80, s26, s23, $0xb8;
	[tilespmem:$0x1B000] =	vst v63  }
0x4f: {  	_ =	swait.ge [sflag:s0], $0x2400  }
0x50: {  	[sflag:s0] =	ssyncset.done $0x0  }
0x51: {  	s16 =	simm.s32 $0x200;
	s8 =	simm.s32 $0x0;
	[sflag:s0] =	ssyncadd.s32 $0xFFFFDC00  }
.LBB2_4:
0x52: {  	p0 =	sne.s32 s16, $0x8E00;
	v0 =	vld [tilespmem:s8+$0x6070]  }
0x53: {  	v1 =	vld [tilespmem:s8+$0x6000]  }
0x54: {  	v2 =	vld [tilespmem:s8+$0x6010]  }
0x55: {  	v3 =	vld [tilespmem:s8+$0x6020]  }
0x56: {  	v4 =	vld [tilespmem:s8+$0x6030]  }
0x57: {  	[tilespmem:s8+$0x14470] =	vst.add.f32.msk $0xffff, v0  }
0x58: {  	v0 =	vld [tilespmem:s8+$0x6040]  }
0x59: {  	v5 =	vld [tilespmem:s8+$0x6050]  }
0x5a: {  	v6 =	vld [tilespmem:s8+$0x6060]  }
0x5b: {  	[tilespmem:s8+$0x14400] =	vst.add.f32.msk $0xffff, v1  }
0x5c: {  	[tilespmem:s8+$0x14410] =	vst.add.f32.msk $0xffff, v2  }
.Ltmp1:
0x5d: {  	[tilespmem:s8+$0x14420] =	vst.add.f32.msk $0xffff, v3;
	(pc) =	sbr.rel @p0 .LBB2_4-.Ltmp1, $4  }
0x5e: {  	[tilespmem:s8+$0x14430] =	vst.add.f32.msk $0xffff, v4  }
0x5f: {  	[tilespmem:s8+$0x14440] =	vst.add.f32.msk $0xffff, v0  }
0x60: {  	[tilespmem:s8+$0x14450] =	vst.add.f32.msk $0xffff, v5  }
0x61: {  	[tilespmem:s8+$0x14460] =	vst.add.f32.msk $0xffff, v6;
	s8 =	sshra.s32 s16, $0x2;
	s16 =	sadd.s32 $0x200, s16  }
0x62: {  	v0 =	vld [tilespmem:s8+$0x6070]  }
0x63: {  	v1 =	vld [tilespmem:s8+$0x6000]  }
0x64: {  	v2 =	vld [tilespmem:s8+$0x6010]  }
0x65: {  	v3 =	vld [tilespmem:s8+$0x6020]  }
0x66: {  	v4 =	vld [tilespmem:s8+$0x6030]  }
0x67: {  	v63 =	vld [tilespmem:s8+$0x6040]  }
0x68: {  	v5 =	vld [tilespmem:s8+$0x6050]  }
0x69: {  	v6 =	vld [tilespmem:s8+$0x6060]  }
0x6a: {  	[tilespmem:s8+$0x14470] =	vst.add.f32.msk $0xffff, v0  }
0x6b: {  	[tilespmem:s8+$0x14400] =	vst.add.f32.msk $0xffff, v1  }
0x6c: {  	[tilespmem:s8+$0x14410] =	vst.add.f32.msk $0xffff, v2  }
0x6d: {  	[tilespmem:s8+$0x14420] =	vst.add.f32.msk $0xffff, v3  }
0x6e: {  	[tilespmem:s8+$0x14430] =	vst.add.f32.msk $0xffff, v4  }
0x6f: {  	[tilespmem:s8+$0x14440] =	vst.add.f32.msk $0xffff, v63  }
0x70: {  	[tilespmem:s8+$0x14450] =	vst.add.f32.msk $0xffff, v5  }
0x71: {  	s19 =	simm.s32 $0x0;
	s15 =	rddreg [dreg:$0x7];
	[tilespmem:s8+$0x14460] =	vst.add.f32.msk $0xffff, v6  }
0x72: {  	[hbm4b:s15+s19] =	stream.linear.scatter [tilespmem:s25], [sflag:$0xA], $0x2400, $0x38;
	[tilespmem:$0x1B000] =	vst v63  }
0x73: {  	s26 =	simm.s32 $0x100  }
0x74: {  	[tilespmem:s20], [sflag:$0x3] =	stream.indirect.gather [hbm4b:s1+s21], $0x80, s26, s21, $0xb8;
	[tilespmem:$0x1B000] =	vst v63  }
0x75: {  	_ =	swait.ge [sflag:s24], $0x4000  }
0x76: {  	[sflag:s24] =	ssyncset.done $0x0  }
0x77: {  	s16 =	simm.s32 $0x200;
	s8 =	simm.s32 $0x0;
	[sflag:s24] =	ssyncadd.s32 $0xFFFFC000  }
.LBB2_6:
0x78: {  	p0 =	sne.s32 s16, $0xFE00;
	v0 =	vld [tilespmem:s8+$0x2070]  }
0x79: {  	v1 =	vld [tilespmem:s8+$0x2000]  }
0x7a: {  	v2 =	vld [tilespmem:s8+$0x2010]  }
0x7b: {  	v3 =	vld [tilespmem:s8+$0x2020]  }
0x7c: {  	v4 =	vld [tilespmem:s8+$0x2030]  }
0x7d: {  	[tilespmem:s8+$0xC470] =	vst.add.f32.msk $0xffff, v0  }
0x7e: {  	v0 =	vld [tilespmem:s8+$0x2040]  }
0x7f: {  	v5 =	vld [tilespmem:s8+$0x2050]  }
0x80: {  	v6 =	vld [tilespmem:s8+$0x2060]  }
0x81: {  	[tilespmem:s8+$0xC400] =	vst.add.f32.msk $0xffff, v1  }
0x82: {  	[tilespmem:s8+$0xC410] =	vst.add.f32.msk $0xffff, v2  }
.Ltmp2:
0x83: {  	[tilespmem:s8+$0xC420] =	vst.add.f32.msk $0xffff, v3;
	(pc) =	sbr.rel @p0 .LBB2_6-.Ltmp2, $4  }
0x84: {  	[tilespmem:s8+$0xC430] =	vst.add.f32.msk $0xffff, v4  }
0x85: {  	[tilespmem:s8+$0xC440] =	vst.add.f32.msk $0xffff, v0  }
0x86: {  	[tilespmem:s8+$0xC450] =	vst.add.f32.msk $0xffff, v5  }
0x87: {  	[tilespmem:s8+$0xC460] =	vst.add.f32.msk $0xffff, v6;
	s8 =	sshra.s32 s16, $0x2;
	s16 =	sadd.s32 $0x200, s16  }
0x88: {  	v0 =	vld [tilespmem:s8+$0x2070]  }
0x89: {  	v1 =	vld [tilespmem:s8+$0x2000]  }
0x8a: {  	v2 =	vld [tilespmem:s8+$0x2010]  }
0x8b: {  	v3 =	vld [tilespmem:s8+$0x2020]  }
0x8c: {  	v4 =	vld [tilespmem:s8+$0x2030]  }
0x8d: {  	v63 =	vld [tilespmem:s8+$0x2040]  }
0x8e: {  	v5 =	vld [tilespmem:s8+$0x2050]  }
0x8f: {  	v6 =	vld [tilespmem:s8+$0x2060]  }
0x90: {  	[tilespmem:s8+$0xC470] =	vst.add.f32.msk $0xffff, v0  }
0x91: {  	[tilespmem:s8+$0xC400] =	vst.add.f32.msk $0xffff, v1  }
0x92: {  	[tilespmem:s8+$0xC410] =	vst.add.f32.msk $0xffff, v2  }
0x93: {  	[tilespmem:s8+$0xC420] =	vst.add.f32.msk $0xffff, v3  }
0x94: {  	[tilespmem:s8+$0xC430] =	vst.add.f32.msk $0xffff, v4  }
0x95: {  	[tilespmem:s8+$0xC440] =	vst.add.f32.msk $0xffff, v63  }
0x96: {  	[tilespmem:s8+$0xC450] =	vst.add.f32.msk $0xffff, v5  }
0x97: {  	s19 =	simm.s32 $0x0;
	s15 =	rddreg [dreg:$0x8];
	[tilespmem:s8+$0xC460] =	vst.add.f32.msk $0xffff, v6  }
0x98: {  	[hbm4b:s15+s19] =	stream.linear.scatter [tilespmem:s28], [sflag:$0x8], $0x4000, $0x38;
	[tilespmem:$0x1B000] =	vst v63  }
0x99: {  	s26 =	simm.s32 $0x500  }
0x9a: {  	[tilespmem:s2], [sflag:$0x6] =	stream.indirect.gather [hbm4b:s1+s23], $0x80, s26, s23, $0xb8;
	[tilespmem:$0x1B000] =	vst v63  }
0x9b: {  	_ =	swait.ge [sflag:s30], $0x2400  }
0x9c: {  	[sflag:s30] =	ssyncset.done $0x0  }
0x9d: {  	s16 =	simm.s32 $0x200;
	s8 =	simm.s32 $0x0;
	[sflag:s30] =	ssyncadd.s32 $0xFFFFDC00  }
.LBB2_8:
0x9e: {  	p0 =	sne.s32 s16, $0x8E00;
	v0 =	vld [tilespmem:s8+$0x6070]  }
0x9f: {  	v1 =	vld [tilespmem:s8+$0x6000]  }
0xa0: {  	v2 =	vld [tilespmem:s8+$0x6010]  }
0xa1: {  	v3 =	vld [tilespmem:s8+$0x6020]  }
0xa2: {  	v4 =	vld [tilespmem:s8+$0x6030]  }
0xa3: {  	[tilespmem:s8+$0x16870] =	vst.add.f32.msk $0xffff, v0  }
0xa4: {  	v0 =	vld [tilespmem:s8+$0x6040]  }
0xa5: {  	v5 =	vld [tilespmem:s8+$0x6050]  }
0xa6: {  	v6 =	vld [tilespmem:s8+$0x6060]  }
0xa7: {  	[tilespmem:s8+$0x16800] =	vst.add.f32.msk $0xffff, v1  }
0xa8: {  	[tilespmem:s8+$0x16810] =	vst.add.f32.msk $0xffff, v2  }
.Ltmp3:
0xa9: {  	[tilespmem:s8+$0x16820] =	vst.add.f32.msk $0xffff, v3;
	(pc) =	sbr.rel @p0 .LBB2_8-.Ltmp3, $4  }
0xaa: {  	[tilespmem:s8+$0x16830] =	vst.add.f32.msk $0xffff, v4  }
0xab: {  	[tilespmem:s8+$0x16840] =	vst.add.f32.msk $0xffff, v0  }
0xac: {  	[tilespmem:s8+$0x16850] =	vst.add.f32.msk $0xffff, v5  }
0xad: {  	[tilespmem:s8+$0x16860] =	vst.add.f32.msk $0xffff, v6;
	s8 =	sshra.s32 s16, $0x2;
	s16 =	sadd.s32 $0x200, s16  }
0xae: {  	v0 =	vld [tilespmem:s8+$0x6070]  }
0xaf: {  	v1 =	vld [tilespmem:s8+$0x6000]  }
0xb0: {  	v2 =	vld [tilespmem:s8+$0x6010]  }
0xb1: {  	v3 =	vld [tilespmem:s8+$0x6020]  }
0xb2: {  	v4 =	vld [tilespmem:s8+$0x6030]  }
0xb3: {  	v63 =	vld [tilespmem:s8+$0x6040]  }
0xb4: {  	v5 =	vld [tilespmem:s8+$0x6050]  }
0xb5: {  	v6 =	vld [tilespmem:s8+$0x6060]  }
0xb6: {  	[tilespmem:s8+$0x16870] =	vst.add.f32.msk $0xffff, v0  }
0xb7: {  	[tilespmem:s8+$0x16800] =	vst.add.f32.msk $0xffff, v1  }
0xb8: {  	[tilespmem:s8+$0x16810] =	vst.add.f32.msk $0xffff, v2  }
0xb9: {  	[tilespmem:s8+$0x16820] =	vst.add.f32.msk $0xffff, v3  }
0xba: {  	[tilespmem:s8+$0x16830] =	vst.add.f32.msk $0xffff, v4  }
0xbb: {  	[tilespmem:s8+$0x16840] =	vst.add.f32.msk $0xffff, v63  }
0xbc: {  	[tilespmem:s8+$0x16850] =	vst.add.f32.msk $0xffff, v5  }
0xbd: {  	s16 =	simm.s32 $0x0;
	s26 =	rddreg [dreg:$0x9];
	[tilespmem:s8+$0x16860] =	vst.add.f32.msk $0xffff, v6  }
0xbe: {  	[hbm4b:s26+s16] =	stream.linear.scatter [tilespmem:s31], [sflag:$0xB], $0x2400, $0x38;
	[tilespmem:$0x1B000] =	vst v63  }
.LBB2_10:
0xbf: {  	s17 =	smul.u32 $0x6, s16;
	_ =	sdelay $0x1  }
0xc0: {  	s18 =	sadd.s32 $0x6, s17  }
0xc1: {  	_ =	swait.ge [sflag:s5], $0x4000;
	s8 =	sshll.u32 s18, $0x7;
	s15 =	sshll.u32 s18, $0x6  }
0xc2: {  	[sflag:s5] =	ssyncset.done $0x0;
	s8 =	sand.u32 $0x7800, s8;
	s15 =	sand.u32 $0x380, s15  }
0xc3: {  	[sflag:s5] =	ssyncadd.s32 $0xFFFFC000;
	s8 =	sor.u32 s15, s8  }
0xc4: {  	[tilespmem:s22], [sflag:$0x1] =	stream.indirect.gather [hbm4b:s1+s21], $0x80, s8, s21, $0xb8;
	[tilespmem:$0x1B000] =	vst v63  }
0xc5: {  	_ =	swait.ge [sflag:s7], $0x4000  }
0xc6: {  	[sflag:s7] =	ssyncset.done $0x0  }
0xc7: {  	s26 =	simm.s32 $0x0;
	s19 =	simm.s32 $0x200;
	[sflag:s7] =	ssyncadd.s32 $0xFFFFC000  }
.LBB2_11:
0xc8: {  	p0 =	sne.s32 s19, $0xFE00;
	v0 =	vld [tilespmem:s26+$0x2070]  }
0xc9: {  	v1 =	vld [tilespmem:s26+$0x2000]  }
0xca: {  	v2 =	vld [tilespmem:s26+$0x2010]  }
0xcb: {  	v3 =	vld [tilespmem:s26+$0x2020]  }
0xcc: {  	v4 =	vld [tilespmem:s26+$0x2030]  }
0xcd: {  	[tilespmem:s26+$0x10470] =	vst.add.f32.msk $0xffff, v0  }
0xce: {  	v0 =	vld [tilespmem:s26+$0x2040]  }
0xcf: {  	v5 =	vld [tilespmem:s26+$0x2050]  }
0xd0: {  	v6 =	vld [tilespmem:s26+$0x2060]  }
0xd1: {  	[tilespmem:s26+$0x10400] =	vst.add.f32.msk $0xffff, v1  }
0xd2: {  	[tilespmem:s26+$0x10410] =	vst.add.f32.msk $0xffff, v2  }
.Ltmp4:
0xd3: {  	[tilespmem:s26+$0x10420] =	vst.add.f32.msk $0xffff, v3;
	(pc) =	sbr.rel @p0 .LBB2_11-.Ltmp4, $4  }
0xd4: {  	[tilespmem:s26+$0x10430] =	vst.add.f32.msk $0xffff, v4  }
0xd5: {  	[tilespmem:s26+$0x10440] =	vst.add.f32.msk $0xffff, v0  }
0xd6: {  	[tilespmem:s26+$0x10450] =	vst.add.f32.msk $0xffff, v5  }
0xd7: {  	[tilespmem:s26+$0x10460] =	vst.add.f32.msk $0xffff, v6;
	s26 =	sshra.s32 s19, $0x2;
	s19 =	sadd.s32 $0x200, s19  }
0xd8: {  	v0 =	vld [tilespmem:s26+$0x2070]  }
0xd9: {  	v1 =	vld [tilespmem:s26+$0x2000]  }
0xda: {  	v2 =	vld [tilespmem:s26+$0x2010]  }
0xdb: {  	v3 =	vld [tilespmem:s26+$0x2020]  }
0xdc: {  	v4 =	vld [tilespmem:s26+$0x2030]  }
0xdd: {  	v63 =	vld [tilespmem:s26+$0x2040]  }
0xde: {  	v5 =	vld [tilespmem:s26+$0x2050]  }
0xdf: {  	v6 =	vld [tilespmem:s26+$0x2060]  }
0xe0: {  	[tilespmem:s26+$0x10470] =	vst.add.f32.msk $0xffff, v0  }
0xe1: {  	[tilespmem:s26+$0x10400] =	vst.add.f32.msk $0xffff, v1  }
0xe2: {  	s15 =	sshrl.u32 s17, $0x1;
	[tilespmem:s26+$0x10410] =	vst.add.f32.msk $0xffff, v2  }
0xe3: {  	s15 =	sadd.s32 s6, s15;
	[tilespmem:s26+$0x10420] =	vst.add.f32.msk $0xffff, v3  }
0xe4: {  	s19 =	sadd.s32 $0x2, s15;
	[tilespmem:s26+$0x10430] =	vst.add.f32.msk $0xffff, v4  }
0xe5: {  	s15 =	smul.u32 $0xC80, s19;
	[tilespmem:s26+$0x10440] =	vst.add.f32.msk $0xffff, v63  }
0xe6: {  	[tilespmem:s26+$0x10450] =	vst.add.f32.msk $0xffff, v5  }
0xe7: {  	[tilespmem:s26+$0x10460] =	vst.add.f32.msk $0xffff, v6;
	s15 =	sadd.s32 s3, s15;
	s26 =	simm.s32 $0x0  }
0xe8: {  	[hbm4b:s15+s26] =	stream.linear.scatter [tilespmem:s20], [sflag:$0x9], $0x4000, $0x38;
	[tilespmem:$0x1B000] =	vst v63  }
0xe9: {  	_ =	swait.ge [sflag:s9], $0x2400  }
0xea: {  	[sflag:s9] =	ssyncset.done $0x0  }
0xeb: {  	s8 =	sadd.s32 $0x400, s8;
	[sflag:s9] =	ssyncadd.s32 $0xFFFFDC00  }
0xec: {  	[tilespmem:s25], [sflag:$0x4] =	stream.indirect.gather [hbm4b:s1+s23], $0x80, s8, s23, $0xb8;
	[tilespmem:$0x1B000] =	vst v63  }
0xed: {  	_ =	swait.ge [sflag:s10], $0x2400  }
0xee: {  	[sflag:s10] =	ssyncset.done $0x0  }
0xef: {  	s26 =	simm.s32 $0x200;
	s8 =	simm.s32 $0x0;
	[sflag:s10] =	ssyncadd.s32 $0xFFFFDC00  }
.LBB2_13:
0xf0: {  	p0 =	sne.s32 s26, $0x8E00;
	v0 =	vld [tilespmem:s8+$0x6070]  }
0xf1: {  	v1 =	vld [tilespmem:s8+$0x6000]  }
0xf2: {  	v2 =	vld [tilespmem:s8+$0x6010]  }
0xf3: {  	v3 =	vld [tilespmem:s8+$0x6020]  }
0xf4: {  	v4 =	vld [tilespmem:s8+$0x6030]  }
0xf5: {  	[tilespmem:s8+$0x18C70] =	vst.add.f32.msk $0xffff, v0  }
0xf6: {  	v0 =	vld [tilespmem:s8+$0x6040]  }
0xf7: {  	v5 =	vld [tilespmem:s8+$0x6050]  }
0xf8: {  	v6 =	vld [tilespmem:s8+$0x6060]  }
0xf9: {  	[tilespmem:s8+$0x18C00] =	vst.add.f32.msk $0xffff, v1  }
0xfa: {  	[tilespmem:s8+$0x18C10] =	vst.add.f32.msk $0xffff, v2  }
.Ltmp5:
0xfb: {  	[tilespmem:s8+$0x18C20] =	vst.add.f32.msk $0xffff, v3;
	(pc) =	sbr.rel @p0 .LBB2_13-.Ltmp5, $4  }
0xfc: {  	[tilespmem:s8+$0x18C30] =	vst.add.f32.msk $0xffff, v4  }
0xfd: {  	[tilespmem:s8+$0x18C40] =	vst.add.f32.msk $0xffff, v0  }
0xfe: {  	[tilespmem:s8+$0x18C50] =	vst.add.f32.msk $0xffff, v5  }
0xff: {  	[tilespmem:s8+$0x18C60] =	vst.add.f32.msk $0xffff, v6;
	s8 =	sshra.s32 s26, $0x2;
	s26 =	sadd.s32 $0x200, s26  }
0x100: {  	v0 =	vld [tilespmem:s8+$0x6070]  }
0x101: {  	v1 =	vld [tilespmem:s8+$0x6000]  }
0x102: {  	v2 =	vld [tilespmem:s8+$0x6010]  }
0x103: {  	v3 =	vld [tilespmem:s8+$0x6020]  }
0x104: {  	v4 =	vld [tilespmem:s8+$0x6030]  }
0x105: {  	v63 =	vld [tilespmem:s8+$0x6040]  }
0x106: {  	v5 =	vld [tilespmem:s8+$0x6050]  }
0x107: {  	v6 =	vld [tilespmem:s8+$0x6060]  }
0x108: {  	[tilespmem:s8+$0x18C70] =	vst.add.f32.msk $0xffff, v0  }
0x109: {  	[tilespmem:s8+$0x18C00] =	vst.add.f32.msk $0xffff, v1  }
0x10a: {  	[tilespmem:s8+$0x18C10] =	vst.add.f32.msk $0xffff, v2  }
0x10b: {  	s15 =	smul.u32 $0x6400, s19;
	[tilespmem:s8+$0x18C20] =	vst.add.f32.msk $0xffff, v3  }
0x10c: {  	[tilespmem:s8+$0x18C30] =	vst.add.f32.msk $0xffff, v4  }
0x10d: {  	s15 =	sshrl.u32 s15, $0x3;
	[tilespmem:s8+$0x18C40] =	vst.add.f32.msk $0xffff, v63  }
0x10e: {  	s15 =	sadd.s32 s3, s15;
	[tilespmem:s8+$0x18C50] =	vst.add.f32.msk $0xffff, v5  }
0x10f: {  	s26 =	simm.s32 $0x0;
	s19 =	sadd.s32 $0x800, s15;
	[tilespmem:s8+$0x18C60] =	vst.add.f32.msk $0xffff, v6;
	s8 =	sadd.s32 $0x8, s17  }
0x110: {  	[hbm4b:s19+s26] =	stream.linear.scatter [tilespmem:s2], [sflag:$0xC], $0x2400, $0x38;
	[tilespmem:$0x1B000] =	vst v63  }
0x111: {  	s19 =	sshll.u32 s8, $0x7;
	s26 =	sshll.u32 s8, $0x6;
	_ =	swait.ge [sflag:s11], $0x4000  }
0x112: {  	s15 =	sand.u32 $0x7800, s19;
	s19 =	sand.u32 $0x380, s26;
	[sflag:s11] =	ssyncset.done $0x0  }
0x113: {  	s19 =	sor.u32 s19, s15;
	[sflag:s11] =	ssyncadd.s32 $0xFFFFC000  }
0x114: {  	[tilespmem:s28], [sflag:$0x2] =	stream.indirect.gather [hbm4b:s1+s21], $0x80, s19, s21, $0xb8;
	[tilespmem:$0x1B000] =	vst v63  }
0x115: {  	_ =	swait.ge [sflag:s29], $0x4000  }
0x116: {  	[sflag:s29] =	ssyncset.done $0x0  }
0x117: {  	s26 =	simm.s32 $0x0;
	s15 =	simm.s32 $0x200;
	[sflag:s29] =	ssyncadd.s32 $0xFFFFC000  }
.LBB2_15:
0x118: {  	p0 =	sne.s32 s15, $0xFE00;
	v0 =	vld [tilespmem:s26+$0x2070]  }
0x119: {  	v1 =	vld [tilespmem:s26+$0x2000]  }
0x11a: {  	v2 =	vld [tilespmem:s26+$0x2010]  }
0x11b: {  	v3 =	vld [tilespmem:s26+$0x2020]  }
0x11c: {  	v4 =	vld [tilespmem:s26+$0x2030]  }
0x11d: {  	[tilespmem:s26+$0x8470] =	vst.add.f32.msk $0xffff, v0  }
0x11e: {  	v0 =	vld [tilespmem:s26+$0x2040]  }
0x11f: {  	v5 =	vld [tilespmem:s26+$0x2050]  }
0x120: {  	v6 =	vld [tilespmem:s26+$0x2060]  }
0x121: {  	[tilespmem:s26+$0x8400] =	vst.add.f32.msk $0xffff, v1  }
0x122: {  	[tilespmem:s26+$0x8410] =	vst.add.f32.msk $0xffff, v2  }
.Ltmp6:
0x123: {  	[tilespmem:s26+$0x8420] =	vst.add.f32.msk $0xffff, v3;
	(pc) =	sbr.rel @p0 .LBB2_15-.Ltmp6, $4  }
0x124: {  	[tilespmem:s26+$0x8430] =	vst.add.f32.msk $0xffff, v4  }
0x125: {  	[tilespmem:s26+$0x8440] =	vst.add.f32.msk $0xffff, v0  }
0x126: {  	[tilespmem:s26+$0x8450] =	vst.add.f32.msk $0xffff, v5  }
0x127: {  	[tilespmem:s26+$0x8460] =	vst.add.f32.msk $0xffff, v6;
	s26 =	sshra.s32 s15, $0x2;
	s15 =	sadd.s32 $0x200, s15  }
0x128: {  	v0 =	vld [tilespmem:s26+$0x2070]  }
0x129: {  	v1 =	vld [tilespmem:s26+$0x2000]  }
0x12a: {  	v2 =	vld [tilespmem:s26+$0x2010]  }
0x12b: {  	v3 =	vld [tilespmem:s26+$0x2020]  }
0x12c: {  	v4 =	vld [tilespmem:s26+$0x2030]  }
0x12d: {  	v63 =	vld [tilespmem:s26+$0x2040]  }
0x12e: {  	v5 =	vld [tilespmem:s26+$0x2050]  }
0x12f: {  	v6 =	vld [tilespmem:s26+$0x2060]  }
0x130: {  	[tilespmem:s26+$0x8470] =	vst.add.f32.msk $0xffff, v0  }
0x131: {  	[tilespmem:s26+$0x8400] =	vst.add.f32.msk $0xffff, v1  }
0x132: {  	[tilespmem:s26+$0x8410] =	vst.add.f32.msk $0xffff, v2  }
0x133: {  	s15 =	sshrl.u32 s18, $0x1;
	[tilespmem:s26+$0x8420] =	vst.add.f32.msk $0xffff, v3  }
0x134: {  	s18 =	sadd.s32 s6, s15;
	[tilespmem:s26+$0x8430] =	vst.add.f32.msk $0xffff, v4  }
0x135: {  	s15 =	smul.u32 $0xC80, s18;
	[tilespmem:s26+$0x8440] =	vst.add.f32.msk $0xffff, v63  }
0x136: {  	[tilespmem:s26+$0x8450] =	vst.add.f32.msk $0xffff, v5  }
0x137: {  	s15 =	sadd.s32 s3, s15;
	[tilespmem:s26+$0x8460] =	vst.add.f32.msk $0xffff, v6;
	s26 =	simm.s32 $0x0  }
0x138: {  	[hbm4b:s15+s26] =	stream.linear.scatter [tilespmem:s22], [sflag:$0x7], $0x4000, $0x38;
	[tilespmem:$0x1B000] =	vst v63  }
0x139: {  	_ =	swait.ge [sflag:s12], $0x2400  }
0x13a: {  	[sflag:s12] =	ssyncset.done $0x0  }
0x13b: {  	s26 =	sadd.s32 $0x400, s19;
	[sflag:s12] =	ssyncadd.s32 $0xFFFFDC00  }
0x13c: {  	[tilespmem:s31], [sflag:$0x5] =	stream.indirect.gather [hbm4b:s1+s23], $0x80, s26, s23, $0xb8;
	[tilespmem:$0x1B000] =	vst v63  }
0x13d: {  	_ =	swait.ge [sflag:s0], $0x2400  }
0x13e: {  	[sflag:s0] =	ssyncset.done $0x0  }
0x13f: {  	s19 =	simm.s32 $0x0;
	s15 =	simm.s32 $0x200;
	[sflag:s0] =	ssyncadd.s32 $0xFFFFDC00  }
.LBB2_17:
0x140: {  	p0 =	sne.s32 s15, $0x8E00;
	v0 =	vld [tilespmem:s19+$0x6070]  }
0x141: {  	v1 =	vld [tilespmem:s19+$0x6000]  }
0x142: {  	v2 =	vld [tilespmem:s19+$0x6010]  }
0x143: {  	v3 =	vld [tilespmem:s19+$0x6020]  }
0x144: {  	v4 =	vld [tilespmem:s19+$0x6030]  }
0x145: {  	[tilespmem:s19+$0x14470] =	vst.add.f32.msk $0xffff, v0  }
0x146: {  	v0 =	vld [tilespmem:s19+$0x6040]  }
0x147: {  	v5 =	vld [tilespmem:s19+$0x6050]  }
0x148: {  	v6 =	vld [tilespmem:s19+$0x6060]  }
0x149: {  	[tilespmem:s19+$0x14400] =	vst.add.f32.msk $0xffff, v1  }
0x14a: {  	[tilespmem:s19+$0x14410] =	vst.add.f32.msk $0xffff, v2  }
.Ltmp7:
0x14b: {  	[tilespmem:s19+$0x14420] =	vst.add.f32.msk $0xffff, v3;
	(pc) =	sbr.rel @p0 .LBB2_17-.Ltmp7, $4  }
0x14c: {  	[tilespmem:s19+$0x14430] =	vst.add.f32.msk $0xffff, v4  }
0x14d: {  	[tilespmem:s19+$0x14440] =	vst.add.f32.msk $0xffff, v0  }
0x14e: {  	[tilespmem:s19+$0x14450] =	vst.add.f32.msk $0xffff, v5  }
0x14f: {  	[tilespmem:s19+$0x14460] =	vst.add.f32.msk $0xffff, v6;
	s19 =	sshra.s32 s15, $0x2;
	s15 =	sadd.s32 $0x200, s15  }
0x150: {  	v0 =	vld [tilespmem:s19+$0x6070]  }
0x151: {  	v1 =	vld [tilespmem:s19+$0x6000]  }
0x152: {  	v2 =	vld [tilespmem:s19+$0x6010]  }
0x153: {  	v3 =	vld [tilespmem:s19+$0x6020]  }
0x154: {  	v4 =	vld [tilespmem:s19+$0x6030]  }
0x155: {  	v63 =	vld [tilespmem:s19+$0x6040]  }
0x156: {  	v5 =	vld [tilespmem:s19+$0x6050]  }
0x157: {  	v6 =	vld [tilespmem:s19+$0x6060]  }
0x158: {  	[tilespmem:s19+$0x14470] =	vst.add.f32.msk $0xffff, v0  }
0x159: {  	[tilespmem:s19+$0x14400] =	vst.add.f32.msk $0xffff, v1  }
0x15a: {  	[tilespmem:s19+$0x14410] =	vst.add.f32.msk $0xffff, v2  }
0x15b: {  	s15 =	smul.u32 $0x6400, s18;
	[tilespmem:s19+$0x14420] =	vst.add.f32.msk $0xffff, v3  }
0x15c: {  	[tilespmem:s19+$0x14430] =	vst.add.f32.msk $0xffff, v4  }
0x15d: {  	s15 =	sshrl.u32 s15, $0x3;
	[tilespmem:s19+$0x14440] =	vst.add.f32.msk $0xffff, v63  }
0x15e: {  	s15 =	sadd.s32 s3, s15;
	[tilespmem:s19+$0x14450] =	vst.add.f32.msk $0xffff, v5  }
0x15f: {  	s26 =	sadd.s32 $0xA, s17;
	s15 =	sadd.s32 $0x800, s15;
	[tilespmem:s19+$0x14460] =	vst.add.f32.msk $0xffff, v6;
	s19 =	simm.s32 $0x0  }
0x160: {  	[hbm4b:s15+s19] =	stream.linear.scatter [tilespmem:s25], [sflag:$0xA], $0x2400, $0x38;
	[tilespmem:$0x1B000] =	vst v63  }
0x161: {  	s17 =	sshll.u32 s26, $0x7;
	s15 =	sshll.u32 s26, $0x6;
	_ =	swait.ge [sflag:s13], $0x4000  }
0x162: {  	s17 =	sand.u32 $0x7800, s17;
	s15 =	sand.u32 $0x380, s15;
	[sflag:s13] =	ssyncset.done $0x0  }
0x163: {  	s17 =	sor.u32 s15, s17;
	[sflag:s13] =	ssyncadd.s32 $0xFFFFC000  }
0x164: {  	[tilespmem:s20], [sflag:$0x3] =	stream.indirect.gather [hbm4b:s1+s21], $0x80, s17, s21, $0xb8;
	[tilespmem:$0x1B000] =	vst v63  }
0x165: {  	_ =	swait.ge [sflag:s24], $0x4000  }
0x166: {  	[sflag:s24] =	ssyncset.done $0x0  }
0x167: {  	s18 =	simm.s32 $0x0;
	s15 =	simm.s32 $0x200;
	[sflag:s24] =	ssyncadd.s32 $0xFFFFC000  }
.LBB2_19:
0x168: {  	p0 =	sne.s32 s15, $0xFE00;
	v0 =	vld [tilespmem:s18+$0x2070]  }
0x169: {  	v1 =	vld [tilespmem:s18+$0x2000]  }
0x16a: {  	v2 =	vld [tilespmem:s18+$0x2010]  }
0x16b: {  	v3 =	vld [tilespmem:s18+$0x2020]  }
0x16c: {  	v4 =	vld [tilespmem:s18+$0x2030]  }
0x16d: {  	[tilespmem:s18+$0xC470] =	vst.add.f32.msk $0xffff, v0  }
0x16e: {  	v0 =	vld [tilespmem:s18+$0x2040]  }
0x16f: {  	v5 =	vld [tilespmem:s18+$0x2050]  }
0x170: {  	v6 =	vld [tilespmem:s18+$0x2060]  }
0x171: {  	[tilespmem:s18+$0xC400] =	vst.add.f32.msk $0xffff, v1  }
0x172: {  	[tilespmem:s18+$0xC410] =	vst.add.f32.msk $0xffff, v2  }
.Ltmp8:
0x173: {  	[tilespmem:s18+$0xC420] =	vst.add.f32.msk $0xffff, v3;
	(pc) =	sbr.rel @p0 .LBB2_19-.Ltmp8, $4  }
0x174: {  	[tilespmem:s18+$0xC430] =	vst.add.f32.msk $0xffff, v4  }
0x175: {  	[tilespmem:s18+$0xC440] =	vst.add.f32.msk $0xffff, v0  }
0x176: {  	[tilespmem:s18+$0xC450] =	vst.add.f32.msk $0xffff, v5  }
0x177: {  	[tilespmem:s18+$0xC460] =	vst.add.f32.msk $0xffff, v6;
	s18 =	sshra.s32 s15, $0x2;
	s15 =	sadd.s32 $0x200, s15  }
0x178: {  	v0 =	vld [tilespmem:s18+$0x2070]  }
0x179: {  	v1 =	vld [tilespmem:s18+$0x2000]  }
0x17a: {  	v2 =	vld [tilespmem:s18+$0x2010]  }
0x17b: {  	v3 =	vld [tilespmem:s18+$0x2020]  }
0x17c: {  	v4 =	vld [tilespmem:s18+$0x2030]  }
0x17d: {  	v63 =	vld [tilespmem:s18+$0x2040]  }
0x17e: {  	v5 =	vld [tilespmem:s18+$0x2050]  }
0x17f: {  	v6 =	vld [tilespmem:s18+$0x2060]  }
0x180: {  	[tilespmem:s18+$0xC470] =	vst.add.f32.msk $0xffff, v0  }
0x181: {  	[tilespmem:s18+$0xC400] =	vst.add.f32.msk $0xffff, v1  }
0x182: {  	[tilespmem:s18+$0xC410] =	vst.add.f32.msk $0xffff, v2  }
0x183: {  	s8 =	sshrl.u32 s8, $0x1;
	[tilespmem:s18+$0xC420] =	vst.add.f32.msk $0xffff, v3  }
0x184: {  	s8 =	sadd.s32 s6, s8;
	[tilespmem:s18+$0xC430] =	vst.add.f32.msk $0xffff, v4  }
0x185: {  	s15 =	smul.u32 $0xC80, s8;
	[tilespmem:s18+$0xC440] =	vst.add.f32.msk $0xffff, v63  }
0x186: {  	[tilespmem:s18+$0xC450] =	vst.add.f32.msk $0xffff, v5  }
0x187: {  	s19 =	simm.s32 $0x0;
	s15 =	sadd.s32 s3, s15;
	[tilespmem:s18+$0xC460] =	vst.add.f32.msk $0xffff, v6  }
0x188: {  	[hbm4b:s15+s19] =	stream.linear.scatter [tilespmem:s28], [sflag:$0x8], $0x4000, $0x38;
	[tilespmem:$0x1B000] =	vst v63  }
0x189: {  	_ =	swait.ge [sflag:s14], $0x2400  }
0x18a: {  	[sflag:s14] =	ssyncset.done $0x0  }
0x18b: {  	s26 =	sadd.s32 $0x400, s17;
	[sflag:s14] =	ssyncadd.s32 $0xFFFFDC00  }
0x18c: {  	[tilespmem:s2], [sflag:$0x6] =	stream.indirect.gather [hbm4b:s1+s23], $0x80, s26, s23, $0xb8;
	[tilespmem:$0x1B000] =	vst v63  }
0x18d: {  	_ =	swait.ge [sflag:s30], $0x2400  }
0x18e: {  	[sflag:s30] =	ssyncset.done $0x0  }
0x18f: {  	s17 =	simm.s32 $0x0;
	s15 =	simm.s32 $0x200;
	[sflag:s30] =	ssyncadd.s32 $0xFFFFDC00  }
.LBB2_21:
0x190: {  	p0 =	sne.s32 s15, $0x8E00;
	v0 =	vld [tilespmem:s17+$0x6070]  }
0x191: {  	v1 =	vld [tilespmem:s17+$0x6000]  }
0x192: {  	v2 =	vld [tilespmem:s17+$0x6010]  }
0x193: {  	v3 =	vld [tilespmem:s17+$0x6020]  }
0x194: {  	v4 =	vld [tilespmem:s17+$0x6030]  }
0x195: {  	[tilespmem:s17+$0x16870] =	vst.add.f32.msk $0xffff, v0  }
0x196: {  	v0 =	vld [tilespmem:s17+$0x6040]  }
0x197: {  	v5 =	vld [tilespmem:s17+$0x6050]  }
0x198: {  	v6 =	vld [tilespmem:s17+$0x6060]  }
0x199: {  	[tilespmem:s17+$0x16800] =	vst.add.f32.msk $0xffff, v1  }
0x19a: {  	[tilespmem:s17+$0x16810] =	vst.add.f32.msk $0xffff, v2  }
.Ltmp9:
0x19b: {  	[tilespmem:s17+$0x16820] =	vst.add.f32.msk $0xffff, v3;
	(pc) =	sbr.rel @p0 .LBB2_21-.Ltmp9, $4  }
0x19c: {  	[tilespmem:s17+$0x16830] =	vst.add.f32.msk $0xffff, v4  }
0x19d: {  	[tilespmem:s17+$0x16840] =	vst.add.f32.msk $0xffff, v0  }
0x19e: {  	[tilespmem:s17+$0x16850] =	vst.add.f32.msk $0xffff, v5  }
0x19f: {  	[tilespmem:s17+$0x16860] =	vst.add.f32.msk $0xffff, v6;
	s17 =	sshra.s32 s15, $0x2;
	s15 =	sadd.s32 $0x200, s15  }
0x1a0: {  	v0 =	vld [tilespmem:s17+$0x6070]  }
0x1a1: {  	v1 =	vld [tilespmem:s17+$0x6000]  }
0x1a2: {  	v2 =	vld [tilespmem:s17+$0x6010]  }
0x1a3: {  	v3 =	vld [tilespmem:s17+$0x6020]  }
0x1a4: {  	v4 =	vld [tilespmem:s17+$0x6030]  }
0x1a5: {  	v63 =	vld [tilespmem:s17+$0x6040]  }
0x1a6: {  	v5 =	vld [tilespmem:s17+$0x6050]  }
0x1a7: {  	v6 =	vld [tilespmem:s17+$0x6060]  }
0x1a8: {  	[tilespmem:s17+$0x16870] =	vst.add.f32.msk $0xffff, v0  }
0x1a9: {  	[tilespmem:s17+$0x16800] =	vst.add.f32.msk $0xffff, v1  }
0x1aa: {  	s16 =	sadd.s32 $0x1, s16;
	[tilespmem:s17+$0x16810] =	vst.add.f32.msk $0xffff, v2  }
0x1ab: {  	s8 =	smul.u32 $0x6400, s8;
	p0 =	sne.s32 s16, $0x9;
	[tilespmem:s17+$0x16820] =	vst.add.f32.msk $0xffff, v3  }
.Ltmp10:
0x1ac: {  	[tilespmem:s17+$0x16830] =	vst.add.f32.msk $0xffff, v4;
	(pc) =	sbr.rel @p0 .LBB2_10-.Ltmp10, $4  }
0x1ad: {  	s8 =	sshrl.u32 s8, $0x3;
	[tilespmem:s17+$0x16840] =	vst.add.f32.msk $0xffff, v63  }
0x1ae: {  	s8 =	sadd.s32 s3, s8;
	[tilespmem:s17+$0x16850] =	vst.add.f32.msk $0xffff, v5  }
0x1af: {  	s8 =	sadd.s32 $0x800, s8;
	[tilespmem:s17+$0x16860] =	vst.add.f32.msk $0xffff, v6  }
0x1b0: {  	[hbm4b:s8+s4] =	stream.linear.scatter [tilespmem:s31], [sflag:$0xB], $0x2400, $0x38;
	[tilespmem:$0x1B000] =	vst v63  }
0x1b1: {  	_ =	swait.ge [sflag:s5], $0x4000  }
0x1b2: {  	[sflag:s5] =	ssyncset.done $0x0  }
0x1b3: {  	s8 =	simm.s32 $0x1B00;
	[sflag:s5] =	ssyncadd.s32 $0xFFFFC000  }
0x1b4: {  	[tilespmem:s22], [sflag:$0x1] =	stream.indirect.gather [hbm4b:s1+s21], $0x80, s8, s21, $0xb8;
	[tilespmem:$0x1B000] =	vst v63  }
0x1b5: {  	_ =	swait.ge [sflag:s7], $0x4000  }
0x1b6: {  	[sflag:s7] =	ssyncset.done $0x0  }
0x1b7: {  	s15 =	simm.s32 $0x200;
	s8 =	simm.s32 $0x0;
	[sflag:s7] =	ssyncadd.s32 $0xFFFFC000  }
.LBB2_24:
0x1b8: {  	p0 =	sne.s32 s15, $0xFE00;
	v0 =	vld [tilespmem:s8+$0x2070]  }
0x1b9: {  	v1 =	vld [tilespmem:s8+$0x2000]  }
0x1ba: {  	v2 =	vld [tilespmem:s8+$0x2010]  }
0x1bb: {  	v3 =	vld [tilespmem:s8+$0x2020]  }
0x1bc: {  	v4 =	vld [tilespmem:s8+$0x2030]  }
0x1bd: {  	[tilespmem:s8+$0x10470] =	vst.add.f32.msk $0xffff, v0  }
0x1be: {  	v0 =	vld [tilespmem:s8+$0x2040]  }
0x1bf: {  	v5 =	vld [tilespmem:s8+$0x2050]  }
0x1c0: {  	v6 =	vld [tilespmem:s8+$0x2060]  }
0x1c1: {  	[tilespmem:s8+$0x10400] =	vst.add.f32.msk $0xffff, v1  }
0x1c2: {  	[tilespmem:s8+$0x10410] =	vst.add.f32.msk $0xffff, v2  }
.Ltmp11:
0x1c3: {  	[tilespmem:s8+$0x10420] =	vst.add.f32.msk $0xffff, v3;
	(pc) =	sbr.rel @p0 .LBB2_24-.Ltmp11, $4  }
0x1c4: {  	[tilespmem:s8+$0x10430] =	vst.add.f32.msk $0xffff, v4  }
0x1c5: {  	[tilespmem:s8+$0x10440] =	vst.add.f32.msk $0xffff, v0  }
0x1c6: {  	[tilespmem:s8+$0x10450] =	vst.add.f32.msk $0xffff, v5  }
0x1c7: {  	[tilespmem:s8+$0x10460] =	vst.add.f32.msk $0xffff, v6;
	s8 =	sshra.s32 s15, $0x2;
	s15 =	sadd.s32 $0x200, s15  }
0x1c8: {  	v0 =	vld [tilespmem:s8+$0x2070]  }
0x1c9: {  	v1 =	vld [tilespmem:s8+$0x2000]  }
0x1ca: {  	v2 =	vld [tilespmem:s8+$0x2010]  }
0x1cb: {  	v3 =	vld [tilespmem:s8+$0x2020]  }
0x1cc: {  	v4 =	vld [tilespmem:s8+$0x2030]  }
0x1cd: {  	v63 =	vld [tilespmem:s8+$0x2040]  }
0x1ce: {  	v5 =	vld [tilespmem:s8+$0x2050]  }
0x1cf: {  	v6 =	vld [tilespmem:s8+$0x2060]  }
0x1d0: {  	[tilespmem:s8+$0x10470] =	vst.add.f32.msk $0xffff, v0  }
0x1d1: {  	[tilespmem:s8+$0x10400] =	vst.add.f32.msk $0xffff, v1  }
0x1d2: {  	[tilespmem:s8+$0x10410] =	vst.add.f32.msk $0xffff, v2  }
0x1d3: {  	[tilespmem:s8+$0x10420] =	vst.add.f32.msk $0xffff, v3  }
0x1d4: {  	[tilespmem:s8+$0x10430] =	vst.add.f32.msk $0xffff, v4  }
0x1d5: {  	[tilespmem:s8+$0x10440] =	vst.add.f32.msk $0xffff, v63  }
0x1d6: {  	[tilespmem:s8+$0x10450] =	vst.add.f32.msk $0xffff, v5  }
0x1d7: {  	s19 =	simm.s32 $0x0;
	s15 =	rddreg [dreg:$0xa];
	[tilespmem:s8+$0x10460] =	vst.add.f32.msk $0xffff, v6  }
0x1d8: {  	[hbm4b:s15+s19] =	stream.linear.scatter [tilespmem:s20], [sflag:$0x9], $0x4000, $0x38;
	[tilespmem:$0x1B000] =	vst v63  }
0x1d9: {  	_ =	swait.ge [sflag:s9], $0x2400  }
0x1da: {  	[sflag:s9] =	ssyncset.done $0x0  }
0x1db: {  	s26 =	simm.s32 $0x1F00;
	[sflag:s9] =	ssyncadd.s32 $0xFFFFDC00  }
0x1dc: {  	[tilespmem:s25], [sflag:$0x4] =	stream.indirect.gather [hbm4b:s1+s23], $0x80, s26, s23, $0xb8;
	[tilespmem:$0x1B000] =	vst v63  }
0x1dd: {  	_ =	swait.ge [sflag:s10], $0x2400  }
0x1de: {  	[sflag:s10] =	ssyncset.done $0x0  }
0x1df: {  	s8 =	simm.s32 $0x0;
	s15 =	simm.s32 $0x200;
	[sflag:s10] =	ssyncadd.s32 $0xFFFFDC00  }
.LBB2_26:
0x1e0: {  	p0 =	sne.s32 s15, $0x8E00;
	v0 =	vld [tilespmem:s8+$0x6070]  }
0x1e1: {  	v1 =	vld [tilespmem:s8+$0x6000]  }
0x1e2: {  	v2 =	vld [tilespmem:s8+$0x6010]  }
0x1e3: {  	v3 =	vld [tilespmem:s8+$0x6020]  }
0x1e4: {  	v4 =	vld [tilespmem:s8+$0x6030]  }
0x1e5: {  	[tilespmem:s8+$0x18C70] =	vst.add.f32.msk $0xffff, v0  }
0x1e6: {  	v0 =	vld [tilespmem:s8+$0x6040]  }
0x1e7: {  	v5 =	vld [tilespmem:s8+$0x6050]  }
0x1e8: {  	v6 =	vld [tilespmem:s8+$0x6060]  }
0x1e9: {  	[tilespmem:s8+$0x18C00] =	vst.add.f32.msk $0xffff, v1  }
0x1ea: {  	[tilespmem:s8+$0x18C10] =	vst.add.f32.msk $0xffff, v2  }
.Ltmp12:
0x1eb: {  	[tilespmem:s8+$0x18C20] =	vst.add.f32.msk $0xffff, v3;
	(pc) =	sbr.rel @p0 .LBB2_26-.Ltmp12, $4  }
0x1ec: {  	[tilespmem:s8+$0x18C30] =	vst.add.f32.msk $0xffff, v4  }
0x1ed: {  	[tilespmem:s8+$0x18C40] =	vst.add.f32.msk $0xffff, v0  }
0x1ee: {  	[tilespmem:s8+$0x18C50] =	vst.add.f32.msk $0xffff, v5  }
0x1ef: {  	[tilespmem:s8+$0x18C60] =	vst.add.f32.msk $0xffff, v6;
	s8 =	sshra.s32 s15, $0x2;
	s15 =	sadd.s32 $0x200, s15  }
0x1f0: {  	v0 =	vld [tilespmem:s8+$0x6070]  }
0x1f1: {  	v1 =	vld [tilespmem:s8+$0x6000]  }
0x1f2: {  	v2 =	vld [tilespmem:s8+$0x6010]  }
0x1f3: {  	v3 =	vld [tilespmem:s8+$0x6020]  }
0x1f4: {  	v4 =	vld [tilespmem:s8+$0x6030]  }
0x1f5: {  	v63 =	vld [tilespmem:s8+$0x6040]  }
0x1f6: {  	v5 =	vld [tilespmem:s8+$0x6050]  }
0x1f7: {  	v6 =	vld [tilespmem:s8+$0x6060]  }
0x1f8: {  	[tilespmem:s8+$0x18C70] =	vst.add.f32.msk $0xffff, v0  }
0x1f9: {  	[tilespmem:s8+$0x18C00] =	vst.add.f32.msk $0xffff, v1  }
0x1fa: {  	[tilespmem:s8+$0x18C10] =	vst.add.f32.msk $0xffff, v2  }
0x1fb: {  	[tilespmem:s8+$0x18C20] =	vst.add.f32.msk $0xffff, v3  }
0x1fc: {  	[tilespmem:s8+$0x18C30] =	vst.add.f32.msk $0xffff, v4  }
0x1fd: {  	[tilespmem:s8+$0x18C40] =	vst.add.f32.msk $0xffff, v63  }
0x1fe: {  	[tilespmem:s8+$0x18C50] =	vst.add.f32.msk $0xffff, v5  }
0x1ff: {  	s19 =	simm.s32 $0x0;
	s15 =	rddreg [dreg:$0xb];
	[tilespmem:s8+$0x18C60] =	vst.add.f32.msk $0xffff, v6  }
0x200: {  	[hbm4b:s15+s19] =	stream.linear.scatter [tilespmem:s2], [sflag:$0xC], $0x2400, $0x38;
	[tilespmem:$0x1B000] =	vst v63  }
0x201: {  	_ =	swait.ge [sflag:s11], $0x4000  }
0x202: {  	[sflag:s11] =	ssyncset.done $0x0  }
0x203: {  	s26 =	simm.s32 $0x1B80;
	[sflag:s11] =	ssyncadd.s32 $0xFFFFC000  }
0x204: {  	[tilespmem:s28], [sflag:$0x2] =	stream.indirect.gather [hbm4b:s1+s21], $0x80, s26, s21, $0xb8;
	[tilespmem:$0x1B000] =	vst v63  }
0x205: {  	_ =	swait.ge [sflag:s29], $0x4000  }
0x206: {  	[sflag:s29] =	ssyncset.done $0x0  }
0x207: {  	s8 =	simm.s32 $0x0;
	s15 =	simm.s32 $0x200;
	[sflag:s29] =	ssyncadd.s32 $0xFFFFC000  }
.LBB2_28:
0x208: {  	p0 =	sne.s32 s15, $0xFE00;
	v0 =	vld [tilespmem:s8+$0x2070]  }
0x209: {  	v1 =	vld [tilespmem:s8+$0x2000]  }
0x20a: {  	v2 =	vld [tilespmem:s8+$0x2010]  }
0x20b: {  	v3 =	vld [tilespmem:s8+$0x2020]  }
0x20c: {  	v4 =	vld [tilespmem:s8+$0x2030]  }
0x20d: {  	[tilespmem:s8+$0x8470] =	vst.add.f32.msk $0xffff, v0  }
0x20e: {  	v0 =	vld [tilespmem:s8+$0x2040]  }
0x20f: {  	v5 =	vld [tilespmem:s8+$0x2050]  }
0x210: {  	v6 =	vld [tilespmem:s8+$0x2060]  }
0x211: {  	[tilespmem:s8+$0x8400] =	vst.add.f32.msk $0xffff, v1  }
0x212: {  	[tilespmem:s8+$0x8410] =	vst.add.f32.msk $0xffff, v2  }
.Ltmp13:
0x213: {  	[tilespmem:s8+$0x8420] =	vst.add.f32.msk $0xffff, v3;
	(pc) =	sbr.rel @p0 .LBB2_28-.Ltmp13, $4  }
0x214: {  	[tilespmem:s8+$0x8430] =	vst.add.f32.msk $0xffff, v4  }
0x215: {  	[tilespmem:s8+$0x8440] =	vst.add.f32.msk $0xffff, v0  }
0x216: {  	[tilespmem:s8+$0x8450] =	vst.add.f32.msk $0xffff, v5  }
0x217: {  	[tilespmem:s8+$0x8460] =	vst.add.f32.msk $0xffff, v6;
	s8 =	sshra.s32 s15, $0x2;
	s15 =	sadd.s32 $0x200, s15  }
0x218: {  	v0 =	vld [tilespmem:s8+$0x2070]  }
0x219: {  	v1 =	vld [tilespmem:s8+$0x2000]  }
0x21a: {  	v2 =	vld [tilespmem:s8+$0x2010]  }
0x21b: {  	v3 =	vld [tilespmem:s8+$0x2020]  }
0x21c: {  	v4 =	vld [tilespmem:s8+$0x2030]  }
0x21d: {  	v63 =	vld [tilespmem:s8+$0x2040]  }
0x21e: {  	v5 =	vld [tilespmem:s8+$0x2050]  }
0x21f: {  	v6 =	vld [tilespmem:s8+$0x2060]  }
0x220: {  	[tilespmem:s8+$0x8470] =	vst.add.f32.msk $0xffff, v0  }
0x221: {  	[tilespmem:s8+$0x8400] =	vst.add.f32.msk $0xffff, v1  }
0x222: {  	[tilespmem:s8+$0x8410] =	vst.add.f32.msk $0xffff, v2  }
0x223: {  	[tilespmem:s8+$0x8420] =	vst.add.f32.msk $0xffff, v3  }
0x224: {  	[tilespmem:s8+$0x8430] =	vst.add.f32.msk $0xffff, v4  }
0x225: {  	[tilespmem:s8+$0x8440] =	vst.add.f32.msk $0xffff, v63  }
0x226: {  	[tilespmem:s8+$0x8450] =	vst.add.f32.msk $0xffff, v5  }
0x227: {  	s19 =	simm.s32 $0x0;
	s15 =	rddreg [dreg:$0xc];
	[tilespmem:s8+$0x8460] =	vst.add.f32.msk $0xffff, v6  }
0x228: {  	[hbm4b:s15+s19] =	stream.linear.scatter [tilespmem:s22], [sflag:$0x7], $0x4000, $0x38;
	[tilespmem:$0x1B000] =	vst v63  }
0x229: {  	_ =	swait.ge [sflag:s12], $0x2400  }
0x22a: {  	[sflag:s12] =	ssyncset.done $0x0  }
0x22b: {  	s26 =	simm.s32 $0x1F80;
	[sflag:s12] =	ssyncadd.s32 $0xFFFFDC00  }
0x22c: {  	[tilespmem:s31], [sflag:$0x5] =	stream.indirect.gather [hbm4b:s1+s23], $0x80, s26, s23, $0xb8;
	[tilespmem:$0x1B000] =	vst v63  }
0x22d: {  	_ =	swait.ge [sflag:s0], $0x2400  }
0x22e: {  	[sflag:s0] =	ssyncset.done $0x0  }
0x22f: {  	s8 =	simm.s32 $0x0;
	s15 =	simm.s32 $0x200;
	[sflag:s0] =	ssyncadd.s32 $0xFFFFDC00  }
.LBB2_30:
0x230: {  	p0 =	sne.s32 s15, $0x8E00;
	v0 =	vld [tilespmem:s8+$0x6070]  }
0x231: {  	v1 =	vld [tilespmem:s8+$0x6000]  }
0x232: {  	v2 =	vld [tilespmem:s8+$0x6010]  }
0x233: {  	v3 =	vld [tilespmem:s8+$0x6020]  }
0x234: {  	v4 =	vld [tilespmem:s8+$0x6030]  }
0x235: {  	[tilespmem:s8+$0x14470] =	vst.add.f32.msk $0xffff, v0  }
0x236: {  	v0 =	vld [tilespmem:s8+$0x6040]  }
0x237: {  	v5 =	vld [tilespmem:s8+$0x6050]  }
0x238: {  	v6 =	vld [tilespmem:s8+$0x6060]  }
0x239: {  	[tilespmem:s8+$0x14400] =	vst.add.f32.msk $0xffff, v1  }
0x23a: {  	[tilespmem:s8+$0x14410] =	vst.add.f32.msk $0xffff, v2  }
.Ltmp14:
0x23b: {  	[tilespmem:s8+$0x14420] =	vst.add.f32.msk $0xffff, v3;
	(pc) =	sbr.rel @p0 .LBB2_30-.Ltmp14, $4  }
0x23c: {  	[tilespmem:s8+$0x14430] =	vst.add.f32.msk $0xffff, v4  }
0x23d: {  	[tilespmem:s8+$0x14440] =	vst.add.f32.msk $0xffff, v0  }
0x23e: {  	[tilespmem:s8+$0x14450] =	vst.add.f32.msk $0xffff, v5  }
0x23f: {  	[tilespmem:s8+$0x14460] =	vst.add.f32.msk $0xffff, v6;
	s8 =	sshra.s32 s15, $0x2;
	s15 =	sadd.s32 $0x200, s15  }
0x240: {  	v0 =	vld [tilespmem:s8+$0x6070]  }
0x241: {  	v1 =	vld [tilespmem:s8+$0x6000]  }
0x242: {  	v2 =	vld [tilespmem:s8+$0x6010]  }
0x243: {  	v3 =	vld [tilespmem:s8+$0x6020]  }
0x244: {  	v4 =	vld [tilespmem:s8+$0x6030]  }
0x245: {  	v63 =	vld [tilespmem:s8+$0x6040]  }
0x246: {  	v5 =	vld [tilespmem:s8+$0x6050]  }
0x247: {  	v6 =	vld [tilespmem:s8+$0x6060]  }
0x248: {  	[tilespmem:s8+$0x14470] =	vst.add.f32.msk $0xffff, v0  }
0x249: {  	[tilespmem:s8+$0x14400] =	vst.add.f32.msk $0xffff, v1  }
0x24a: {  	[tilespmem:s8+$0x14410] =	vst.add.f32.msk $0xffff, v2  }
0x24b: {  	[tilespmem:s8+$0x14420] =	vst.add.f32.msk $0xffff, v3  }
0x24c: {  	[tilespmem:s8+$0x14430] =	vst.add.f32.msk $0xffff, v4  }
0x24d: {  	[tilespmem:s8+$0x14440] =	vst.add.f32.msk $0xffff, v63  }
0x24e: {  	[tilespmem:s8+$0x14450] =	vst.add.f32.msk $0xffff, v5  }
0x24f: {  	s26 =	simm.s32 $0x0;
	s15 =	rddreg [dreg:$0xd];
	[tilespmem:s8+$0x14460] =	vst.add.f32.msk $0xffff, v6  }
0x250: {  	[hbm4b:s15+s26] =	stream.linear.scatter [tilespmem:s25], [sflag:$0xA], $0x2400, $0x38;
	[tilespmem:$0x1B000] =	vst v63  }
0x251: {  	_ =	swait.ge [sflag:s13], $0x4000  }
0x252: {  	[sflag:s13] =	ssyncset.done $0x0  }
0x253: {  	[sflag:s13] =	ssyncadd.s32 $0xFFFFC000  }
0x254: {  	_ =	swait.ge [sflag:s24], $0x4000  }
0x255: {  	[sflag:s24] =	ssyncset.done $0x0  }
0x256: {  	s8 =	simm.s32 $0x0;
	s15 =	simm.s32 $0x200;
	[sflag:s24] =	ssyncadd.s32 $0xFFFFC000  }
.LBB2_32:
0x257: {  	p0 =	sne.s32 s15, $0xFE00;
	v0 =	vld [tilespmem:s8+$0x2070]  }
0x258: {  	v1 =	vld [tilespmem:s8+$0x2000]  }
0x259: {  	v2 =	vld [tilespmem:s8+$0x2010]  }
0x25a: {  	v3 =	vld [tilespmem:s8+$0x2020]  }
0x25b: {  	v4 =	vld [tilespmem:s8+$0x2030]  }
0x25c: {  	[tilespmem:s8+$0xC470] =	vst.add.f32.msk $0xffff, v0  }
0x25d: {  	v0 =	vld [tilespmem:s8+$0x2040]  }
0x25e: {  	v5 =	vld [tilespmem:s8+$0x2050]  }
0x25f: {  	v6 =	vld [tilespmem:s8+$0x2060]  }
0x260: {  	[tilespmem:s8+$0xC400] =	vst.add.f32.msk $0xffff, v1  }
0x261: {  	[tilespmem:s8+$0xC410] =	vst.add.f32.msk $0xffff, v2  }
.Ltmp15:
0x262: {  	[tilespmem:s8+$0xC420] =	vst.add.f32.msk $0xffff, v3;
	(pc) =	sbr.rel @p0 .LBB2_32-.Ltmp15, $4  }
0x263: {  	[tilespmem:s8+$0xC430] =	vst.add.f32.msk $0xffff, v4  }
0x264: {  	[tilespmem:s8+$0xC440] =	vst.add.f32.msk $0xffff, v0  }
0x265: {  	[tilespmem:s8+$0xC450] =	vst.add.f32.msk $0xffff, v5  }
0x266: {  	[tilespmem:s8+$0xC460] =	vst.add.f32.msk $0xffff, v6;
	s8 =	sshra.s32 s15, $0x2;
	s15 =	sadd.s32 $0x200, s15  }
0x267: {  	v0 =	vld [tilespmem:s8+$0x2070]  }
0x268: {  	v1 =	vld [tilespmem:s8+$0x2000]  }
0x269: {  	v2 =	vld [tilespmem:s8+$0x2010]  }
0x26a: {  	v3 =	vld [tilespmem:s8+$0x2020]  }
0x26b: {  	v4 =	vld [tilespmem:s8+$0x2030]  }
0x26c: {  	v63 =	vld [tilespmem:s8+$0x2040]  }
0x26d: {  	v5 =	vld [tilespmem:s8+$0x2050]  }
0x26e: {  	v6 =	vld [tilespmem:s8+$0x2060]  }
0x26f: {  	[tilespmem:s8+$0xC470] =	vst.add.f32.msk $0xffff, v0  }
0x270: {  	[tilespmem:s8+$0xC400] =	vst.add.f32.msk $0xffff, v1  }
0x271: {  	[tilespmem:s8+$0xC410] =	vst.add.f32.msk $0xffff, v2  }
0x272: {  	[tilespmem:s8+$0xC420] =	vst.add.f32.msk $0xffff, v3  }
0x273: {  	[tilespmem:s8+$0xC430] =	vst.add.f32.msk $0xffff, v4  }
0x274: {  	[tilespmem:s8+$0xC440] =	vst.add.f32.msk $0xffff, v63  }
0x275: {  	[tilespmem:s8+$0xC450] =	vst.add.f32.msk $0xffff, v5  }
0x276: {  	s26 =	simm.s32 $0x0;
	s15 =	rddreg [dreg:$0xe];
	[tilespmem:s8+$0xC460] =	vst.add.f32.msk $0xffff, v6  }
0x277: {  	[hbm4b:s15+s26] =	stream.linear.scatter [tilespmem:s28], [sflag:$0x8], $0x4000, $0x38;
	[tilespmem:$0x1B000] =	vst v63  }
0x278: {  	_ =	swait.ge [sflag:s14], $0x2400  }
0x279: {  	[sflag:s14] =	ssyncset.done $0x0  }
0x27a: {  	[sflag:s14] =	ssyncadd.s32 $0xFFFFDC00  }
0x27b: {  	_ =	swait.ge [sflag:s30], $0x2400  }
0x27c: {  	[sflag:s30] =	ssyncset.done $0x0  }
0x27d: {  	s8 =	simm.s32 $0x0;
	s15 =	simm.s32 $0x200;
	[sflag:s30] =	ssyncadd.s32 $0xFFFFDC00  }
.LBB2_34:
0x27e: {  	p0 =	sne.s32 s15, $0x8E00;
	v0 =	vld [tilespmem:s8+$0x6070]  }
0x27f: {  	v1 =	vld [tilespmem:s8+$0x6000]  }
0x280: {  	v2 =	vld [tilespmem:s8+$0x6010]  }
0x281: {  	v3 =	vld [tilespmem:s8+$0x6020]  }
0x282: {  	v4 =	vld [tilespmem:s8+$0x6030]  }
0x283: {  	[tilespmem:s8+$0x16870] =	vst.add.f32.msk $0xffff, v0  }
0x284: {  	v0 =	vld [tilespmem:s8+$0x6040]  }
0x285: {  	v5 =	vld [tilespmem:s8+$0x6050]  }
0x286: {  	v6 =	vld [tilespmem:s8+$0x6060]  }
0x287: {  	[tilespmem:s8+$0x16800] =	vst.add.f32.msk $0xffff, v1  }
0x288: {  	[tilespmem:s8+$0x16810] =	vst.add.f32.msk $0xffff, v2  }
.Ltmp16:
0x289: {  	[tilespmem:s8+$0x16820] =	vst.add.f32.msk $0xffff, v3;
	(pc) =	sbr.rel @p0 .LBB2_34-.Ltmp16, $4  }
0x28a: {  	[tilespmem:s8+$0x16830] =	vst.add.f32.msk $0xffff, v4  }
0x28b: {  	[tilespmem:s8+$0x16840] =	vst.add.f32.msk $0xffff, v0  }
0x28c: {  	[tilespmem:s8+$0x16850] =	vst.add.f32.msk $0xffff, v5  }
0x28d: {  	[tilespmem:s8+$0x16860] =	vst.add.f32.msk $0xffff, v6;
	s8 =	sshra.s32 s15, $0x2;
	s15 =	sadd.s32 $0x200, s15  }
0x28e: {  	v0 =	vld [tilespmem:s8+$0x6070]  }
0x28f: {  	v1 =	vld [tilespmem:s8+$0x6000]  }
0x290: {  	v2 =	vld [tilespmem:s8+$0x6010]  }
0x291: {  	v3 =	vld [tilespmem:s8+$0x6020]  }
0x292: {  	v4 =	vld [tilespmem:s8+$0x6030]  }
0x293: {  	v63 =	vld [tilespmem:s8+$0x6040]  }
0x294: {  	v5 =	vld [tilespmem:s8+$0x6050]  }
0x295: {  	v6 =	vld [tilespmem:s8+$0x6060]  }
0x296: {  	[tilespmem:s8+$0x16870] =	vst.add.f32.msk $0xffff, v0  }
0x297: {  	[tilespmem:s8+$0x16800] =	vst.add.f32.msk $0xffff, v1  }
0x298: {  	[tilespmem:s8+$0x16810] =	vst.add.f32.msk $0xffff, v2  }
0x299: {  	[tilespmem:s8+$0x16820] =	vst.add.f32.msk $0xffff, v3  }
0x29a: {  	[tilespmem:s8+$0x16830] =	vst.add.f32.msk $0xffff, v4  }
0x29b: {  	[tilespmem:s8+$0x16840] =	vst.add.f32.msk $0xffff, v63  }
0x29c: {  	[tilespmem:s8+$0x16850] =	vst.add.f32.msk $0xffff, v5  }
0x29d: {  	s19 =	rddreg [dreg:$0xf];
	[tilespmem:s8+$0x16860] =	vst.add.f32.msk $0xffff, v6  }
0x29e: {  	[hbm4b:s19+s4] =	stream.linear.scatter [tilespmem:s31], [sflag:$0xB], $0x2400, $0x38;
	[tilespmem:$0x1B000] =	vst v63  }
0x29f: {  	_ =	swait.ge [sflag:s5], $0x4000  }
0x2a0: {  	[sflag:s5] =	ssyncset.done $0x0  }
0x2a1: {  	[sflag:s5] =	ssyncadd.s32 $0xFFFFC000  }
0x2a2: {  	_ =	swait.ge [sflag:s9], $0x2400  }
0x2a3: {  	[sflag:s9] =	ssyncset.done $0x0  }
0x2a4: {  	[sflag:s9] =	ssyncadd.s32 $0xFFFFDC00  }
0x2a5: {  	_ =	swait.ge [sflag:s11], $0x4000  }
0x2a6: {  	[sflag:s11] =	ssyncset.done $0x0  }
0x2a7: {  	[sflag:s11] =	ssyncadd.s32 $0xFFFFC000  }
0x2a8: {  	_ =	swait.ge [sflag:s12], $0x2400  }
0x2a9: {  	s15 =	rddreg [dreg:$0x11]  }
0x2aa: {  	s26 =	rddreg [dreg:$0x10];
	s15 =	sadd.s32 $0x1, s15  }
0x2ab: {  	p0 =	sne.s32 s15, s26  }
.Ltmp17:
0x2ac: {  	_ = 	snop;
	(pc) =	sbr.rel @p0 .LBB2_1-.Ltmp17, $3  }
0x2ad: {  	_ =	sdelay $0x1  }
0x2ae: {  	[sflag:s12] =	ssyncset.done $0x0  }
0x2af: {  	[sflag:s12] =	ssyncadd.s32 $0xFFFFDC00  }
0x2b0: {  	_ =	sfence.sel $0x180000  }
0x2b1: {  	[bflag:$0x0] =	sbarrier.arrive $0xFFFF  }
0x2b2: {  	_ =	strace $0x90000047  }
0x2b3: {  	s0 =	stileid.u32;
	[bflag:$0x2] =	sbarrier.arrive $0xFFFF  }
0x2b4: {  	p0 =	sne.s32 s0, $0x0;
	s0 =	rddreg [dreg:$0x3]  }
0x2b5: {  	s0 =	sadd.s32 @!p0 $0x100000, s0  }
0x2b6: {  	[sflag:s0] =	ssyncadd.tile.s32 @!p0 $0x1;
	_ =	shalt  }
.Lfunc_end2:
_tile_overlayer_lowered:
.L_overlay_start_2:
0x2b7: {  	(tag) =	ssettag $0x2  }
0x2b8: {  	s0 =	rddreg [dreg:$0x0];
	s2 =	stileid.u32  }
0x2b9: {  	s1 =	rddreg [dreg:$0x1];
	p0 =	sne.s32 s2, $0x0  }
0x2ba: {  	s3 =	rddreg [dreg:$0x2];
	[bflag:$0x3] =	sbarrier.arrive $0xFFFF;
	s2 =	simm.s32 @!p0 $0x1C0E  }
0x2bb: {  	[timem:s3], [sflag:s2] =	dma.local @!p0 [hbm:s0], s1  }
0x2bc: {  	s0 =	simm.s32 @!p0 $0xE  }
0x2bd: {  	_ =	swait.ge @!p0 [sflag:s0], s1  }
0x2be: {  	s1 =	ssub.s32 @!p0 $0x0, s1;
	[sflag:s0] =	ssyncset.done @!p0 $0x0  }
0x2bf: {  	[sflag:s0] =	ssyncadd.s32 @!p0 s1  }
0x2c0: {  	[bflag:$0x3] =	sbarrier.arrive $0xFFFF  }
0x2c1: {  	_ =	shalt  }

</sc_bundles>
